<compile_context>
chip_gen: v7x
topology: tpu7x:2x2x1
jax: 0.10.2.dev20260603
libtpu: 0.0.44.dev20260713+nightly
codegen_flags: <defaults>
</compile_context>

<pallas_src>
import functools

import jax
import jax.numpy as jnp
from jax import lax
from jax.experimental import pallas as pl
from jax.experimental.pallas import tpu as pltpu
from jax.experimental.pallas import tpu_sc as plsc

N = 10000
E = 160000
IN, HID, OUT = 256, 512, 256
H = IN // 2

NS = 16
EPT = E // NS
CH = 128
K = 2
NCH = 80
G = NCH // K
EPAD = NCH * CH
RPT = 632
ACC_N = NS * RPT
LAST = NS - 1
RLAST = N - LAST * RPT

_mesh = plsc.VectorSubcoreMesh(core_axis_name="c", subcore_axis_name="s")


@functools.partial(
    pl.kernel,
    out_type=jax.ShapeDtypeStruct((2 * N, H), jnp.float32),
    mesh=_mesh,
    scratch_types=[
        pltpu.VMEM_SHARED((ACC_N, H), jnp.float32),
        pltpu.VMEM((K, CH), jnp.int32),
        pltpu.VMEM((K, CH), jnp.int32),
        pltpu.VMEM((CH, H), jnp.float32),
        pltpu.VMEM((CH, H), jnp.float32),
        pltpu.SemaphoreType.DMA,
        pltpu.SemaphoreType.DMA,
    ],
)
def _seg_sum(tLR, srcp, dstp, z128, agg2,
             acc, src_v, dst_v, rv0, rv1, s0, s1):
    c = lax.axis_index("c")
    s = lax.axis_index("s")
    r0 = s * RPT
    rows = [rv0, rv1]
    sems = [s0, s1]

    pltpu.sync_copy(z128, acc.at[pl.ds(r0, RPT)])
    plsc.subcore_barrier()

    def group(g, carry):
        pltpu.sync_copy(srcp.at[(c * NS + s) * G + g], src_v)
        pltpu.sync_copy(dstp.at[s * G + g], dst_v)
        cps = [pltpu.async_copy(tLR.at[src_v.at[b]], rows[b], sems[b])
               for b in range(K)]
        for b in range(K):
            cps[b].wait()
            pltpu.sync_copy(rows[b], acc.at[dst_v.at[b]], add=True)
        return carry

    lax.fori_loop(0, G, group, 0)
    plsc.subcore_barrier()

    ob = c * N + r0

    @pl.when(s < LAST)
    def _():
        pltpu.sync_copy(acc.at[pl.ds(r0, RPT)], agg2.at[pl.ds(ob, RPT)])

    @pl.when(s == LAST)
    def _():
        pltpu.sync_copy(acc.at[pl.ds(r0, RLAST)], agg2.at[pl.ds(ob, RLAST)])


@functools.partial(
    pl.kernel,
    out_type=jax.ShapeDtypeStruct((2 * N, H), jnp.float32),
    mesh=_mesh,
    scratch_types=[
        pltpu.VMEM_SHARED((ACC_N, H), jnp.float32),
        pltpu.VMEM((K, CH), jnp.int32),
        pltpu.VMEM((CH, H), jnp.float32),
    ],
)
def _deg_both(dstp2, z128, ones128, deg2,
              degacc, dst_v, ones_v):
    c = lax.axis_index("c")
    s = lax.axis_index("s")
    r0 = s * RPT

    pltpu.sync_copy(z128, degacc.at[pl.ds(r0, RPT)])
    pltpu.sync_copy(ones128, ones_v)
    plsc.subcore_barrier()

    def group(g, carry):
        pltpu.sync_copy(dstp2.at[(c * NS + s) * G + g], dst_v)
        for b in range(K):
            pltpu.sync_copy(ones_v, degacc.at[dst_v.at[b]], add=True)
        return carry

    lax.fori_loop(0, G, group, 0)
    plsc.subcore_barrier()

    ob = c * N + r0

    @pl.when(s < LAST)
    def _():
        pltpu.sync_copy(degacc.at[pl.ds(r0, RPT)], deg2.at[pl.ds(ob, RPT)])

    @pl.when(s == LAST)
    def _():
        pltpu.sync_copy(degacc.at[pl.ds(r0, RLAST)], deg2.at[pl.ds(ob, RLAST)])


BM = 1000
NB = N // BM


def _tc_main_body(x, a0L, a0R, a1L, a1R, d0, d1, W1s, W1n0, W1n1, b1, W2, b2,
                  hs, y0L, y0R, y1L, y1R):
    i0 = 1.0 / jnp.maximum(d0[:, :1], 1.0)
    i1 = 1.0 / jnp.maximum(d1[:, :1], 1.0)
    a0 = jnp.concatenate([a0L[...], a0R[...]], axis=1) * i0
    a1 = jnp.concatenate([a1L[...], a1R[...]], axis=1) * i1
    h = (jnp.dot(x[...], W1s[...], preferred_element_type=jnp.float32)
         + jnp.dot(a0, W1n0[...], preferred_element_type=jnp.float32)
         + jnp.dot(a1, W1n1[...], preferred_element_type=jnp.float32)
         + b1[...])
    h = jnp.maximum(h, 0.0)
    t2 = jnp.dot(h, W2[...], preferred_element_type=jnp.float32)
    hs[...] = t2[:, :OUT] + b2[...]
    y0L[...] = t2[:, OUT:OUT + H]
    y0R[...] = t2[:, OUT + H:2 * OUT]
    y1L[...] = t2[:, 2 * OUT:2 * OUT + H]
    y1R[...] = t2[:, 2 * OUT + H:]


def _tc_final_body(hs, a0L, a0R, a1L, a1R, d0, d1, out):
    i0 = 1.0 / jnp.maximum(d0[:, :1], 1.0)
    i1 = 1.0 / jnp.maximum(d1[:, :1], 1.0)
    add = jnp.concatenate(
        [a0L[...] * i0 + a1L[...] * i1, a0R[...] * i0 + a1R[...] * i1], axis=1)
    out[...] = jnp.maximum(hs[...] + add, 0.0)


def _rowL(w):
    return pl.BlockSpec((BM, w), lambda i: (i, 0))


def _rowR(w):
    return pl.BlockSpec((BM, w), lambda i: (i + NB, 0))


def _full_spec(shape):
    return pl.BlockSpec(shape, lambda i: (0,) * len(shape))


def _prep_edges(edge_index):
    src = edge_index[0].reshape(NS, EPT)
    dst = edge_index[1].reshape(NS, EPT)
    src = jnp.pad(src, ((0, 0), (0, EPAD - EPT)))
    dst = jnp.pad(dst, ((0, 0), (0, EPAD - EPT)), constant_values=N)
    src = src.reshape(NS, G, K, CH)
    srcb = jnp.concatenate([src, src + N], axis=0)
    return srcb.reshape(2 * NS * G, K, CH), dst.reshape(NS * G, K, CH)


def kernel(x, edge_index_rel0, edge_index_rel1,
           Ws1_0, Wn1_0, b1_0, Ws1_1, Wn1_1, b1_1,
           Ws2_0, Wn2_0, b2_0, Ws2_1, Wn2_1, b2_1):
    src0, dst0 = _prep_edges(edge_index_rel0)
    src1, dst1 = _prep_edges(edge_index_rel1)
    xLR = jnp.concatenate([x[:, :H], x[:, H:]], axis=0)
    z128 = jnp.zeros((RPT, H), jnp.float32)
    ones128 = jnp.ones((CH, H), jnp.float32)

    deg2 = _deg_both(jnp.concatenate([dst0, dst1], axis=0), z128, ones128)
    agg0 = _seg_sum(xLR, src0, dst0, z128)
    agg1 = _seg_sum(xLR, src1, dst1, z128)

    W1s = Ws1_0 + Ws1_1
    b1 = (b1_0 + b1_1).reshape(1, HID)
    W2 = jnp.concatenate([Ws2_0 + Ws2_1, Wn2_0, Wn2_1], axis=1)
    b2 = (b2_0 + b2_1).reshape(1, OUT)

    grid = (NB,)
    hs, y0L, y0R, y1L, y1R = pl.pallas_call(
        _tc_main_body,
        grid=grid,
        in_specs=[
            _rowL(IN), _rowL(H), _rowR(H), _rowL(H), _rowR(H),
            _rowL(H), _rowR(H),
            _full_spec((IN, HID)), _full_spec((IN, HID)), _full_spec((IN, HID)),
            _full_spec((1, HID)), _full_spec((HID, 3 * OUT)),
            _full_spec((1, OUT)),
        ],
        out_specs=[_rowL(OUT), _rowL(H), _rowL(H), _rowL(H), _rowL(H)],
        out_shape=[
            jax.ShapeDtypeStruct((N, OUT), jnp.float32),
            jax.ShapeDtypeStruct((N, H), jnp.float32),
            jax.ShapeDtypeStruct((N, H), jnp.float32),
            jax.ShapeDtypeStruct((N, H), jnp.float32),
            jax.ShapeDtypeStruct((N, H), jnp.float32),
        ],
    )(x, agg0, agg0, agg1, agg1, deg2, deg2, W1s, Wn1_0, Wn1_1, b1, W2, b2)

    y0 = jnp.concatenate([y0L, y0R], axis=0)
    y1 = jnp.concatenate([y1L, y1R], axis=0)
    agg20 = _seg_sum(y0, src0, dst0, z128)
    agg21 = _seg_sum(y1, src1, dst1, z128)

    out = pl.pallas_call(
        _tc_final_body,
        grid=grid,
        in_specs=[_rowL(OUT), _rowL(H), _rowR(H), _rowL(H), _rowR(H),
                  _rowL(H), _rowR(H)],
        out_specs=_rowL(OUT),
        out_shape=jax.ShapeDtypeStruct((N, OUT), jnp.float32),
    )(hs, agg20, agg20, agg21, agg21, deg2, deg2)
    return out

# --- scband reference (transcript-rebuilt; emitter-appended) ---
"""Pipeline reference for scband-sagelayer-20418274525856 (READ-ONLY COPY).

The authoritative reference and input builder live on the scoring server;
editing this copy changes nothing except your own understanding.
"""

import jax, jax.numpy as jnp
import numpy as np

N = 10000
E = 160000
IN, HID, OUT = 256, 512, 256


def setup_inputs(seed: int = 0) -> dict:
    key = jax.random.key(seed)
    ks = jax.random.split(key, 16)
    inp = {}
    inp["x"] = jax.random.normal(ks[0], (N, IN), dtype=jnp.float32)
    inp["edge_index_rel0"] = jax.random.randint(ks[1], (2, E), 0, N)
    inp["edge_index_rel1"] = jax.random.randint(ks[2], (2, E), 0, N)
    # Layer 1 (in->hid) SAGEConv params per relation: fc_self, fc_neigh, bias
    s1 = 1.0 / np.sqrt(IN)
    inp["Ws1_0"] = jax.random.normal(ks[3], (IN, HID), dtype=jnp.float32) * s1
    inp["Wn1_0"] = jax.random.normal(ks[4], (IN, HID), dtype=jnp.float32) * s1
    inp["b1_0"] = jnp.zeros((HID,), dtype=jnp.float32)
    inp["Ws1_1"] = jax.random.normal(ks[5], (IN, HID), dtype=jnp.float32) * s1
    inp["Wn1_1"] = jax.random.normal(ks[6], (IN, HID), dtype=jnp.float32) * s1
    inp["b1_1"] = jnp.zeros((HID,), dtype=jnp.float32)
    # Layer 2 (hid->out) SAGEConv params per relation
    s2 = 1.0 / np.sqrt(HID)
    inp["Ws2_0"] = jax.random.normal(ks[7], (HID, OUT), dtype=jnp.float32) * s2
    inp["Wn2_0"] = jax.random.normal(ks[8], (HID, OUT), dtype=jnp.float32) * s2
    inp["b2_0"] = jnp.zeros((OUT,), dtype=jnp.float32)
    inp["Ws2_1"] = jax.random.normal(ks[9], (HID, OUT), dtype=jnp.float32) * s2
    inp["Wn2_1"] = jax.random.normal(ks[10], (HID, OUT), dtype=jnp.float32) * s2
    inp["b2_1"] = jnp.zeros((OUT,), dtype=jnp.float32)
    return inp


def _sage_conv(h, edge_index, W_self, W_neigh, b):
    # DGL SAGEConv with 'mean' aggregator: fc_self(h_dst) + fc_neigh(mean_{src->dst} h_src) + b
    src = edge_index[0]
    dst = edge_index[1]
    msg = jnp.take(h, src, axis=0)
    agg = jax.ops.segment_sum(msg, dst, num_segments=N)
    deg = jax.ops.segment_sum(jnp.ones_like(dst, dtype=h.dtype), dst, num_segments=N)
    h_neigh = agg / jnp.maximum(deg, 1.0)[:, None]
    return h @ W_self + h_neigh @ W_neigh + b


def reference(x, edge_index_rel0, edge_index_rel1,
              Ws1_0, Wn1_0, b1_0, Ws1_1, Wn1_1, b1_1,
              Ws2_0, Wn2_0, b2_0, Ws2_1, Wn2_1, b2_1):
    # HeteroGraphConv(aggregate='sum') over two relations, layer 1
    h = _sage_conv(x, edge_index_rel0, Ws1_0, Wn1_0, b1_0) \
        + _sage_conv(x, edge_index_rel1, Ws1_1, Wn1_1, b1_1)
    h = jax.nn.relu(h)
    # dropout(p=0.2) is identity in eval mode
    h = _sage_conv(h, edge_index_rel0, Ws2_0, Wn2_0, b2_0) \
        + _sage_conv(h, edge_index_rel1, Ws2_1, Wn2_1, b2_1)
    return jax.nn.relu(h)

if __name__ == "__main__":
    import jax
    _d = setup_inputs()
    print(jax.jit(kernel)(*tuple(_d.values())))

</pallas_src>

<mosaic_0001>
#map = affine_map<(d0, d1) -> (0, 0)>
#map1 = affine_map<(d0, d1) -> (0, 0, 0)>
module attributes {stable_mosaic.version = 14 : i64} {
  func.func @_seg_sum(%arg0: i32, %arg1: i32, %arg2: memref<20000x128xf32, #tpu.memory_space<hbm>>, %arg3: memref<1280x2x128xi32, #tpu.memory_space<hbm>>, %arg4: memref<640x2x128xi32, #tpu.memory_space<hbm>>, %arg5: memref<632x128xf32, #tpu.memory_space<hbm>>, %arg6: memref<20000x128xf32, #tpu.memory_space<hbm>>, %arg7: memref<10112x128xf32, #tpu.memory_space<vmem_shared>>, %arg8: memref<2x128xi32, #tpu.memory_space<vmem>>, %arg9: memref<2x128xi32, #tpu.memory_space<vmem>>, %arg10: memref<128x128xf32, #tpu.memory_space<vmem>>, %arg11: memref<128x128xf32, #tpu.memory_space<vmem>>, %arg12: memref<!tpu.dma_semaphore, #tpu.memory_space<semaphore_mem>>, %arg13: memref<!tpu.dma_semaphore, #tpu.memory_space<semaphore_mem>>) attributes {dimension_semantics = [#tpu.dimension_semantics<core_parallel>, #tpu.dimension_semantics<subcore_parallel>], iteration_bounds = array<i64: 2, 16>, scalar_prefetch = 0 : i64, scratch_operands = 7 : i64, tpu.core_type = #tpu.core_type<sc_vector_subcore>, window_params = [{transform_indices = #map}, {transform_indices = #map1}, {transform_indices = #map1}, {transform_indices = #map}, {transform_indices = #map}]} {
    %mul3A = arith.constant 632 : i32
    %mul3A_0 = arith.muli %arg1, %mul3A : i32
    "tpu.region"() ({
      %run_scoped3A = tpu.sem_alloc : memref<!tpu.dma_semaphore, #tpu.memory_space<semaphore_mem>>
      %dma_start3A = arith.constant 0 : i32
      %dma_start3A_15 = tpu.memref_slice %arg7[%mul3A_0, %dma_start3A] : memref<10112x128xf32, #tpu.memory_space<vmem_shared>> -> memref<632x128xf32, #tpu.memory_space<vmem_shared>>
      tpu.enqueue_dma source(%arg5 : memref<632x128xf32, #tpu.memory_space<hbm>>) target(%dma_start3A_15 : memref<632x128xf32, #tpu.memory_space<vmem_shared>>) target_semaphore(%run_scoped3A : memref<!tpu.dma_semaphore, #tpu.memory_space<semaphore_mem>>)
      %dma_wait3A = arith.constant 0 : i32
      %dma_wait3A_16 = tpu.memref_slice %arg7[%mul3A_0, %dma_wait3A] : memref<10112x128xf32, #tpu.memory_space<vmem_shared>> -> memref<632x128xf32, #tpu.memory_space<vmem_shared>>
      tpu.wait_dma2 semaphore(%run_scoped3A : memref<!tpu.dma_semaphore, #tpu.memory_space<semaphore_mem>>) src(%arg5 : memref<632x128xf32, #tpu.memory_space<hbm>>) dst(%dma_wait3A_16 : memref<632x128xf32, #tpu.memory_space<vmem_shared>>)
      tpu.yield
    }) : () -> ()
    %barrier3A = arith.constant 0 : index
    tpu.barrier barrier_id(%barrier3A)
    %scan3A = arith.constant 0 : i32
    %scan3A_1 = arith.constant 0 : i32
    %scan3A_2 = arith.constant 40 : i32
    %scan3A_3 = arith.addi %scan3A_1, %scan3A_2 : i32
    %scan3A_4 = arith.constant 1 : i32
    scf.for %scan3A_15 = %scan3A_1 to %scan3A_3 step %scan3A_4  : i32 {
      %mul3A_16 = arith.constant 16 : i32
      %mul3A_17 = arith.muli %arg0, %mul3A_16 : i32
      %add3A_18 = arith.addi %mul3A_17, %arg1 : i32
      %mul3A_19 = arith.constant 40 : i32
      %mul3A_20 = arith.muli %add3A_18, %mul3A_19 : i32
      %add3A_21 = arith.addi %mul3A_20, %scan3A_15 : i32
      "tpu.region"() ({
        %run_scoped3A_52 = tpu.sem_alloc : memref<!tpu.dma_semaphore, #tpu.memory_space<semaphore_mem>>
        %dma_start3A_53 = arith.constant 0 : i32
        %dma_start3A_54 = arith.constant 0 : i32
        %dma_start3A_55 = tpu.memref_slice %arg3[%add3A_21, %dma_start3A_53, %dma_start3A_54] : memref<1280x2x128xi32, #tpu.memory_space<hbm>> -> memref<1x2x128xi32, #tpu.memory_space<hbm>>
        %dma_start3A_56 = tpu.memref_squeeze %dma_start3A_55 : memref<1x2x128xi32, #tpu.memory_space<hbm>> -> memref<2x128xi32, #tpu.memory_space<hbm>>
        %dma_start3A_57 = arith.constant 0 : i32
        %dma_start3A_58 = arith.constant 0 : i32
        %dma_start3A_59 = tpu.memref_slice %arg3[%add3A_21, %dma_start3A_57, %dma_start3A_58] : memref<1280x2x128xi32, #tpu.memory_space<hbm>> -> memref<1x2x128xi32, #tpu.memory_space<hbm>>
        %dma_start3A_60 = tpu.memref_squeeze %dma_start3A_59 : memref<1x2x128xi32, #tpu.memory_space<hbm>> -> memref<2x128xi32, #tpu.memory_space<hbm>>
        tpu.enqueue_dma source(%dma_start3A_60 : memref<2x128xi32, #tpu.memory_space<hbm>>) target(%arg8 : memref<2x128xi32, #tpu.memory_space<vmem>>) target_semaphore(%run_scoped3A_52 : memref<!tpu.dma_semaphore, #tpu.memory_space<semaphore_mem>>)
        %dma_wait3A_61 = arith.constant 0 : i32
        %dma_wait3A_62 = arith.constant 0 : i32
        %dma_wait3A_63 = tpu.memref_slice %arg3[%add3A_21, %dma_wait3A_61, %dma_wait3A_62] : memref<1280x2x128xi32, #tpu.memory_space<hbm>> -> memref<1x2x128xi32, #tpu.memory_space<hbm>>
        %dma_wait3A_64 = tpu.memref_squeeze %dma_wait3A_63 : memref<1x2x128xi32, #tpu.memory_space<hbm>> -> memref<2x128xi32, #tpu.memory_space<hbm>>
        %dma_wait3A_65 = arith.constant 0 : i32
        %dma_wait3A_66 = arith.constant 0 : i32
        %dma_wait3A_67 = tpu.memref_slice %arg3[%add3A_21, %dma_wait3A_65, %dma_wait3A_66] : memref<1280x2x128xi32, #tpu.memory_space<hbm>> -> memref<1x2x128xi32, #tpu.memory_space<hbm>>
        %dma_wait3A_68 = tpu.memref_squeeze %dma_wait3A_67 : memref<1x2x128xi32, #tpu.memory_space<hbm>> -> memref<2x128xi32, #tpu.memory_space<hbm>>
        tpu.wait_dma2 semaphore(%run_scoped3A_52 : memref<!tpu.dma_semaphore, #tpu.memory_space<semaphore_mem>>) src(%dma_wait3A_68 : memref<2x128xi32, #tpu.memory_space<hbm>>) dst(%arg8 : memref<2x128xi32, #tpu.memory_space<vmem>>)
        tpu.yield
      }) : () -> ()
      %mul3A_22 = arith.constant 40 : i32
      %mul3A_23 = arith.muli %arg1, %mul3A_22 : i32
      %add3A_24 = arith.addi %mul3A_23, %scan3A_15 : i32
      "tpu.region"() ({
        %run_scoped3A_52 = tpu.sem_alloc : memref<!tpu.dma_semaphore, #tpu.memory_space<semaphore_mem>>
        %dma_start3A_53 = arith.constant 0 : i32
        %dma_start3A_54 = arith.constant 0 : i32
        %dma_start3A_55 = tpu.memref_slice %arg4[%add3A_24, %dma_start3A_53, %dma_start3A_54] : memref<640x2x128xi32, #tpu.memory_space<hbm>> -> memref<1x2x128xi32, #tpu.memory_space<hbm>>
        %dma_start3A_56 = tpu.memref_squeeze %dma_start3A_55 : memref<1x2x128xi32, #tpu.memory_space<hbm>> -> memref<2x128xi32, #tpu.memory_space<hbm>>
        %dma_start3A_57 = arith.constant 0 : i32
        %dma_start3A_58 = arith.constant 0 : i32
        %dma_start3A_59 = tpu.memref_slice %arg4[%add3A_24, %dma_start3A_57, %dma_start3A_58] : memref<640x2x128xi32, #tpu.memory_space<hbm>> -> memref<1x2x128xi32, #tpu.memory_space<hbm>>
        %dma_start3A_60 = tpu.memref_squeeze %dma_start3A_59 : memref<1x2x128xi32, #tpu.memory_space<hbm>> -> memref<2x128xi32, #tpu.memory_space<hbm>>
        tpu.enqueue_dma source(%dma_start3A_60 : memref<2x128xi32, #tpu.memory_space<hbm>>) target(%arg9 : memref<2x128xi32, #tpu.memory_space<vmem>>) target_semaphore(%run_scoped3A_52 : memref<!tpu.dma_semaphore, #tpu.memory_space<semaphore_mem>>)
        %dma_wait3A_61 = arith.constant 0 : i32
        %dma_wait3A_62 = arith.constant 0 : i32
        %dma_wait3A_63 = tpu.memref_slice %arg4[%add3A_24, %dma_wait3A_61, %dma_wait3A_62] : memref<640x2x128xi32, #tpu.memory_space<hbm>> -> memref<1x2x128xi32, #tpu.memory_space<hbm>>
        %dma_wait3A_64 = tpu.memref_squeeze %dma_wait3A_63 : memref<1x2x128xi32, #tpu.memory_space<hbm>> -> memref<2x128xi32, #tpu.memory_space<hbm>>
        %dma_wait3A_65 = arith.constant 0 : i32
        %dma_wait3A_66 = arith.constant 0 : i32
        %dma_wait3A_67 = tpu.memref_slice %arg4[%add3A_24, %dma_wait3A_65, %dma_wait3A_66] : memref<640x2x128xi32, #tpu.memory_space<hbm>> -> memref<1x2x128xi32, #tpu.memory_space<hbm>>
        %dma_wait3A_68 = tpu.memref_squeeze %dma_wait3A_67 : memref<1x2x128xi32, #tpu.memory_space<hbm>> -> memref<2x128xi32, #tpu.memory_space<hbm>>
        tpu.wait_dma2 semaphore(%run_scoped3A_52 : memref<!tpu.dma_semaphore, #tpu.memory_space<semaphore_mem>>) src(%dma_wait3A_68 : memref<2x128xi32, #tpu.memory_space<hbm>>) dst(%arg9 : memref<2x128xi32, #tpu.memory_space<vmem>>)
        tpu.yield
      }) : () -> ()
      %dma_start3A = arith.constant 0 : i32
      %dma_start3A_25 = arith.constant 0 : i32
      %dma_start3A_26 = tpu.memref_slice %arg8[%dma_start3A, %dma_start3A_25] : memref<2x128xi32, #tpu.memory_space<vmem>> -> memref<1x128xi32, #tpu.memory_space<vmem>>
      %dma_start3A_27 = tpu.memref_squeeze %dma_start3A_26 : memref<1x128xi32, #tpu.memory_space<vmem>> -> memref<128xi32, #tpu.memory_space<vmem>>
      %dma_start3A_28 = arith.constant 0 : i32
      %dma_start3A_29 = arith.constant 0 : i32
      %dma_start3A_30 = tpu.memref_slice %arg2[%dma_start3A_28, %dma_start3A_29] : memref<20000x128xf32, #tpu.memory_space<hbm>> -> memref<20000x128xf32, #tpu.memory_space<hbm>>
      tpu.enqueue_indirect_dma source(%dma_start3A_30 : memref<20000x128xf32, #tpu.memory_space<hbm>>) target(%arg10 : memref<128x128xf32, #tpu.memory_space<vmem>>) offsets(%dma_start3A_27 : memref<128xi32, #tpu.memory_space<vmem>>) semaphore(%arg12 : memref<!tpu.dma_semaphore, #tpu.memory_space<semaphore_mem>>)
      %dma_start3A_31 = arith.constant 1 : i32
      %dma_start3A_32 = arith.constant 0 : i32
      %dma_start3A_33 = tpu.memref_slice %arg8[%dma_start3A_31, %dma_start3A_32] : memref<2x128xi32, #tpu.memory_space<vmem>> -> memref<1x128xi32, #tpu.memory_space<vmem>>
      %dma_start3A_34 = tpu.memref_squeeze %dma_start3A_33 : memref<1x128xi32, #tpu.memory_space<vmem>> -> memref<128xi32, #tpu.memory_space<vmem>>
      %dma_start3A_35 = arith.constant 0 : i32
      %dma_start3A_36 = arith.constant 0 : i32
      %dma_start3A_37 = tpu.memref_slice %arg2[%dma_start3A_35, %dma_start3A_36] : memref<20000x128xf32, #tpu.memory_space<hbm>> -> memref<20000x128xf32, #tpu.memory_space<hbm>>
      tpu.enqueue_indirect_dma source(%dma_start3A_37 : memref<20000x128xf32, #tpu.memory_space<hbm>>) target(%arg11 : memref<128x128xf32, #tpu.memory_space<vmem>>) offsets(%dma_start3A_34 : memref<128xi32, #tpu.memory_space<vmem>>) semaphore(%arg13 : memref<!tpu.dma_semaphore, #tpu.memory_space<semaphore_mem>>)
      %dma_wait3A = arith.constant 0 : i32
      %dma_wait3A_38 = arith.constant 0 : i32
      %dma_wait3A_39 = tpu.memref_slice %arg8[%dma_wait3A, %dma_wait3A_38] : memref<2x128xi32, #tpu.memory_space<vmem>> -> memref<1x128xi32, #tpu.memory_space<vmem>>
      %dma_wait3A_40 = tpu.memref_squeeze %dma_wait3A_39 : memref<1x128xi32, #tpu.memory_space<vmem>> -> memref<128xi32, #tpu.memory_space<vmem>>
      %dma_wait3A_41 = arith.constant 0 : i32
      %dma_wait3A_42 = arith.constant 0 : i32
      %dma_wait3A_43 = tpu.memref_slice %arg2[%dma_wait3A_41, %dma_wait3A_42] : memref<20000x128xf32, #tpu.memory_space<hbm>> -> memref<20000x128xf32, #tpu.memory_space<hbm>>
      tpu.wait_indirect_dma semaphore(%arg12 : memref<!tpu.dma_semaphore, #tpu.memory_space<semaphore_mem>>) src(%dma_wait3A_43 : memref<20000x128xf32, #tpu.memory_space<hbm>>) dst(%arg10 : memref<128x128xf32, #tpu.memory_space<vmem>>)
      %run_scoped3A = arith.constant 0 : i32
      "tpu.region"() ({
        %run_scoped3A_52 = tpu.sem_alloc : memref<!tpu.dma_semaphore, #tpu.memory_space<semaphore_mem>>
        %dma_start3A_53 = arith.constant 0 : i32
        %dma_start3A_54 = tpu.memref_slice %arg9[%run_scoped3A, %dma_start3A_53] : memref<2x128xi32, #tpu.memory_space<vmem>> -> memref<1x128xi32, #tpu.memory_space<vmem>>
        %dma_start3A_55 = tpu.memref_squeeze %dma_start3A_54 : memref<1x128xi32, #tpu.memory_space<vmem>> -> memref<128xi32, #tpu.memory_space<vmem>>
        %dma_start3A_56 = arith.constant 0 : i32
        %dma_start3A_57 = arith.constant 0 : i32
        %dma_start3A_58 = tpu.memref_slice %arg7[%dma_start3A_56, %dma_start3A_57] : memref<10112x128xf32, #tpu.memory_space<vmem_shared>> -> memref<10112x128xf32, #tpu.memory_space<vmem_shared>>
        tpu.enqueue_indirect_dma source(%arg10 : memref<128x128xf32, #tpu.memory_space<vmem>>) target(%dma_start3A_58 : memref<10112x128xf32, #tpu.memory_space<vmem_shared>>) offsets(%dma_start3A_55 : memref<128xi32, #tpu.memory_space<vmem>>) semaphore(%run_scoped3A_52 : memref<!tpu.dma_semaphore, #tpu.memory_space<semaphore_mem>>) {add = true}
        %dma_wait3A_59 = arith.constant 0 : i32
        %dma_wait3A_60 = tpu.memref_slice %arg9[%run_scoped3A, %dma_wait3A_59] : memref<2x128xi32, #tpu.memory_space<vmem>> -> memref<1x128xi32, #tpu.memory_space<vmem>>
        %dma_wait3A_61 = tpu.memref_squeeze %dma_wait3A_60 : memref<1x128xi32, #tpu.memory_space<vmem>> -> memref<128xi32, #tpu.memory_space<vmem>>
        %dma_wait3A_62 = arith.constant 0 : i32
        %dma_wait3A_63 = arith.constant 0 : i32
        %dma_wait3A_64 = tpu.memref_slice %arg7[%dma_wait3A_62, %dma_wait3A_63] : memref<10112x128xf32, #tpu.memory_space<vmem_shared>> -> memref<10112x128xf32, #tpu.memory_space<vmem_shared>>
        tpu.wait_indirect_dma semaphore(%run_scoped3A_52 : memref<!tpu.dma_semaphore, #tpu.memory_space<semaphore_mem>>) src(%arg10 : memref<128x128xf32, #tpu.memory_space<vmem>>) dst(%dma_wait3A_64 : memref<10112x128xf32, #tpu.memory_space<vmem_shared>>)
        tpu.yield
      }) : () -> ()
      %dma_wait3A_44 = arith.constant 1 : i32
      %dma_wait3A_45 = arith.constant 0 : i32
      %dma_wait3A_46 = tpu.memref_slice %arg8[%dma_wait3A_44, %dma_wait3A_45] : memref<2x128xi32, #tpu.memory_space<vmem>> -> memref<1x128xi32, #tpu.memory_space<vmem>>
      %dma_wait3A_47 = tpu.memref_squeeze %dma_wait3A_46 : memref<1x128xi32, #tpu.memory_space<vmem>> -> memref<128xi32, #tpu.memory_space<vmem>>
      %dma_wait3A_48 = arith.constant 0 : i32
      %dma_wait3A_49 = arith.constant 0 : i32
      %dma_wait3A_50 = tpu.memref_slice %arg2[%dma_wait3A_48, %dma_wait3A_49] : memref<20000x128xf32, #tpu.memory_space<hbm>> -> memref<20000x128xf32, #tpu.memory_space<hbm>>
      tpu.wait_indirect_dma semaphore(%arg13 : memref<!tpu.dma_semaphore, #tpu.memory_space<semaphore_mem>>) src(%dma_wait3A_50 : memref<20000x128xf32, #tpu.memory_space<hbm>>) dst(%arg11 : memref<128x128xf32, #tpu.memory_space<vmem>>)
      %run_scoped3A_51 = arith.constant 1 : i32
      "tpu.region"() ({
        %run_scoped3A_52 = tpu.sem_alloc : memref<!tpu.dma_semaphore, #tpu.memory_space<semaphore_mem>>
        %dma_start3A_53 = arith.constant 0 : i32
        %dma_start3A_54 = tpu.memref_slice %arg9[%run_scoped3A_51, %dma_start3A_53] : memref<2x128xi32, #tpu.memory_space<vmem>> -> memref<1x128xi32, #tpu.memory_space<vmem>>
        %dma_start3A_55 = tpu.memref_squeeze %dma_start3A_54 : memref<1x128xi32, #tpu.memory_space<vmem>> -> memref<128xi32, #tpu.memory_space<vmem>>
        %dma_start3A_56 = arith.constant 0 : i32
        %dma_start3A_57 = arith.constant 0 : i32
        %dma_start3A_58 = tpu.memref_slice %arg7[%dma_start3A_56, %dma_start3A_57] : memref<10112x128xf32, #tpu.memory_space<vmem_shared>> -> memref<10112x128xf32, #tpu.memory_space<vmem_shared>>
        tpu.enqueue_indirect_dma source(%arg11 : memref<128x128xf32, #tpu.memory_space<vmem>>) target(%dma_start3A_58 : memref<10112x128xf32, #tpu.memory_space<vmem_shared>>) offsets(%dma_start3A_55 : memref<128xi32, #tpu.memory_space<vmem>>) semaphore(%run_scoped3A_52 : memref<!tpu.dma_semaphore, #tpu.memory_space<semaphore_mem>>) {add = true}
        %dma_wait3A_59 = arith.constant 0 : i32
        %dma_wait3A_60 = tpu.memref_slice %arg9[%run_scoped3A_51, %dma_wait3A_59] : memref<2x128xi32, #tpu.memory_space<vmem>> -> memref<1x128xi32, #tpu.memory_space<vmem>>
        %dma_wait3A_61 = tpu.memref_squeeze %dma_wait3A_60 : memref<1x128xi32, #tpu.memory_space<vmem>> -> memref<128xi32, #tpu.memory_space<vmem>>
        %dma_wait3A_62 = arith.constant 0 : i32
        %dma_wait3A_63 = arith.constant 0 : i32
        %dma_wait3A_64 = tpu.memref_slice %arg7[%dma_wait3A_62, %dma_wait3A_63] : memref<10112x128xf32, #tpu.memory_space<vmem_shared>> -> memref<10112x128xf32, #tpu.memory_space<vmem_shared>>
        tpu.wait_indirect_dma semaphore(%run_scoped3A_52 : memref<!tpu.dma_semaphore, #tpu.memory_space<semaphore_mem>>) src(%arg11 : memref<128x128xf32, #tpu.memory_space<vmem>>) dst(%dma_wait3A_64 : memref<10112x128xf32, #tpu.memory_space<vmem_shared>>)
        tpu.yield
      }) : () -> ()
    }
    %scan3A_5 = arith.constant 40 : i32
    %barrier3A_6 = arith.constant 0 : index
    tpu.barrier barrier_id(%barrier3A_6)
    %mul3A_7 = arith.constant 10000 : i32
    %mul3A_8 = arith.muli %arg0, %mul3A_7 : i32
    %add3A = arith.addi %mul3A_8, %mul3A_0 : i32
    %lt3A = arith.constant 15 : i32
    %lt3A_9 = arith.cmpi slt, %arg1, %lt3A : i32
    %convert_element_type3A = arith.extui %lt3A_9 : i1 to i32
    %cond3A = arith.constant 0 : i32
    %cond3A_10 = arith.cmpi ne, %convert_element_type3A, %cond3A : i32
    scf.if %cond3A_10 {
      "tpu.region"() ({
        %run_scoped3A = tpu.sem_alloc : memref<!tpu.dma_semaphore, #tpu.memory_space<semaphore_mem>>
        %dma_start3A = arith.constant 0 : i32
        %dma_start3A_15 = tpu.memref_slice %arg6[%add3A, %dma_start3A] : memref<20000x128xf32, #tpu.memory_space<hbm>> -> memref<632x128xf32, #tpu.memory_space<hbm>>
        %dma_start3A_16 = arith.constant 0 : i32
        %dma_start3A_17 = tpu.memref_slice %arg7[%mul3A_0, %dma_start3A_16] : memref<10112x128xf32, #tpu.memory_space<vmem_shared>> -> memref<632x128xf32, #tpu.memory_space<vmem_shared>>
        tpu.enqueue_dma source(%dma_start3A_17 : memref<632x128xf32, #tpu.memory_space<vmem_shared>>) target(%dma_start3A_15 : memref<632x128xf32, #tpu.memory_space<hbm>>) target_semaphore(%run_scoped3A : memref<!tpu.dma_semaphore, #tpu.memory_space<semaphore_mem>>)
        %dma_wait3A = arith.constant 0 : i32
        %dma_wait3A_18 = tpu.memref_slice %arg6[%add3A, %dma_wait3A] : memref<20000x128xf32, #tpu.memory_space<hbm>> -> memref<632x128xf32, #tpu.memory_space<hbm>>
        %dma_wait3A_19 = arith.constant 0 : i32
        %dma_wait3A_20 = tpu.memref_slice %arg7[%mul3A_0, %dma_wait3A_19] : memref<10112x128xf32, #tpu.memory_space<vmem_shared>> -> memref<632x128xf32, #tpu.memory_space<vmem_shared>>
        tpu.wait_dma2 semaphore(%run_scoped3A : memref<!tpu.dma_semaphore, #tpu.memory_space<semaphore_mem>>) src(%dma_wait3A_20 : memref<632x128xf32, #tpu.memory_space<vmem_shared>>) dst(%dma_wait3A_18 : memref<632x128xf32, #tpu.memory_space<hbm>>)
        tpu.yield
      }) : () -> ()
    } else {
    }
    %eq3A = arith.constant 15 : i32
    %eq3A_11 = arith.cmpi eq, %arg1, %eq3A : i32
    %convert_element_type3A_12 = arith.extui %eq3A_11 : i1 to i32
    %cond3A_13 = arith.constant 0 : i32
    %cond3A_14 = arith.cmpi ne, %convert_element_type3A_12, %cond3A_13 : i32
    scf.if %cond3A_14 {
      "tpu.region"() ({
        %run_scoped3A = tpu.sem_alloc : memref<!tpu.dma_semaphore, #tpu.memory_space<semaphore_mem>>
        %dma_start3A = arith.constant 0 : i32
        %dma_start3A_15 = tpu.memref_slice %arg6[%add3A, %dma_start3A] : memref<20000x128xf32, #tpu.memory_space<hbm>> -> memref<520x128xf32, #tpu.memory_space<hbm>>
        %dma_start3A_16 = arith.constant 0 : i32
        %dma_start3A_17 = tpu.memref_slice %arg7[%mul3A_0, %dma_start3A_16] : memref<10112x128xf32, #tpu.memory_space<vmem_shared>> -> memref<520x128xf32, #tpu.memory_space<vmem_shared>>
        tpu.enqueue_dma source(%dma_start3A_17 : memref<520x128xf32, #tpu.memory_space<vmem_shared>>) target(%dma_start3A_15 : memref<520x128xf32, #tpu.memory_space<hbm>>) target_semaphore(%run_scoped3A : memref<!tpu.dma_semaphore, #tpu.memory_space<semaphore_mem>>)
        %dma_wait3A = arith.constant 0 : i32
        %dma_wait3A_18 = tpu.memref_slice %arg6[%add3A, %dma_wait3A] : memref<20000x128xf32, #tpu.memory_space<hbm>> -> memref<520x128xf32, #tpu.memory_space<hbm>>
        %dma_wait3A_19 = arith.constant 0 : i32
        %dma_wait3A_20 = tpu.memref_slice %arg7[%mul3A_0, %dma_wait3A_19] : memref<10112x128xf32, #tpu.memory_space<vmem_shared>> -> memref<520x128xf32, #tpu.memory_space<vmem_shared>>
        tpu.wait_dma2 semaphore(%run_scoped3A : memref<!tpu.dma_semaphore, #tpu.memory_space<semaphore_mem>>) src(%dma_wait3A_20 : memref<520x128xf32, #tpu.memory_space<vmem_shared>>) dst(%dma_wait3A_18 : memref<520x128xf32, #tpu.memory_space<hbm>>)
        tpu.yield
      }) : () -> ()
    } else {
    }
    return
  }
}

#map = affine_map<(d0, d1) -> (0, 0, 0)>
#map1 = affine_map<(d0, d1) -> (0, 0)>
module attributes {stable_mosaic.version = 14 : i64} {
  func.func @_deg_both(%arg0: i32, %arg1: i32, %arg2: memref<1280x2x128xi32, #tpu.memory_space<hbm>>, %arg3: memref<632x128xf32, #tpu.memory_space<hbm>>, %arg4: memref<128x128xf32, #tpu.memory_space<hbm>>, %arg5: memref<20000x128xf32, #tpu.memory_space<hbm>>, %arg6: memref<10112x128xf32, #tpu.memory_space<vmem_shared>>, %arg7: memref<2x128xi32, #tpu.memory_space<vmem>>, %arg8: memref<128x128xf32, #tpu.memory_space<vmem>>) attributes {dimension_semantics = [#tpu.dimension_semantics<core_parallel>, #tpu.dimension_semantics<subcore_parallel>], iteration_bounds = array<i64: 2, 16>, scalar_prefetch = 0 : i64, scratch_operands = 3 : i64, tpu.core_type = #tpu.core_type<sc_vector_subcore>, window_params = [{transform_indices = #map}, {transform_indices = #map1}, {transform_indices = #map1}, {transform_indices = #map1}]} {
    %mul3A = arith.constant 632 : i32
    %mul3A_0 = arith.muli %arg1, %mul3A : i32
    "tpu.region"() ({
      %run_scoped3A = tpu.sem_alloc : memref<!tpu.dma_semaphore, #tpu.memory_space<semaphore_mem>>
      %dma_start3A = arith.constant 0 : i32
      %dma_start3A_15 = tpu.memref_slice %arg6[%mul3A_0, %dma_start3A] : memref<10112x128xf32, #tpu.memory_space<vmem_shared>> -> memref<632x128xf32, #tpu.memory_space<vmem_shared>>
      tpu.enqueue_dma source(%arg3 : memref<632x128xf32, #tpu.memory_space<hbm>>) target(%dma_start3A_15 : memref<632x128xf32, #tpu.memory_space<vmem_shared>>) target_semaphore(%run_scoped3A : memref<!tpu.dma_semaphore, #tpu.memory_space<semaphore_mem>>)
      %dma_wait3A = arith.constant 0 : i32
      %dma_wait3A_16 = tpu.memref_slice %arg6[%mul3A_0, %dma_wait3A] : memref<10112x128xf32, #tpu.memory_space<vmem_shared>> -> memref<632x128xf32, #tpu.memory_space<vmem_shared>>
      tpu.wait_dma2 semaphore(%run_scoped3A : memref<!tpu.dma_semaphore, #tpu.memory_space<semaphore_mem>>) src(%arg3 : memref<632x128xf32, #tpu.memory_space<hbm>>) dst(%dma_wait3A_16 : memref<632x128xf32, #tpu.memory_space<vmem_shared>>)
      tpu.yield
    }) : () -> ()
    "tpu.region"() ({
      %run_scoped3A = tpu.sem_alloc : memref<!tpu.dma_semaphore, #tpu.memory_space<semaphore_mem>>
      tpu.enqueue_dma source(%arg4 : memref<128x128xf32, #tpu.memory_space<hbm>>) target(%arg8 : memref<128x128xf32, #tpu.memory_space<vmem>>) target_semaphore(%run_scoped3A : memref<!tpu.dma_semaphore, #tpu.memory_space<semaphore_mem>>)
      tpu.wait_dma2 semaphore(%run_scoped3A : memref<!tpu.dma_semaphore, #tpu.memory_space<semaphore_mem>>) src(%arg4 : memref<128x128xf32, #tpu.memory_space<hbm>>) dst(%arg8 : memref<128x128xf32, #tpu.memory_space<vmem>>)
      tpu.yield
    }) : () -> ()
    %barrier3A = arith.constant 0 : index
    tpu.barrier barrier_id(%barrier3A)
    %scan3A = arith.constant 0 : i32
    %scan3A_1 = arith.constant 0 : i32
    %scan3A_2 = arith.constant 40 : i32
    %scan3A_3 = arith.addi %scan3A_1, %scan3A_2 : i32
    %scan3A_4 = arith.constant 1 : i32
    scf.for %scan3A_15 = %scan3A_1 to %scan3A_3 step %scan3A_4  : i32 {
      %mul3A_16 = arith.constant 16 : i32
      %mul3A_17 = arith.muli %arg0, %mul3A_16 : i32
      %add3A_18 = arith.addi %mul3A_17, %arg1 : i32
      %mul3A_19 = arith.constant 40 : i32
      %mul3A_20 = arith.muli %add3A_18, %mul3A_19 : i32
      %add3A_21 = arith.addi %mul3A_20, %scan3A_15 : i32
      "tpu.region"() ({
        %run_scoped3A_23 = tpu.sem_alloc : memref<!tpu.dma_semaphore, #tpu.memory_space<semaphore_mem>>
        %dma_start3A = arith.constant 0 : i32
        %dma_start3A_24 = arith.constant 0 : i32
        %dma_start3A_25 = tpu.memref_slice %arg2[%add3A_21, %dma_start3A, %dma_start3A_24] : memref<1280x2x128xi32, #tpu.memory_space<hbm>> -> memref<1x2x128xi32, #tpu.memory_space<hbm>>
        %dma_start3A_26 = tpu.memref_squeeze %dma_start3A_25 : memref<1x2x128xi32, #tpu.memory_space<hbm>> -> memref<2x128xi32, #tpu.memory_space<hbm>>
        %dma_start3A_27 = arith.constant 0 : i32
        %dma_start3A_28 = arith.constant 0 : i32
        %dma_start3A_29 = tpu.memref_slice %arg2[%add3A_21, %dma_start3A_27, %dma_start3A_28] : memref<1280x2x128xi32, #tpu.memory_space<hbm>> -> memref<1x2x128xi32, #tpu.memory_space<hbm>>
        %dma_start3A_30 = tpu.memref_squeeze %dma_start3A_29 : memref<1x2x128xi32, #tpu.memory_space<hbm>> -> memref<2x128xi32, #tpu.memory_space<hbm>>
        tpu.enqueue_dma source(%dma_start3A_30 : memref<2x128xi32, #tpu.memory_space<hbm>>) target(%arg7 : memref<2x128xi32, #tpu.memory_space<vmem>>) target_semaphore(%run_scoped3A_23 : memref<!tpu.dma_semaphore, #tpu.memory_space<semaphore_mem>>)
        %dma_wait3A = arith.constant 0 : i32
        %dma_wait3A_31 = arith.constant 0 : i32
        %dma_wait3A_32 = tpu.memref_slice %arg2[%add3A_21, %dma_wait3A, %dma_wait3A_31] : memref<1280x2x128xi32, #tpu.memory_space<hbm>> -> memref<1x2x128xi32, #tpu.memory_space<hbm>>
        %dma_wait3A_33 = tpu.memref_squeeze %dma_wait3A_32 : memref<1x2x128xi32, #tpu.memory_space<hbm>> -> memref<2x128xi32, #tpu.memory_space<hbm>>
        %dma_wait3A_34 = arith.constant 0 : i32
        %dma_wait3A_35 = arith.constant 0 : i32
        %dma_wait3A_36 = tpu.memref_slice %arg2[%add3A_21, %dma_wait3A_34, %dma_wait3A_35] : memref<1280x2x128xi32, #tpu.memory_space<hbm>> -> memref<1x2x128xi32, #tpu.memory_space<hbm>>
        %dma_wait3A_37 = tpu.memref_squeeze %dma_wait3A_36 : memref<1x2x128xi32, #tpu.memory_space<hbm>> -> memref<2x128xi32, #tpu.memory_space<hbm>>
        tpu.wait_dma2 semaphore(%run_scoped3A_23 : memref<!tpu.dma_semaphore, #tpu.memory_space<semaphore_mem>>) src(%dma_wait3A_37 : memref<2x128xi32, #tpu.memory_space<hbm>>) dst(%arg7 : memref<2x128xi32, #tpu.memory_space<vmem>>)
        tpu.yield
      }) : () -> ()
      %run_scoped3A = arith.constant 0 : i32
      "tpu.region"() ({
        %run_scoped3A_23 = tpu.sem_alloc : memref<!tpu.dma_semaphore, #tpu.memory_space<semaphore_mem>>
        %dma_start3A = arith.constant 0 : i32
        %dma_start3A_24 = tpu.memref_slice %arg7[%run_scoped3A, %dma_start3A] : memref<2x128xi32, #tpu.memory_space<vmem>> -> memref<1x128xi32, #tpu.memory_space<vmem>>
        %dma_start3A_25 = tpu.memref_squeeze %dma_start3A_24 : memref<1x128xi32, #tpu.memory_space<vmem>> -> memref<128xi32, #tpu.memory_space<vmem>>
        %dma_start3A_26 = arith.constant 0 : i32
        %dma_start3A_27 = arith.constant 0 : i32
        %dma_start3A_28 = tpu.memref_slice %arg6[%dma_start3A_26, %dma_start3A_27] : memref<10112x128xf32, #tpu.memory_space<vmem_shared>> -> memref<10112x128xf32, #tpu.memory_space<vmem_shared>>
        tpu.enqueue_indirect_dma source(%arg8 : memref<128x128xf32, #tpu.memory_space<vmem>>) target(%dma_start3A_28 : memref<10112x128xf32, #tpu.memory_space<vmem_shared>>) offsets(%dma_start3A_25 : memref<128xi32, #tpu.memory_space<vmem>>) semaphore(%run_scoped3A_23 : memref<!tpu.dma_semaphore, #tpu.memory_space<semaphore_mem>>) {add = true}
        %dma_wait3A = arith.constant 0 : i32
        %dma_wait3A_29 = tpu.memref_slice %arg7[%run_scoped3A, %dma_wait3A] : memref<2x128xi32, #tpu.memory_space<vmem>> -> memref<1x128xi32, #tpu.memory_space<vmem>>
        %dma_wait3A_30 = tpu.memref_squeeze %dma_wait3A_29 : memref<1x128xi32, #tpu.memory_space<vmem>> -> memref<128xi32, #tpu.memory_space<vmem>>
        %dma_wait3A_31 = arith.constant 0 : i32
        %dma_wait3A_32 = arith.constant 0 : i32
        %dma_wait3A_33 = tpu.memref_slice %arg6[%dma_wait3A_31, %dma_wait3A_32] : memref<10112x128xf32, #tpu.memory_space<vmem_shared>> -> memref<10112x128xf32, #tpu.memory_space<vmem_shared>>
        tpu.wait_indirect_dma semaphore(%run_scoped3A_23 : memref<!tpu.dma_semaphore, #tpu.memory_space<semaphore_mem>>) src(%arg8 : memref<128x128xf32, #tpu.memory_space<vmem>>) dst(%dma_wait3A_33 : memref<10112x128xf32, #tpu.memory_space<vmem_shared>>)
        tpu.yield
      }) : () -> ()
      %run_scoped3A_22 = arith.constant 1 : i32
      "tpu.region"() ({
        %run_scoped3A_23 = tpu.sem_alloc : memref<!tpu.dma_semaphore, #tpu.memory_space<semaphore_mem>>
        %dma_start3A = arith.constant 0 : i32
        %dma_start3A_24 = tpu.memref_slice %arg7[%run_scoped3A_22, %dma_start3A] : memref<2x128xi32, #tpu.memory_space<vmem>> -> memref<1x128xi32, #tpu.memory_space<vmem>>
        %dma_start3A_25 = tpu.memref_squeeze %dma_start3A_24 : memref<1x128xi32, #tpu.memory_space<vmem>> -> memref<128xi32, #tpu.memory_space<vmem>>
        %dma_start3A_26 = arith.constant 0 : i32
        %dma_start3A_27 = arith.constant 0 : i32
        %dma_start3A_28 = tpu.memref_slice %arg6[%dma_start3A_26, %dma_start3A_27] : memref<10112x128xf32, #tpu.memory_space<vmem_shared>> -> memref<10112x128xf32, #tpu.memory_space<vmem_shared>>
        tpu.enqueue_indirect_dma source(%arg8 : memref<128x128xf32, #tpu.memory_space<vmem>>) target(%dma_start3A_28 : memref<10112x128xf32, #tpu.memory_space<vmem_shared>>) offsets(%dma_start3A_25 : memref<128xi32, #tpu.memory_space<vmem>>) semaphore(%run_scoped3A_23 : memref<!tpu.dma_semaphore, #tpu.memory_space<semaphore_mem>>) {add = true}
        %dma_wait3A = arith.constant 0 : i32
        %dma_wait3A_29 = tpu.memref_slice %arg7[%run_scoped3A_22, %dma_wait3A] : memref<2x128xi32, #tpu.memory_space<vmem>> -> memref<1x128xi32, #tpu.memory_space<vmem>>
        %dma_wait3A_30 = tpu.memref_squeeze %dma_wait3A_29 : memref<1x128xi32, #tpu.memory_space<vmem>> -> memref<128xi32, #tpu.memory_space<vmem>>
        %dma_wait3A_31 = arith.constant 0 : i32
        %dma_wait3A_32 = arith.constant 0 : i32
        %dma_wait3A_33 = tpu.memref_slice %arg6[%dma_wait3A_31, %dma_wait3A_32] : memref<10112x128xf32, #tpu.memory_space<vmem_shared>> -> memref<10112x128xf32, #tpu.memory_space<vmem_shared>>
        tpu.wait_indirect_dma semaphore(%run_scoped3A_23 : memref<!tpu.dma_semaphore, #tpu.memory_space<semaphore_mem>>) src(%arg8 : memref<128x128xf32, #tpu.memory_space<vmem>>) dst(%dma_wait3A_33 : memref<10112x128xf32, #tpu.memory_space<vmem_shared>>)
        tpu.yield
      }) : () -> ()
    }
    %scan3A_5 = arith.constant 40 : i32
    %barrier3A_6 = arith.constant 0 : index
    tpu.barrier barrier_id(%barrier3A_6)
    %mul3A_7 = arith.constant 10000 : i32
    %mul3A_8 = arith.muli %arg0, %mul3A_7 : i32
    %add3A = arith.addi %mul3A_8, %mul3A_0 : i32
    %lt3A = arith.constant 15 : i32
    %lt3A_9 = arith.cmpi slt, %arg1, %lt3A : i32
    %convert_element_type3A = arith.extui %lt3A_9 : i1 to i32
    %cond3A = arith.constant 0 : i32
    %cond3A_10 = arith.cmpi ne, %convert_element_type3A, %cond3A : i32
    scf.if %cond3A_10 {
      "tpu.region"() ({
        %run_scoped3A = tpu.sem_alloc : memref<!tpu.dma_semaphore, #tpu.memory_space<semaphore_mem>>
        %dma_start3A = arith.constant 0 : i32
        %dma_start3A_15 = tpu.memref_slice %arg5[%add3A, %dma_start3A] : memref<20000x128xf32, #tpu.memory_space<hbm>> -> memref<632x128xf32, #tpu.memory_space<hbm>>
        %dma_start3A_16 = arith.constant 0 : i32
        %dma_start3A_17 = tpu.memref_slice %arg6[%mul3A_0, %dma_start3A_16] : memref<10112x128xf32, #tpu.memory_space<vmem_shared>> -> memref<632x128xf32, #tpu.memory_space<vmem_shared>>
        tpu.enqueue_dma source(%dma_start3A_17 : memref<632x128xf32, #tpu.memory_space<vmem_shared>>) target(%dma_start3A_15 : memref<632x128xf32, #tpu.memory_space<hbm>>) target_semaphore(%run_scoped3A : memref<!tpu.dma_semaphore, #tpu.memory_space<semaphore_mem>>)
        %dma_wait3A = arith.constant 0 : i32
        %dma_wait3A_18 = tpu.memref_slice %arg5[%add3A, %dma_wait3A] : memref<20000x128xf32, #tpu.memory_space<hbm>> -> memref<632x128xf32, #tpu.memory_space<hbm>>
        %dma_wait3A_19 = arith.constant 0 : i32
        %dma_wait3A_20 = tpu.memref_slice %arg6[%mul3A_0, %dma_wait3A_19] : memref<10112x128xf32, #tpu.memory_space<vmem_shared>> -> memref<632x128xf32, #tpu.memory_space<vmem_shared>>
        tpu.wait_dma2 semaphore(%run_scoped3A : memref<!tpu.dma_semaphore, #tpu.memory_space<semaphore_mem>>) src(%dma_wait3A_20 : memref<632x128xf32, #tpu.memory_space<vmem_shared>>) dst(%dma_wait3A_18 : memref<632x128xf32, #tpu.memory_space<hbm>>)
        tpu.yield
      }) : () -> ()
    } else {
    }
    %eq3A = arith.constant 15 : i32
    %eq3A_11 = arith.cmpi eq, %arg1, %eq3A : i32
    %convert_element_type3A_12 = arith.extui %eq3A_11 : i1 to i32
    %cond3A_13 = arith.constant 0 : i32
    %cond3A_14 = arith.cmpi ne, %convert_element_type3A_12, %cond3A_13 : i32
    scf.if %cond3A_14 {
      "tpu.region"() ({
        %run_scoped3A = tpu.sem_alloc : memref<!tpu.dma_semaphore, #tpu.memory_space<semaphore_mem>>
        %dma_start3A = arith.constant 0 : i32
        %dma_start3A_15 = tpu.memref_slice %arg5[%add3A, %dma_start3A] : memref<20000x128xf32, #tpu.memory_space<hbm>> -> memref<520x128xf32, #tpu.memory_space<hbm>>
        %dma_start3A_16 = arith.constant 0 : i32
        %dma_start3A_17 = tpu.memref_slice %arg6[%mul3A_0, %dma_start3A_16] : memref<10112x128xf32, #tpu.memory_space<vmem_shared>> -> memref<520x128xf32, #tpu.memory_space<vmem_shared>>
        tpu.enqueue_dma source(%dma_start3A_17 : memref<520x128xf32, #tpu.memory_space<vmem_shared>>) target(%dma_start3A_15 : memref<520x128xf32, #tpu.memory_space<hbm>>) target_semaphore(%run_scoped3A : memref<!tpu.dma_semaphore, #tpu.memory_space<semaphore_mem>>)
        %dma_wait3A = arith.constant 0 : i32
        %dma_wait3A_18 = tpu.memref_slice %arg5[%add3A, %dma_wait3A] : memref<20000x128xf32, #tpu.memory_space<hbm>> -> memref<520x128xf32, #tpu.memory_space<hbm>>
        %dma_wait3A_19 = arith.constant 0 : i32
        %dma_wait3A_20 = tpu.memref_slice %arg6[%mul3A_0, %dma_wait3A_19] : memref<10112x128xf32, #tpu.memory_space<vmem_shared>> -> memref<520x128xf32, #tpu.memory_space<vmem_shared>>
        tpu.wait_dma2 semaphore(%run_scoped3A : memref<!tpu.dma_semaphore, #tpu.memory_space<semaphore_mem>>) src(%dma_wait3A_20 : memref<520x128xf32, #tpu.memory_space<vmem_shared>>) dst(%dma_wait3A_18 : memref<520x128xf32, #tpu.memory_space<hbm>>)
        tpu.yield
      }) : () -> ()
    } else {
    }
    return
  }
}

#map = affine_map<(d0, d1) -> (0, 0)>
#map1 = affine_map<(d0, d1) -> (0, 0, 0)>
module attributes {stable_mosaic.version = 14 : i64} {
  func.func @_seg_sum(%arg0: i32, %arg1: i32, %arg2: memref<20000x128xf32, #tpu.memory_space<hbm>>, %arg3: memref<1280x2x128xi32, #tpu.memory_space<hbm>>, %arg4: memref<640x2x128xi32, #tpu.memory_space<hbm>>, %arg5: memref<632x128xf32, #tpu.memory_space<hbm>>, %arg6: memref<20000x128xf32, #tpu.memory_space<hbm>>, %arg7: memref<10112x128xf32, #tpu.memory_space<vmem_shared>>, %arg8: memref<2x128xi32, #tpu.memory_space<vmem>>, %arg9: memref<2x128xi32, #tpu.memory_space<vmem>>, %arg10: memref<128x128xf32, #tpu.memory_space<vmem>>, %arg11: memref<128x128xf32, #tpu.memory_space<vmem>>, %arg12: memref<!tpu.dma_semaphore, #tpu.memory_space<semaphore_mem>>, %arg13: memref<!tpu.dma_semaphore, #tpu.memory_space<semaphore_mem>>) attributes {dimension_semantics = [#tpu.dimension_semantics<core_parallel>, #tpu.dimension_semantics<subcore_parallel>], iteration_bounds = array<i64: 2, 16>, scalar_prefetch = 0 : i64, scratch_operands = 7 : i64, tpu.core_type = #tpu.core_type<sc_vector_subcore>, window_params = [{transform_indices = #map}, {transform_indices = #map1}, {transform_indices = #map1}, {transform_indices = #map}, {transform_indices = #map}]} {
    %mul3A = arith.constant 632 : i32
    %mul3A_0 = arith.muli %arg1, %mul3A : i32
    "tpu.region"() ({
      %run_scoped3A = tpu.sem_alloc : memref<!tpu.dma_semaphore, #tpu.memory_space<semaphore_mem>>
      %dma_start3A = arith.constant 0 : i32
      %dma_start3A_15 = tpu.memref_slice %arg7[%mul3A_0, %dma_start3A] : memref<10112x128xf32, #tpu.memory_space<vmem_shared>> -> memref<632x128xf32, #tpu.memory_space<vmem_shared>>
      tpu.enqueue_dma source(%arg5 : memref<632x128xf32, #tpu.memory_space<hbm>>) target(%dma_start3A_15 : memref<632x128xf32, #tpu.memory_space<vmem_shared>>) target_semaphore(%run_scoped3A : memref<!tpu.dma_semaphore, #tpu.memory_space<semaphore_mem>>)
      %dma_wait3A = arith.constant 0 : i32
      %dma_wait3A_16 = tpu.memref_slice %arg7[%mul3A_0, %dma_wait3A] : memref<10112x128xf32, #tpu.memory_space<vmem_shared>> -> memref<632x128xf32, #tpu.memory_space<vmem_shared>>
      tpu.wait_dma2 semaphore(%run_scoped3A : memref<!tpu.dma_semaphore, #tpu.memory_space<semaphore_mem>>) src(%arg5 : memref<632x128xf32, #tpu.memory_space<hbm>>) dst(%dma_wait3A_16 : memref<632x128xf32, #tpu.memory_space<vmem_shared>>)
      tpu.yield
    }) : () -> ()
    %barrier3A = arith.constant 0 : index
    tpu.barrier barrier_id(%barrier3A)
    %scan3A = arith.constant 0 : i32
    %scan3A_1 = arith.constant 0 : i32
    %scan3A_2 = arith.constant 40 : i32
    %scan3A_3 = arith.addi %scan3A_1, %scan3A_2 : i32
    %scan3A_4 = arith.constant 1 : i32
    scf.for %scan3A_15 = %scan3A_1 to %scan3A_3 step %scan3A_4  : i32 {
      %mul3A_16 = arith.constant 16 : i32
      %mul3A_17 = arith.muli %arg0, %mul3A_16 : i32
      %add3A_18 = arith.addi %mul3A_17, %arg1 : i32
      %mul3A_19 = arith.constant 40 : i32
      %mul3A_20 = arith.muli %add3A_18, %mul3A_19 : i32
      %add3A_21 = arith.addi %mul3A_20, %scan3A_15 : i32
      "tpu.region"() ({
        %run_scoped3A_52 = tpu.sem_alloc : memref<!tpu.dma_semaphore, #tpu.memory_space<semaphore_mem>>
        %dma_start3A_53 = arith.constant 0 : i32
        %dma_start3A_54 = arith.constant 0 : i32
        %dma_start3A_55 = tpu.memref_slice %arg3[%add3A_21, %dma_start3A_53, %dma_start3A_54] : memref<1280x2x128xi32, #tpu.memory_space<hbm>> -> memref<1x2x128xi32, #tpu.memory_space<hbm>>
        %dma_start3A_56 = tpu.memref_squeeze %dma_start3A_55 : memref<1x2x128xi32, #tpu.memory_space<hbm>> -> memref<2x128xi32, #tpu.memory_space<hbm>>
        %dma_start3A_57 = arith.constant 0 : i32
        %dma_start3A_58 = arith.constant 0 : i32
        %dma_start3A_59 = tpu.memref_slice %arg3[%add3A_21, %dma_start3A_57, %dma_start3A_58] : memref<1280x2x128xi32, #tpu.memory_space<hbm>> -> memref<1x2x128xi32, #tpu.memory_space<hbm>>
        %dma_start3A_60 = tpu.memref_squeeze %dma_start3A_59 : memref<1x2x128xi32, #tpu.memory_space<hbm>> -> memref<2x128xi32, #tpu.memory_space<hbm>>
        tpu.enqueue_dma source(%dma_start3A_60 : memref<2x128xi32, #tpu.memory_space<hbm>>) target(%arg8 : memref<2x128xi32, #tpu.memory_space<vmem>>) target_semaphore(%run_scoped3A_52 : memref<!tpu.dma_semaphore, #tpu.memory_space<semaphore_mem>>)
        %dma_wait3A_61 = arith.constant 0 : i32
        %dma_wait3A_62 = arith.constant 0 : i32
        %dma_wait3A_63 = tpu.memref_slice %arg3[%add3A_21, %dma_wait3A_61, %dma_wait3A_62] : memref<1280x2x128xi32, #tpu.memory_space<hbm>> -> memref<1x2x128xi32, #tpu.memory_space<hbm>>
        %dma_wait3A_64 = tpu.memref_squeeze %dma_wait3A_63 : memref<1x2x128xi32, #tpu.memory_space<hbm>> -> memref<2x128xi32, #tpu.memory_space<hbm>>
        %dma_wait3A_65 = arith.constant 0 : i32
        %dma_wait3A_66 = arith.constant 0 : i32
        %dma_wait3A_67 = tpu.memref_slice %arg3[%add3A_21, %dma_wait3A_65, %dma_wait3A_66] : memref<1280x2x128xi32, #tpu.memory_space<hbm>> -> memref<1x2x128xi32, #tpu.memory_space<hbm>>
        %dma_wait3A_68 = tpu.memref_squeeze %dma_wait3A_67 : memref<1x2x128xi32, #tpu.memory_space<hbm>> -> memref<2x128xi32, #tpu.memory_space<hbm>>
        tpu.wait_dma2 semaphore(%run_scoped3A_52 : memref<!tpu.dma_semaphore, #tpu.memory_space<semaphore_mem>>) src(%dma_wait3A_68 : memref<2x128xi32, #tpu.memory_space<hbm>>) dst(%arg8 : memref<2x128xi32, #tpu.memory_space<vmem>>)
        tpu.yield
      }) : () -> ()
      %mul3A_22 = arith.constant 40 : i32
      %mul3A_23 = arith.muli %arg1, %mul3A_22 : i32
      %add3A_24 = arith.addi %mul3A_23, %scan3A_15 : i32
      "tpu.region"() ({
        %run_scoped3A_52 = tpu.sem_alloc : memref<!tpu.dma_semaphore, #tpu.memory_space<semaphore_mem>>
        %dma_start3A_53 = arith.constant 0 : i32
        %dma_start3A_54 = arith.constant 0 : i32
        %dma_start3A_55 = tpu.memref_slice %arg4[%add3A_24, %dma_start3A_53, %dma_start3A_54] : memref<640x2x128xi32, #tpu.memory_space<hbm>> -> memref<1x2x128xi32, #tpu.memory_space<hbm>>
        %dma_start3A_56 = tpu.memref_squeeze %dma_start3A_55 : memref<1x2x128xi32, #tpu.memory_space<hbm>> -> memref<2x128xi32, #tpu.memory_space<hbm>>
        %dma_start3A_57 = arith.constant 0 : i32
        %dma_start3A_58 = arith.constant 0 : i32
        %dma_start3A_59 = tpu.memref_slice %arg4[%add3A_24, %dma_start3A_57, %dma_start3A_58] : memref<640x2x128xi32, #tpu.memory_space<hbm>> -> memref<1x2x128xi32, #tpu.memory_space<hbm>>
        %dma_start3A_60 = tpu.memref_squeeze %dma_start3A_59 : memref<1x2x128xi32, #tpu.memory_space<hbm>> -> memref<2x128xi32, #tpu.memory_space<hbm>>
        tpu.enqueue_dma source(%dma_start3A_60 : memref<2x128xi32, #tpu.memory_space<hbm>>) target(%arg9 : memref<2x128xi32, #tpu.memory_space<vmem>>) target_semaphore(%run_scoped3A_52 : memref<!tpu.dma_semaphore, #tpu.memory_space<semaphore_mem>>)
        %dma_wait3A_61 = arith.constant 0 : i32
        %dma_wait3A_62 = arith.constant 0 : i32
        %dma_wait3A_63 = tpu.memref_slice %arg4[%add3A_24, %dma_wait3A_61, %dma_wait3A_62] : memref<640x2x128xi32, #tpu.memory_space<hbm>> -> memref<1x2x128xi32, #tpu.memory_space<hbm>>
        %dma_wait3A_64 = tpu.memref_squeeze %dma_wait3A_63 : memref<1x2x128xi32, #tpu.memory_space<hbm>> -> memref<2x128xi32, #tpu.memory_space<hbm>>
        %dma_wait3A_65 = arith.constant 0 : i32
        %dma_wait3A_66 = arith.constant 0 : i32
        %dma_wait3A_67 = tpu.memref_slice %arg4[%add3A_24, %dma_wait3A_65, %dma_wait3A_66] : memref<640x2x128xi32, #tpu.memory_space<hbm>> -> memref<1x2x128xi32, #tpu.memory_space<hbm>>
        %dma_wait3A_68 = tpu.memref_squeeze %dma_wait3A_67 : memref<1x2x128xi32, #tpu.memory_space<hbm>> -> memref<2x128xi32, #tpu.memory_space<hbm>>
        tpu.wait_dma2 semaphore(%run_scoped3A_52 : memref<!tpu.dma_semaphore, #tpu.memory_space<semaphore_mem>>) src(%dma_wait3A_68 : memref<2x128xi32, #tpu.memory_space<hbm>>) dst(%arg9 : memref<2x128xi32, #tpu.memory_space<vmem>>)
        tpu.yield
      }) : () -> ()
      %dma_start3A = arith.constant 0 : i32
      %dma_start3A_25 = arith.constant 0 : i32
      %dma_start3A_26 = tpu.memref_slice %arg8[%dma_start3A, %dma_start3A_25] : memref<2x128xi32, #tpu.memory_space<vmem>> -> memref<1x128xi32, #tpu.memory_space<vmem>>
      %dma_start3A_27 = tpu.memref_squeeze %dma_start3A_26 : memref<1x128xi32, #tpu.memory_space<vmem>> -> memref<128xi32, #tpu.memory_space<vmem>>
      %dma_start3A_28 = arith.constant 0 : i32
      %dma_start3A_29 = arith.constant 0 : i32
      %dma_start3A_30 = tpu.memref_slice %arg2[%dma_start3A_28, %dma_start3A_29] : memref<20000x128xf32, #tpu.memory_space<hbm>> -> memref<20000x128xf32, #tpu.memory_space<hbm>>
      tpu.enqueue_indirect_dma source(%dma_start3A_30 : memref<20000x128xf32, #tpu.memory_space<hbm>>) target(%arg10 : memref<128x128xf32, #tpu.memory_space<vmem>>) offsets(%dma_start3A_27 : memref<128xi32, #tpu.memory_space<vmem>>) semaphore(%arg12 : memref<!tpu.dma_semaphore, #tpu.memory_space<semaphore_mem>>)
      %dma_start3A_31 = arith.constant 1 : i32
      %dma_start3A_32 = arith.constant 0 : i32
      %dma_start3A_33 = tpu.memref_slice %arg8[%dma_start3A_31, %dma_start3A_32] : memref<2x128xi32, #tpu.memory_space<vmem>> -> memref<1x128xi32, #tpu.memory_space<vmem>>
      %dma_start3A_34 = tpu.memref_squeeze %dma_start3A_33 : memref<1x128xi32, #tpu.memory_space<vmem>> -> memref<128xi32, #tpu.memory_space<vmem>>
      %dma_start3A_35 = arith.constant 0 : i32
      %dma_start3A_36 = arith.constant 0 : i32
      %dma_start3A_37 = tpu.memref_slice %arg2[%dma_start3A_35, %dma_start3A_36] : memref<20000x128xf32, #tpu.memory_space<hbm>> -> memref<20000x128xf32, #tpu.memory_space<hbm>>
      tpu.enqueue_indirect_dma source(%dma_start3A_37 : memref<20000x128xf32, #tpu.memory_space<hbm>>) target(%arg11 : memref<128x128xf32, #tpu.memory_space<vmem>>) offsets(%dma_start3A_34 : memref<128xi32, #tpu.memory_space<vmem>>) semaphore(%arg13 : memref<!tpu.dma_semaphore, #tpu.memory_space<semaphore_mem>>)
      %dma_wait3A = arith.constant 0 : i32
      %dma_wait3A_38 = arith.constant 0 : i32
      %dma_wait3A_39 = tpu.memref_slice %arg8[%dma_wait3A, %dma_wait3A_38] : memref<2x128xi32, #tpu.memory_space<vmem>> -> memref<1x128xi32, #tpu.memory_space<vmem>>
      %dma_wait3A_40 = tpu.memref_squeeze %dma_wait3A_39 : memref<1x128xi32, #tpu.memory_space<vmem>> -> memref<128xi32, #tpu.memory_space<vmem>>
      %dma_wait3A_41 = arith.constant 0 : i32
      %dma_wait3A_42 = arith.constant 0 : i32
      %dma_wait3A_43 = tpu.memref_slice %arg2[%dma_wait3A_41, %dma_wait3A_42] : memref<20000x128xf32, #tpu.memory_space<hbm>> -> memref<20000x128xf32, #tpu.memory_space<hbm>>
      tpu.wait_indirect_dma semaphore(%arg12 : memref<!tpu.dma_semaphore, #tpu.memory_space<semaphore_mem>>) src(%dma_wait3A_43 : memref<20000x128xf32, #tpu.memory_space<hbm>>) dst(%arg10 : memref<128x128xf32, #tpu.memory_space<vmem>>)
      %run_scoped3A = arith.constant 0 : i32
      "tpu.region"() ({
        %run_scoped3A_52 = tpu.sem_alloc : memref<!tpu.dma_semaphore, #tpu.memory_space<semaphore_mem>>
        %dma_start3A_53 = arith.constant 0 : i32
        %dma_start3A_54 = tpu.memref_slice %arg9[%run_scoped3A, %dma_start3A_53] : memref<2x128xi32, #tpu.memory_space<vmem>> -> memref<1x128xi32, #tpu.memory_space<vmem>>
        %dma_start3A_55 = tpu.memref_squeeze %dma_start3A_54 : memref<1x128xi32, #tpu.memory_space<vmem>> -> memref<128xi32, #tpu.memory_space<vmem>>
        %dma_start3A_56 = arith.constant 0 : i32
        %dma_start3A_57 = arith.constant 0 : i32
        %dma_start3A_58 = tpu.memref_slice %arg7[%dma_start3A_56, %dma_start3A_57] : memref<10112x128xf32, #tpu.memory_space<vmem_shared>> -> memref<10112x128xf32, #tpu.memory_space<vmem_shared>>
        tpu.enqueue_indirect_dma source(%arg10 : memref<128x128xf32, #tpu.memory_space<vmem>>) target(%dma_start3A_58 : memref<10112x128xf32, #tpu.memory_space<vmem_shared>>) offsets(%dma_start3A_55 : memref<128xi32, #tpu.memory_space<vmem>>) semaphore(%run_scoped3A_52 : memref<!tpu.dma_semaphore, #tpu.memory_space<semaphore_mem>>) {add = true}
        %dma_wait3A_59 = arith.constant 0 : i32
        %dma_wait3A_60 = tpu.memref_slice %arg9[%run_scoped3A, %dma_wait3A_59] : memref<2x128xi32, #tpu.memory_space<vmem>> -> memref<1x128xi32, #tpu.memory_space<vmem>>
        %dma_wait3A_61 = tpu.memref_squeeze %dma_wait3A_60 : memref<1x128xi32, #tpu.memory_space<vmem>> -> memref<128xi32, #tpu.memory_space<vmem>>
        %dma_wait3A_62 = arith.constant 0 : i32
        %dma_wait3A_63 = arith.constant 0 : i32
        %dma_wait3A_64 = tpu.memref_slice %arg7[%dma_wait3A_62, %dma_wait3A_63] : memref<10112x128xf32, #tpu.memory_space<vmem_shared>> -> memref<10112x128xf32, #tpu.memory_space<vmem_shared>>
        tpu.wait_indirect_dma semaphore(%run_scoped3A_52 : memref<!tpu.dma_semaphore, #tpu.memory_space<semaphore_mem>>) src(%arg10 : memref<128x128xf32, #tpu.memory_space<vmem>>) dst(%dma_wait3A_64 : memref<10112x128xf32, #tpu.memory_space<vmem_shared>>)
        tpu.yield
      }) : () -> ()
      %dma_wait3A_44 = arith.constant 1 : i32
      %dma_wait3A_45 = arith.constant 0 : i32
      %dma_wait3A_46 = tpu.memref_slice %arg8[%dma_wait3A_44, %dma_wait3A_45] : memref<2x128xi32, #tpu.memory_space<vmem>> -> memref<1x128xi32, #tpu.memory_space<vmem>>
      %dma_wait3A_47 = tpu.memref_squeeze %dma_wait3A_46 : memref<1x128xi32, #tpu.memory_space<vmem>> -> memref<128xi32, #tpu.memory_space<vmem>>
      %dma_wait3A_48 = arith.constant 0 : i32
      %dma_wait3A_49 = arith.constant 0 : i32
      %dma_wait3A_50 = tpu.memref_slice %arg2[%dma_wait3A_48, %dma_wait3A_49] : memref<20000x128xf32, #tpu.memory_space<hbm>> -> memref<20000x128xf32, #tpu.memory_space<hbm>>
      tpu.wait_indirect_dma semaphore(%arg13 : memref<!tpu.dma_semaphore, #tpu.memory_space<semaphore_mem>>) src(%dma_wait3A_50 : memref<20000x128xf32, #tpu.memory_space<hbm>>) dst(%arg11 : memref<128x128xf32, #tpu.memory_space<vmem>>)
      %run_scoped3A_51 = arith.constant 1 : i32
      "tpu.region"() ({
        %run_scoped3A_52 = tpu.sem_alloc : memref<!tpu.dma_semaphore, #tpu.memory_space<semaphore_mem>>
        %dma_start3A_53 = arith.constant 0 : i32
        %dma_start3A_54 = tpu.memref_slice %arg9[%run_scoped3A_51, %dma_start3A_53] : memref<2x128xi32, #tpu.memory_space<vmem>> -> memref<1x128xi32, #tpu.memory_space<vmem>>
        %dma_start3A_55 = tpu.memref_squeeze %dma_start3A_54 : memref<1x128xi32, #tpu.memory_space<vmem>> -> memref<128xi32, #tpu.memory_space<vmem>>
        %dma_start3A_56 = arith.constant 0 : i32
        %dma_start3A_57 = arith.constant 0 : i32
        %dma_start3A_58 = tpu.memref_slice %arg7[%dma_start3A_56, %dma_start3A_57] : memref<10112x128xf32, #tpu.memory_space<vmem_shared>> -> memref<10112x128xf32, #tpu.memory_space<vmem_shared>>
        tpu.enqueue_indirect_dma source(%arg11 : memref<128x128xf32, #tpu.memory_space<vmem>>) target(%dma_start3A_58 : memref<10112x128xf32, #tpu.memory_space<vmem_shared>>) offsets(%dma_start3A_55 : memref<128xi32, #tpu.memory_space<vmem>>) semaphore(%run_scoped3A_52 : memref<!tpu.dma_semaphore, #tpu.memory_space<semaphore_mem>>) {add = true}
        %dma_wait3A_59 = arith.constant 0 : i32
        %dma_wait3A_60 = tpu.memref_slice %arg9[%run_scoped3A_51, %dma_wait3A_59] : memref<2x128xi32, #tpu.memory_space<vmem>> -> memref<1x128xi32, #tpu.memory_space<vmem>>
        %dma_wait3A_61 = tpu.memref_squeeze %dma_wait3A_60 : memref<1x128xi32, #tpu.memory_space<vmem>> -> memref<128xi32, #tpu.memory_space<vmem>>
        %dma_wait3A_62 = arith.constant 0 : i32
        %dma_wait3A_63 = arith.constant 0 : i32
        %dma_wait3A_64 = tpu.memref_slice %arg7[%dma_wait3A_62, %dma_wait3A_63] : memref<10112x128xf32, #tpu.memory_space<vmem_shared>> -> memref<10112x128xf32, #tpu.memory_space<vmem_shared>>
        tpu.wait_indirect_dma semaphore(%run_scoped3A_52 : memref<!tpu.dma_semaphore, #tpu.memory_space<semaphore_mem>>) src(%arg11 : memref<128x128xf32, #tpu.memory_space<vmem>>) dst(%dma_wait3A_64 : memref<10112x128xf32, #tpu.memory_space<vmem_shared>>)
        tpu.yield
      }) : () -> ()
    }
    %scan3A_5 = arith.constant 40 : i32
    %barrier3A_6 = arith.constant 0 : index
    tpu.barrier barrier_id(%barrier3A_6)
    %mul3A_7 = arith.constant 10000 : i32
    %mul3A_8 = arith.muli %arg0, %mul3A_7 : i32
    %add3A = arith.addi %mul3A_8, %mul3A_0 : i32
    %lt3A = arith.constant 15 : i32
    %lt3A_9 = arith.cmpi slt, %arg1, %lt3A : i32
    %convert_element_type3A = arith.extui %lt3A_9 : i1 to i32
    %cond3A = arith.constant 0 : i32
    %cond3A_10 = arith.cmpi ne, %convert_element_type3A, %cond3A : i32
    scf.if %cond3A_10 {
      "tpu.region"() ({
        %run_scoped3A = tpu.sem_alloc : memref<!tpu.dma_semaphore, #tpu.memory_space<semaphore_mem>>
        %dma_start3A = arith.constant 0 : i32
        %dma_start3A_15 = tpu.memref_slice %arg6[%add3A, %dma_start3A] : memref<20000x128xf32, #tpu.memory_space<hbm>> -> memref<632x128xf32, #tpu.memory_space<hbm>>
        %dma_start3A_16 = arith.constant 0 : i32
        %dma_start3A_17 = tpu.memref_slice %arg7[%mul3A_0, %dma_start3A_16] : memref<10112x128xf32, #tpu.memory_space<vmem_shared>> -> memref<632x128xf32, #tpu.memory_space<vmem_shared>>
        tpu.enqueue_dma source(%dma_start3A_17 : memref<632x128xf32, #tpu.memory_space<vmem_shared>>) target(%dma_start3A_15 : memref<632x128xf32, #tpu.memory_space<hbm>>) target_semaphore(%run_scoped3A : memref<!tpu.dma_semaphore, #tpu.memory_space<semaphore_mem>>)
        %dma_wait3A = arith.constant 0 : i32
        %dma_wait3A_18 = tpu.memref_slice %arg6[%add3A, %dma_wait3A] : memref<20000x128xf32, #tpu.memory_space<hbm>> -> memref<632x128xf32, #tpu.memory_space<hbm>>
        %dma_wait3A_19 = arith.constant 0 : i32
        %dma_wait3A_20 = tpu.memref_slice %arg7[%mul3A_0, %dma_wait3A_19] : memref<10112x128xf32, #tpu.memory_space<vmem_shared>> -> memref<632x128xf32, #tpu.memory_space<vmem_shared>>
        tpu.wait_dma2 semaphore(%run_scoped3A : memref<!tpu.dma_semaphore, #tpu.memory_space<semaphore_mem>>) src(%dma_wait3A_20 : memref<632x128xf32, #tpu.memory_space<vmem_shared>>) dst(%dma_wait3A_18 : memref<632x128xf32, #tpu.memory_space<hbm>>)
        tpu.yield
      }) : () -> ()
    } else {
    }
    %eq3A = arith.constant 15 : i32
    %eq3A_11 = arith.cmpi eq, %arg1, %eq3A : i32
    %convert_element_type3A_12 = arith.extui %eq3A_11 : i1 to i32
    %cond3A_13 = arith.constant 0 : i32
    %cond3A_14 = arith.cmpi ne, %convert_element_type3A_12, %cond3A_13 : i32
    scf.if %cond3A_14 {
      "tpu.region"() ({
        %run_scoped3A = tpu.sem_alloc : memref<!tpu.dma_semaphore, #tpu.memory_space<semaphore_mem>>
        %dma_start3A = arith.constant 0 : i32
        %dma_start3A_15 = tpu.memref_slice %arg6[%add3A, %dma_start3A] : memref<20000x128xf32, #tpu.memory_space<hbm>> -> memref<520x128xf32, #tpu.memory_space<hbm>>
        %dma_start3A_16 = arith.constant 0 : i32
        %dma_start3A_17 = tpu.memref_slice %arg7[%mul3A_0, %dma_start3A_16] : memref<10112x128xf32, #tpu.memory_space<vmem_shared>> -> memref<520x128xf32, #tpu.memory_space<vmem_shared>>
        tpu.enqueue_dma source(%dma_start3A_17 : memref<520x128xf32, #tpu.memory_space<vmem_shared>>) target(%dma_start3A_15 : memref<520x128xf32, #tpu.memory_space<hbm>>) target_semaphore(%run_scoped3A : memref<!tpu.dma_semaphore, #tpu.memory_space<semaphore_mem>>)
        %dma_wait3A = arith.constant 0 : i32
        %dma_wait3A_18 = tpu.memref_slice %arg6[%add3A, %dma_wait3A] : memref<20000x128xf32, #tpu.memory_space<hbm>> -> memref<520x128xf32, #tpu.memory_space<hbm>>
        %dma_wait3A_19 = arith.constant 0 : i32
        %dma_wait3A_20 = tpu.memref_slice %arg7[%mul3A_0, %dma_wait3A_19] : memref<10112x128xf32, #tpu.memory_space<vmem_shared>> -> memref<520x128xf32, #tpu.memory_space<vmem_shared>>
        tpu.wait_dma2 semaphore(%run_scoped3A : memref<!tpu.dma_semaphore, #tpu.memory_space<semaphore_mem>>) src(%dma_wait3A_20 : memref<520x128xf32, #tpu.memory_space<vmem_shared>>) dst(%dma_wait3A_18 : memref<520x128xf32, #tpu.memory_space<hbm>>)
        tpu.yield
      }) : () -> ()
    } else {
    }
    return
  }
}

#map = affine_map<(d0, d1) -> (0, 0)>
#map1 = affine_map<(d0, d1) -> (0, 0, 0)>
module attributes {stable_mosaic.version = 14 : i64} {
  func.func @_seg_sum(%arg0: i32, %arg1: i32, %arg2: memref<20000x128xf32, #tpu.memory_space<hbm>>, %arg3: memref<1280x2x128xi32, #tpu.memory_space<hbm>>, %arg4: memref<640x2x128xi32, #tpu.memory_space<hbm>>, %arg5: memref<632x128xf32, #tpu.memory_space<hbm>>, %arg6: memref<20000x128xf32, #tpu.memory_space<hbm>>, %arg7: memref<10112x128xf32, #tpu.memory_space<vmem_shared>>, %arg8: memref<2x128xi32, #tpu.memory_space<vmem>>, %arg9: memref<2x128xi32, #tpu.memory_space<vmem>>, %arg10: memref<128x128xf32, #tpu.memory_space<vmem>>, %arg11: memref<128x128xf32, #tpu.memory_space<vmem>>, %arg12: memref<!tpu.dma_semaphore, #tpu.memory_space<semaphore_mem>>, %arg13: memref<!tpu.dma_semaphore, #tpu.memory_space<semaphore_mem>>) attributes {dimension_semantics = [#tpu.dimension_semantics<core_parallel>, #tpu.dimension_semantics<subcore_parallel>], iteration_bounds = array<i64: 2, 16>, scalar_prefetch = 0 : i64, scratch_operands = 7 : i64, tpu.core_type = #tpu.core_type<sc_vector_subcore>, window_params = [{transform_indices = #map}, {transform_indices = #map1}, {transform_indices = #map1}, {transform_indices = #map}, {transform_indices = #map}]} {
    %mul3A = arith.constant 632 : i32
    %mul3A_0 = arith.muli %arg1, %mul3A : i32
    "tpu.region"() ({
      %run_scoped3A = tpu.sem_alloc : memref<!tpu.dma_semaphore, #tpu.memory_space<semaphore_mem>>
      %dma_start3A = arith.constant 0 : i32
      %dma_start3A_15 = tpu.memref_slice %arg7[%mul3A_0, %dma_start3A] : memref<10112x128xf32, #tpu.memory_space<vmem_shared>> -> memref<632x128xf32, #tpu.memory_space<vmem_shared>>
      tpu.enqueue_dma source(%arg5 : memref<632x128xf32, #tpu.memory_space<hbm>>) target(%dma_start3A_15 : memref<632x128xf32, #tpu.memory_space<vmem_shared>>) target_semaphore(%run_scoped3A : memref<!tpu.dma_semaphore, #tpu.memory_space<semaphore_mem>>)
      %dma_wait3A = arith.constant 0 : i32
      %dma_wait3A_16 = tpu.memref_slice %arg7[%mul3A_0, %dma_wait3A] : memref<10112x128xf32, #tpu.memory_space<vmem_shared>> -> memref<632x128xf32, #tpu.memory_space<vmem_shared>>
      tpu.wait_dma2 semaphore(%run_scoped3A : memref<!tpu.dma_semaphore, #tpu.memory_space<semaphore_mem>>) src(%arg5 : memref<632x128xf32, #tpu.memory_space<hbm>>) dst(%dma_wait3A_16 : memref<632x128xf32, #tpu.memory_space<vmem_shared>>)
      tpu.yield
    }) : () -> ()
    %barrier3A = arith.constant 0 : index
    tpu.barrier barrier_id(%barrier3A)
    %scan3A = arith.constant 0 : i32
    %scan3A_1 = arith.constant 0 : i32
    %scan3A_2 = arith.constant 40 : i32
    %scan3A_3 = arith.addi %scan3A_1, %scan3A_2 : i32
    %scan3A_4 = arith.constant 1 : i32
    scf.for %scan3A_15 = %scan3A_1 to %scan3A_3 step %scan3A_4  : i32 {
      %mul3A_16 = arith.constant 16 : i32
      %mul3A_17 = arith.muli %arg0, %mul3A_16 : i32
      %add3A_18 = arith.addi %mul3A_17, %arg1 : i32
      %mul3A_19 = arith.constant 40 : i32
      %mul3A_20 = arith.muli %add3A_18, %mul3A_19 : i32
      %add3A_21 = arith.addi %mul3A_20, %scan3A_15 : i32
      "tpu.region"() ({
        %run_scoped3A_52 = tpu.sem_alloc : memref<!tpu.dma_semaphore, #tpu.memory_space<semaphore_mem>>
        %dma_start3A_53 = arith.constant 0 : i32
        %dma_start3A_54 = arith.constant 0 : i32
        %dma_start3A_55 = tpu.memref_slice %arg3[%add3A_21, %dma_start3A_53, %dma_start3A_54] : memref<1280x2x128xi32, #tpu.memory_space<hbm>> -> memref<1x2x128xi32, #tpu.memory_space<hbm>>
        %dma_start3A_56 = tpu.memref_squeeze %dma_start3A_55 : memref<1x2x128xi32, #tpu.memory_space<hbm>> -> memref<2x128xi32, #tpu.memory_space<hbm>>
        %dma_start3A_57 = arith.constant 0 : i32
        %dma_start3A_58 = arith.constant 0 : i32
        %dma_start3A_59 = tpu.memref_slice %arg3[%add3A_21, %dma_start3A_57, %dma_start3A_58] : memref<1280x2x128xi32, #tpu.memory_space<hbm>> -> memref<1x2x128xi32, #tpu.memory_space<hbm>>
        %dma_start3A_60 = tpu.memref_squeeze %dma_start3A_59 : memref<1x2x128xi32, #tpu.memory_space<hbm>> -> memref<2x128xi32, #tpu.memory_space<hbm>>
        tpu.enqueue_dma source(%dma_start3A_60 : memref<2x128xi32, #tpu.memory_space<hbm>>) target(%arg8 : memref<2x128xi32, #tpu.memory_space<vmem>>) target_semaphore(%run_scoped3A_52 : memref<!tpu.dma_semaphore, #tpu.memory_space<semaphore_mem>>)
        %dma_wait3A_61 = arith.constant 0 : i32
        %dma_wait3A_62 = arith.constant 0 : i32
        %dma_wait3A_63 = tpu.memref_slice %arg3[%add3A_21, %dma_wait3A_61, %dma_wait3A_62] : memref<1280x2x128xi32, #tpu.memory_space<hbm>> -> memref<1x2x128xi32, #tpu.memory_space<hbm>>
        %dma_wait3A_64 = tpu.memref_squeeze %dma_wait3A_63 : memref<1x2x128xi32, #tpu.memory_space<hbm>> -> memref<2x128xi32, #tpu.memory_space<hbm>>
        %dma_wait3A_65 = arith.constant 0 : i32
        %dma_wait3A_66 = arith.constant 0 : i32
        %dma_wait3A_67 = tpu.memref_slice %arg3[%add3A_21, %dma_wait3A_65, %dma_wait3A_66] : memref<1280x2x128xi32, #tpu.memory_space<hbm>> -> memref<1x2x128xi32, #tpu.memory_space<hbm>>
        %dma_wait3A_68 = tpu.memref_squeeze %dma_wait3A_67 : memref<1x2x128xi32, #tpu.memory_space<hbm>> -> memref<2x128xi32, #tpu.memory_space<hbm>>
        tpu.wait_dma2 semaphore(%run_scoped3A_52 : memref<!tpu.dma_semaphore, #tpu.memory_space<semaphore_mem>>) src(%dma_wait3A_68 : memref<2x128xi32, #tpu.memory_space<hbm>>) dst(%arg8 : memref<2x128xi32, #tpu.memory_space<vmem>>)
        tpu.yield
      }) : () -> ()
      %mul3A_22 = arith.constant 40 : i32
      %mul3A_23 = arith.muli %arg1, %mul3A_22 : i32
      %add3A_24 = arith.addi %mul3A_23, %scan3A_15 : i32
      "tpu.region"() ({
        %run_scoped3A_52 = tpu.sem_alloc : memref<!tpu.dma_semaphore, #tpu.memory_space<semaphore_mem>>
        %dma_start3A_53 = arith.constant 0 : i32
        %dma_start3A_54 = arith.constant 0 : i32
        %dma_start3A_55 = tpu.memref_slice %arg4[%add3A_24, %dma_start3A_53, %dma_start3A_54] : memref<640x2x128xi32, #tpu.memory_space<hbm>> -> memref<1x2x128xi32, #tpu.memory_space<hbm>>
        %dma_start3A_56 = tpu.memref_squeeze %dma_start3A_55 : memref<1x2x128xi32, #tpu.memory_space<hbm>> -> memref<2x128xi32, #tpu.memory_space<hbm>>
        %dma_start3A_57 = arith.constant 0 : i32
        %dma_start3A_58 = arith.constant 0 : i32
        %dma_start3A_59 = tpu.memref_slice %arg4[%add3A_24, %dma_start3A_57, %dma_start3A_58] : memref<640x2x128xi32, #tpu.memory_space<hbm>> -> memref<1x2x128xi32, #tpu.memory_space<hbm>>
        %dma_start3A_60 = tpu.memref_squeeze %dma_start3A_59 : memref<1x2x128xi32, #tpu.memory_space<hbm>> -> memref<2x128xi32, #tpu.memory_space<hbm>>
        tpu.enqueue_dma source(%dma_start3A_60 : memref<2x128xi32, #tpu.memory_space<hbm>>) target(%arg9 : memref<2x128xi32, #tpu.memory_space<vmem>>) target_semaphore(%run_scoped3A_52 : memref<!tpu.dma_semaphore, #tpu.memory_space<semaphore_mem>>)
        %dma_wait3A_61 = arith.constant 0 : i32
        %dma_wait3A_62 = arith.constant 0 : i32
        %dma_wait3A_63 = tpu.memref_slice %arg4[%add3A_24, %dma_wait3A_61, %dma_wait3A_62] : memref<640x2x128xi32, #tpu.memory_space<hbm>> -> memref<1x2x128xi32, #tpu.memory_space<hbm>>
        %dma_wait3A_64 = tpu.memref_squeeze %dma_wait3A_63 : memref<1x2x128xi32, #tpu.memory_space<hbm>> -> memref<2x128xi32, #tpu.memory_space<hbm>>
        %dma_wait3A_65 = arith.constant 0 : i32
        %dma_wait3A_66 = arith.constant 0 : i32
        %dma_wait3A_67 = tpu.memref_slice %arg4[%add3A_24, %dma_wait3A_65, %dma_wait3A_66] : memref<640x2x128xi32, #tpu.memory_space<hbm>> -> memref<1x2x128xi32, #tpu.memory_space<hbm>>
        %dma_wait3A_68 = tpu.memref_squeeze %dma_wait3A_67 : memref<1x2x128xi32, #tpu.memory_space<hbm>> -> memref<2x128xi32, #tpu.memory_space<hbm>>
        tpu.wait_dma2 semaphore(%run_scoped3A_52 : memref<!tpu.dma_semaphore, #tpu.memory_space<semaphore_mem>>) src(%dma_wait3A_68 : memref<2x128xi32, #tpu.memory_space<hbm>>) dst(%arg9 : memref<2x128xi32, #tpu.memory_space<vmem>>)
        tpu.yield
      }) : () -> ()
      %dma_start3A = arith.constant 0 : i32
      %dma_start3A_25 = arith.constant 0 : i32
      %dma_start3A_26 = tpu.memref_slice %arg8[%dma_start3A, %dma_start3A_25] : memref<2x128xi32, #tpu.memory_space<vmem>> -> memref<1x128xi32, #tpu.memory_space<vmem>>
      %dma_start3A_27 = tpu.memref_squeeze %dma_start3A_26 : memref<1x128xi32, #tpu.memory_space<vmem>> -> memref<128xi32, #tpu.memory_space<vmem>>
      %dma_start3A_28 = arith.constant 0 : i32
      %dma_start3A_29 = arith.constant 0 : i32
      %dma_start3A_30 = tpu.memref_slice %arg2[%dma_start3A_28, %dma_start3A_29] : memref<20000x128xf32, #tpu.memory_space<hbm>> -> memref<20000x128xf32, #tpu.memory_space<hbm>>
      tpu.enqueue_indirect_dma source(%dma_start3A_30 : memref<20000x128xf32, #tpu.memory_space<hbm>>) target(%arg10 : memref<128x128xf32, #tpu.memory_space<vmem>>) offsets(%dma_start3A_27 : memref<128xi32, #tpu.memory_space<vmem>>) semaphore(%arg12 : memref<!tpu.dma_semaphore, #tpu.memory_space<semaphore_mem>>)
      %dma_start3A_31 = arith.constant 1 : i32
      %dma_start3A_32 = arith.constant 0 : i32
      %dma_start3A_33 = tpu.memref_slice %arg8[%dma_start3A_31, %dma_start3A_32] : memref<2x128xi32, #tpu.memory_space<vmem>> -> memref<1x128xi32, #tpu.memory_space<vmem>>
      %dma_start3A_34 = tpu.memref_squeeze %dma_start3A_33 : memref<1x128xi32, #tpu.memory_space<vmem>> -> memref<128xi32, #tpu.memory_space<vmem>>
      %dma_start3A_35 = arith.constant 0 : i32
      %dma_start3A_36 = arith.constant 0 : i32
      %dma_start3A_37 = tpu.memref_slice %arg2[%dma_start3A_35, %dma_start3A_36] : memref<20000x128xf32, #tpu.memory_space<hbm>> -> memref<20000x128xf32, #tpu.memory_space<hbm>>
      tpu.enqueue_indirect_dma source(%dma_start3A_37 : memref<20000x128xf32, #tpu.memory_space<hbm>>) target(%arg11 : memref<128x128xf32, #tpu.memory_space<vmem>>) offsets(%dma_start3A_34 : memref<128xi32, #tpu.memory_space<vmem>>) semaphore(%arg13 : memref<!tpu.dma_semaphore, #tpu.memory_space<semaphore_mem>>)
      %dma_wait3A = arith.constant 0 : i32
      %dma_wait3A_38 = arith.constant 0 : i32
      %dma_wait3A_39 = tpu.memref_slice %arg8[%dma_wait3A, %dma_wait3A_38] : memref<2x128xi32, #tpu.memory_space<vmem>> -> memref<1x128xi32, #tpu.memory_space<vmem>>
      %dma_wait3A_40 = tpu.memref_squeeze %dma_wait3A_39 : memref<1x128xi32, #tpu.memory_space<vmem>> -> memref<128xi32, #tpu.memory_space<vmem>>
      %dma_wait3A_41 = arith.constant 0 : i32
      %dma_wait3A_42 = arith.constant 0 : i32
      %dma_wait3A_43 = tpu.memref_slice %arg2[%dma_wait3A_41, %dma_wait3A_42] : memref<20000x128xf32, #tpu.memory_space<hbm>> -> memref<20000x128xf32, #tpu.memory_space<hbm>>
      tpu.wait_indirect_dma semaphore(%arg12 : memref<!tpu.dma_semaphore, #tpu.memory_space<semaphore_mem>>) src(%dma_wait3A_43 : memref<20000x128xf32, #tpu.memory_space<hbm>>) dst(%arg10 : memref<128x128xf32, #tpu.memory_space<vmem>>)
      %run_scoped3A = arith.constant 0 : i32
      "tpu.region"() ({
        %run_scoped3A_52 = tpu.sem_alloc : memref<!tpu.dma_semaphore, #tpu.memory_space<semaphore_mem>>
        %dma_start3A_53 = arith.constant 0 : i32
        %dma_start3A_54 = tpu.memref_slice %arg9[%run_scoped3A, %dma_start3A_53] : memref<2x128xi32, #tpu.memory_space<vmem>> -> memref<1x128xi32, #tpu.memory_space<vmem>>
        %dma_start3A_55 = tpu.memref_squeeze %dma_start3A_54 : memref<1x128xi32, #tpu.memory_space<vmem>> -> memref<128xi32, #tpu.memory_space<vmem>>
        %dma_start3A_56 = arith.constant 0 : i32
        %dma_start3A_57 = arith.constant 0 : i32
        %dma_start3A_58 = tpu.memref_slice %arg7[%dma_start3A_56, %dma_start3A_57] : memref<10112x128xf32, #tpu.memory_space<vmem_shared>> -> memref<10112x128xf32, #tpu.memory_space<vmem_shared>>
        tpu.enqueue_indirect_dma source(%arg10 : memref<128x128xf32, #tpu.memory_space<vmem>>) target(%dma_start3A_58 : memref<10112x128xf32, #tpu.memory_space<vmem_shared>>) offsets(%dma_start3A_55 : memref<128xi32, #tpu.memory_space<vmem>>) semaphore(%run_scoped3A_52 : memref<!tpu.dma_semaphore, #tpu.memory_space<semaphore_mem>>) {add = true}
        %dma_wait3A_59 = arith.constant 0 : i32
        %dma_wait3A_60 = tpu.memref_slice %arg9[%run_scoped3A, %dma_wait3A_59] : memref<2x128xi32, #tpu.memory_space<vmem>> -> memref<1x128xi32, #tpu.memory_space<vmem>>
        %dma_wait3A_61 = tpu.memref_squeeze %dma_wait3A_60 : memref<1x128xi32, #tpu.memory_space<vmem>> -> memref<128xi32, #tpu.memory_space<vmem>>
        %dma_wait3A_62 = arith.constant 0 : i32
        %dma_wait3A_63 = arith.constant 0 : i32
        %dma_wait3A_64 = tpu.memref_slice %arg7[%dma_wait3A_62, %dma_wait3A_63] : memref<10112x128xf32, #tpu.memory_space<vmem_shared>> -> memref<10112x128xf32, #tpu.memory_space<vmem_shared>>
        tpu.wait_indirect_dma semaphore(%run_scoped3A_52 : memref<!tpu.dma_semaphore, #tpu.memory_space<semaphore_mem>>) src(%arg10 : memref<128x128xf32, #tpu.memory_space<vmem>>) dst(%dma_wait3A_64 : memref<10112x128xf32, #tpu.memory_space<vmem_shared>>)
        tpu.yield
      }) : () -> ()
      %dma_wait3A_44 = arith.constant 1 : i32
      %dma_wait3A_45 = arith.constant 0 : i32
      %dma_wait3A_46 = tpu.memref_slice %arg8[%dma_wait3A_44, %dma_wait3A_45] : memref<2x128xi32, #tpu.memory_space<vmem>> -> memref<1x128xi32, #tpu.memory_space<vmem>>
      %dma_wait3A_47 = tpu.memref_squeeze %dma_wait3A_46 : memref<1x128xi32, #tpu.memory_space<vmem>> -> memref<128xi32, #tpu.memory_space<vmem>>
      %dma_wait3A_48 = arith.constant 0 : i32
      %dma_wait3A_49 = arith.constant 0 : i32
      %dma_wait3A_50 = tpu.memref_slice %arg2[%dma_wait3A_48, %dma_wait3A_49] : memref<20000x128xf32, #tpu.memory_space<hbm>> -> memref<20000x128xf32, #tpu.memory_space<hbm>>
      tpu.wait_indirect_dma semaphore(%arg13 : memref<!tpu.dma_semaphore, #tpu.memory_space<semaphore_mem>>) src(%dma_wait3A_50 : memref<20000x128xf32, #tpu.memory_space<hbm>>) dst(%arg11 : memref<128x128xf32, #tpu.memory_space<vmem>>)
      %run_scoped3A_51 = arith.constant 1 : i32
      "tpu.region"() ({
        %run_scoped3A_52 = tpu.sem_alloc : memref<!tpu.dma_semaphore, #tpu.memory_space<semaphore_mem>>
        %dma_start3A_53 = arith.constant 0 : i32
        %dma_start3A_54 = tpu.memref_slice %arg9[%run_scoped3A_51, %dma_start3A_53] : memref<2x128xi32, #tpu.memory_space<vmem>> -> memref<1x128xi32, #tpu.memory_space<vmem>>
        %dma_start3A_55 = tpu.memref_squeeze %dma_start3A_54 : memref<1x128xi32, #tpu.memory_space<vmem>> -> memref<128xi32, #tpu.memory_space<vmem>>
        %dma_start3A_56 = arith.constant 0 : i32
        %dma_start3A_57 = arith.constant 0 : i32
        %dma_start3A_58 = tpu.memref_slice %arg7[%dma_start3A_56, %dma_start3A_57] : memref<10112x128xf32, #tpu.memory_space<vmem_shared>> -> memref<10112x128xf32, #tpu.memory_space<vmem_shared>>
        tpu.enqueue_indirect_dma source(%arg11 : memref<128x128xf32, #tpu.memory_space<vmem>>) target(%dma_start3A_58 : memref<10112x128xf32, #tpu.memory_space<vmem_shared>>) offsets(%dma_start3A_55 : memref<128xi32, #tpu.memory_space<vmem>>) semaphore(%run_scoped3A_52 : memref<!tpu.dma_semaphore, #tpu.memory_space<semaphore_mem>>) {add = true}
        %dma_wait3A_59 = arith.constant 0 : i32
        %dma_wait3A_60 = tpu.memref_slice %arg9[%run_scoped3A_51, %dma_wait3A_59] : memref<2x128xi32, #tpu.memory_space<vmem>> -> memref<1x128xi32, #tpu.memory_space<vmem>>
        %dma_wait3A_61 = tpu.memref_squeeze %dma_wait3A_60 : memref<1x128xi32, #tpu.memory_space<vmem>> -> memref<128xi32, #tpu.memory_space<vmem>>
        %dma_wait3A_62 = arith.constant 0 : i32
        %dma_wait3A_63 = arith.constant 0 : i32
        %dma_wait3A_64 = tpu.memref_slice %arg7[%dma_wait3A_62, %dma_wait3A_63] : memref<10112x128xf32, #tpu.memory_space<vmem_shared>> -> memref<10112x128xf32, #tpu.memory_space<vmem_shared>>
        tpu.wait_indirect_dma semaphore(%run_scoped3A_52 : memref<!tpu.dma_semaphore, #tpu.memory_space<semaphore_mem>>) src(%arg11 : memref<128x128xf32, #tpu.memory_space<vmem>>) dst(%dma_wait3A_64 : memref<10112x128xf32, #tpu.memory_space<vmem_shared>>)
        tpu.yield
      }) : () -> ()
    }
    %scan3A_5 = arith.constant 40 : i32
    %barrier3A_6 = arith.constant 0 : index
    tpu.barrier barrier_id(%barrier3A_6)
    %mul3A_7 = arith.constant 10000 : i32
    %mul3A_8 = arith.muli %arg0, %mul3A_7 : i32
    %add3A = arith.addi %mul3A_8, %mul3A_0 : i32
    %lt3A = arith.constant 15 : i32
    %lt3A_9 = arith.cmpi slt, %arg1, %lt3A : i32
    %convert_element_type3A = arith.extui %lt3A_9 : i1 to i32
    %cond3A = arith.constant 0 : i32
    %cond3A_10 = arith.cmpi ne, %convert_element_type3A, %cond3A : i32
    scf.if %cond3A_10 {
      "tpu.region"() ({
        %run_scoped3A = tpu.sem_alloc : memref<!tpu.dma_semaphore, #tpu.memory_space<semaphore_mem>>
        %dma_start3A = arith.constant 0 : i32
        %dma_start3A_15 = tpu.memref_slice %arg6[%add3A, %dma_start3A] : memref<20000x128xf32, #tpu.memory_space<hbm>> -> memref<632x128xf32, #tpu.memory_space<hbm>>
        %dma_start3A_16 = arith.constant 0 : i32
        %dma_start3A_17 = tpu.memref_slice %arg7[%mul3A_0, %dma_start3A_16] : memref<10112x128xf32, #tpu.memory_space<vmem_shared>> -> memref<632x128xf32, #tpu.memory_space<vmem_shared>>
        tpu.enqueue_dma source(%dma_start3A_17 : memref<632x128xf32, #tpu.memory_space<vmem_shared>>) target(%dma_start3A_15 : memref<632x128xf32, #tpu.memory_space<hbm>>) target_semaphore(%run_scoped3A : memref<!tpu.dma_semaphore, #tpu.memory_space<semaphore_mem>>)
        %dma_wait3A = arith.constant 0 : i32
        %dma_wait3A_18 = tpu.memref_slice %arg6[%add3A, %dma_wait3A] : memref<20000x128xf32, #tpu.memory_space<hbm>> -> memref<632x128xf32, #tpu.memory_space<hbm>>
        %dma_wait3A_19 = arith.constant 0 : i32
        %dma_wait3A_20 = tpu.memref_slice %arg7[%mul3A_0, %dma_wait3A_19] : memref<10112x128xf32, #tpu.memory_space<vmem_shared>> -> memref<632x128xf32, #tpu.memory_space<vmem_shared>>
        tpu.wait_dma2 semaphore(%run_scoped3A : memref<!tpu.dma_semaphore, #tpu.memory_space<semaphore_mem>>) src(%dma_wait3A_20 : memref<632x128xf32, #tpu.memory_space<vmem_shared>>) dst(%dma_wait3A_18 : memref<632x128xf32, #tpu.memory_space<hbm>>)
        tpu.yield
      }) : () -> ()
    } else {
    }
    %eq3A = arith.constant 15 : i32
    %eq3A_11 = arith.cmpi eq, %arg1, %eq3A : i32
    %convert_element_type3A_12 = arith.extui %eq3A_11 : i1 to i32
    %cond3A_13 = arith.constant 0 : i32
    %cond3A_14 = arith.cmpi ne, %convert_element_type3A_12, %cond3A_13 : i32
    scf.if %cond3A_14 {
      "tpu.region"() ({
        %run_scoped3A = tpu.sem_alloc : memref<!tpu.dma_semaphore, #tpu.memory_space<semaphore_mem>>
        %dma_start3A = arith.constant 0 : i32
        %dma_start3A_15 = tpu.memref_slice %arg6[%add3A, %dma_start3A] : memref<20000x128xf32, #tpu.memory_space<hbm>> -> memref<520x128xf32, #tpu.memory_space<hbm>>
        %dma_start3A_16 = arith.constant 0 : i32
        %dma_start3A_17 = tpu.memref_slice %arg7[%mul3A_0, %dma_start3A_16] : memref<10112x128xf32, #tpu.memory_space<vmem_shared>> -> memref<520x128xf32, #tpu.memory_space<vmem_shared>>
        tpu.enqueue_dma source(%dma_start3A_17 : memref<520x128xf32, #tpu.memory_space<vmem_shared>>) target(%dma_start3A_15 : memref<520x128xf32, #tpu.memory_space<hbm>>) target_semaphore(%run_scoped3A : memref<!tpu.dma_semaphore, #tpu.memory_space<semaphore_mem>>)
        %dma_wait3A = arith.constant 0 : i32
        %dma_wait3A_18 = tpu.memref_slice %arg6[%add3A, %dma_wait3A] : memref<20000x128xf32, #tpu.memory_space<hbm>> -> memref<520x128xf32, #tpu.memory_space<hbm>>
        %dma_wait3A_19 = arith.constant 0 : i32
        %dma_wait3A_20 = tpu.memref_slice %arg7[%mul3A_0, %dma_wait3A_19] : memref<10112x128xf32, #tpu.memory_space<vmem_shared>> -> memref<520x128xf32, #tpu.memory_space<vmem_shared>>
        tpu.wait_dma2 semaphore(%run_scoped3A : memref<!tpu.dma_semaphore, #tpu.memory_space<semaphore_mem>>) src(%dma_wait3A_20 : memref<520x128xf32, #tpu.memory_space<vmem_shared>>) dst(%dma_wait3A_18 : memref<520x128xf32, #tpu.memory_space<hbm>>)
        tpu.yield
      }) : () -> ()
    } else {
    }
    return
  }
}

#map = affine_map<(d0, d1) -> (0, 0)>
#map1 = affine_map<(d0, d1) -> (0, 0, 0)>
module attributes {stable_mosaic.version = 14 : i64} {
  func.func @_seg_sum(%arg0: i32, %arg1: i32, %arg2: memref<20000x128xf32, #tpu.memory_space<hbm>>, %arg3: memref<1280x2x128xi32, #tpu.memory_space<hbm>>, %arg4: memref<640x2x128xi32, #tpu.memory_space<hbm>>, %arg5: memref<632x128xf32, #tpu.memory_space<hbm>>, %arg6: memref<20000x128xf32, #tpu.memory_space<hbm>>, %arg7: memref<10112x128xf32, #tpu.memory_space<vmem_shared>>, %arg8: memref<2x128xi32, #tpu.memory_space<vmem>>, %arg9: memref<2x128xi32, #tpu.memory_space<vmem>>, %arg10: memref<128x128xf32, #tpu.memory_space<vmem>>, %arg11: memref<128x128xf32, #tpu.memory_space<vmem>>, %arg12: memref<!tpu.dma_semaphore, #tpu.memory_space<semaphore_mem>>, %arg13: memref<!tpu.dma_semaphore, #tpu.memory_space<semaphore_mem>>) attributes {dimension_semantics = [#tpu.dimension_semantics<core_parallel>, #tpu.dimension_semantics<subcore_parallel>], iteration_bounds = array<i64: 2, 16>, scalar_prefetch = 0 : i64, scratch_operands = 7 : i64, tpu.core_type = #tpu.core_type<sc_vector_subcore>, window_params = [{transform_indices = #map}, {transform_indices = #map1}, {transform_indices = #map1}, {transform_indices = #map}, {transform_indices = #map}]} {
    %mul3A = arith.constant 632 : i32
    %mul3A_0 = arith.muli %arg1, %mul3A : i32
    "tpu.region"() ({
      %run_scoped3A = tpu.sem_alloc : memref<!tpu.dma_semaphore, #tpu.memory_space<semaphore_mem>>
      %dma_start3A = arith.constant 0 : i32
      %dma_start3A_15 = tpu.memref_slice %arg7[%mul3A_0, %dma_start3A] : memref<10112x128xf32, #tpu.memory_space<vmem_shared>> -> memref<632x128xf32, #tpu.memory_space<vmem_shared>>
      tpu.enqueue_dma source(%arg5 : memref<632x128xf32, #tpu.memory_space<hbm>>) target(%dma_start3A_15 : memref<632x128xf32, #tpu.memory_space<vmem_shared>>) target_semaphore(%run_scoped3A : memref<!tpu.dma_semaphore, #tpu.memory_space<semaphore_mem>>)
      %dma_wait3A = arith.constant 0 : i32
      %dma_wait3A_16 = tpu.memref_slice %arg7[%mul3A_0, %dma_wait3A] : memref<10112x128xf32, #tpu.memory_space<vmem_shared>> -> memref<632x128xf32, #tpu.memory_space<vmem_shared>>
      tpu.wait_dma2 semaphore(%run_scoped3A : memref<!tpu.dma_semaphore, #tpu.memory_space<semaphore_mem>>) src(%arg5 : memref<632x128xf32, #tpu.memory_space<hbm>>) dst(%dma_wait3A_16 : memref<632x128xf32, #tpu.memory_space<vmem_shared>>)
      tpu.yield
    }) : () -> ()
    %barrier3A = arith.constant 0 : index
    tpu.barrier barrier_id(%barrier3A)
    %scan3A = arith.constant 0 : i32
    %scan3A_1 = arith.constant 0 : i32
    %scan3A_2 = arith.constant 40 : i32
    %scan3A_3 = arith.addi %scan3A_1, %scan3A_2 : i32
    %scan3A_4 = arith.constant 1 : i32
    scf.for %scan3A_15 = %scan3A_1 to %scan3A_3 step %scan3A_4  : i32 {
      %mul3A_16 = arith.constant 16 : i32
      %mul3A_17 = arith.muli %arg0, %mul3A_16 : i32
      %add3A_18 = arith.addi %mul3A_17, %arg1 : i32
      %mul3A_19 = arith.constant 40 : i32
      %mul3A_20 = arith.muli %add3A_18, %mul3A_19 : i32
      %add3A_21 = arith.addi %mul3A_20, %scan3A_15 : i32
      "tpu.region"() ({
        %run_scoped3A_52 = tpu.sem_alloc : memref<!tpu.dma_semaphore, #tpu.memory_space<semaphore_mem>>
        %dma_start3A_53 = arith.constant 0 : i32
        %dma_start3A_54 = arith.constant 0 : i32
        %dma_start3A_55 = tpu.memref_slice %arg3[%add3A_21, %dma_start3A_53, %dma_start3A_54] : memref<1280x2x128xi32, #tpu.memory_space<hbm>> -> memref<1x2x128xi32, #tpu.memory_space<hbm>>
        %dma_start3A_56 = tpu.memref_squeeze %dma_start3A_55 : memref<1x2x128xi32, #tpu.memory_space<hbm>> -> memref<2x128xi32, #tpu.memory_space<hbm>>
        %dma_start3A_57 = arith.constant 0 : i32
        %dma_start3A_58 = arith.constant 0 : i32
        %dma_start3A_59 = tpu.memref_slice %arg3[%add3A_21, %dma_start3A_57, %dma_start3A_58] : memref<1280x2x128xi32, #tpu.memory_space<hbm>> -> memref<1x2x128xi32, #tpu.memory_space<hbm>>
        %dma_start3A_60 = tpu.memref_squeeze %dma_start3A_59 : memref<1x2x128xi32, #tpu.memory_space<hbm>> -> memref<2x128xi32, #tpu.memory_space<hbm>>
        tpu.enqueue_dma source(%dma_start3A_60 : memref<2x128xi32, #tpu.memory_space<hbm>>) target(%arg8 : memref<2x128xi32, #tpu.memory_space<vmem>>) target_semaphore(%run_scoped3A_52 : memref<!tpu.dma_semaphore, #tpu.memory_space<semaphore_mem>>)
        %dma_wait3A_61 = arith.constant 0 : i32
        %dma_wait3A_62 = arith.constant 0 : i32
        %dma_wait3A_63 = tpu.memref_slice %arg3[%add3A_21, %dma_wait3A_61, %dma_wait3A_62] : memref<1280x2x128xi32, #tpu.memory_space<hbm>> -> memref<1x2x128xi32, #tpu.memory_space<hbm>>
        %dma_wait3A_64 = tpu.memref_squeeze %dma_wait3A_63 : memref<1x2x128xi32, #tpu.memory_space<hbm>> -> memref<2x128xi32, #tpu.memory_space<hbm>>
        %dma_wait3A_65 = arith.constant 0 : i32
        %dma_wait3A_66 = arith.constant 0 : i32
        %dma_wait3A_67 = tpu.memref_slice %arg3[%add3A_21, %dma_wait3A_65, %dma_wait3A_66] : memref<1280x2x128xi32, #tpu.memory_space<hbm>> -> memref<1x2x128xi32, #tpu.memory_space<hbm>>
        %dma_wait3A_68 = tpu.memref_squeeze %dma_wait3A_67 : memref<1x2x128xi32, #tpu.memory_space<hbm>> -> memref<2x128xi32, #tpu.memory_space<hbm>>
        tpu.wait_dma2 semaphore(%run_scoped3A_52 : memref<!tpu.dma_semaphore, #tpu.memory_space<semaphore_mem>>) src(%dma_wait3A_68 : memref<2x128xi32, #tpu.memory_space<hbm>>) dst(%arg8 : memref<2x128xi32, #tpu.memory_space<vmem>>)
        tpu.yield
      }) : () -> ()
      %mul3A_22 = arith.constant 40 : i32
      %mul3A_23 = arith.muli %arg1, %mul3A_22 : i32
      %add3A_24 = arith.addi %mul3A_23, %scan3A_15 : i32
      "tpu.region"() ({
        %run_scoped3A_52 = tpu.sem_alloc : memref<!tpu.dma_semaphore, #tpu.memory_space<semaphore_mem>>
        %dma_start3A_53 = arith.constant 0 : i32
        %dma_start3A_54 = arith.constant 0 : i32
        %dma_start3A_55 = tpu.memref_slice %arg4[%add3A_24, %dma_start3A_53, %dma_start3A_54] : memref<640x2x128xi32, #tpu.memory_space<hbm>> -> memref<1x2x128xi32, #tpu.memory_space<hbm>>
        %dma_start3A_56 = tpu.memref_squeeze %dma_start3A_55 : memref<1x2x128xi32, #tpu.memory_space<hbm>> -> memref<2x128xi32, #tpu.memory_space<hbm>>
        %dma_start3A_57 = arith.constant 0 : i32
        %dma_start3A_58 = arith.constant 0 : i32
        %dma_start3A_59 = tpu.memref_slice %arg4[%add3A_24, %dma_start3A_57, %dma_start3A_58] : memref<640x2x128xi32, #tpu.memory_space<hbm>> -> memref<1x2x128xi32, #tpu.memory_space<hbm>>
        %dma_start3A_60 = tpu.memref_squeeze %dma_start3A_59 : memref<1x2x128xi32, #tpu.memory_space<hbm>> -> memref<2x128xi32, #tpu.memory_space<hbm>>
        tpu.enqueue_dma source(%dma_start3A_60 : memref<2x128xi32, #tpu.memory_space<hbm>>) target(%arg9 : memref<2x128xi32, #tpu.memory_space<vmem>>) target_semaphore(%run_scoped3A_52 : memref<!tpu.dma_semaphore, #tpu.memory_space<semaphore_mem>>)
        %dma_wait3A_61 = arith.constant 0 : i32
        %dma_wait3A_62 = arith.constant 0 : i32
        %dma_wait3A_63 = tpu.memref_slice %arg4[%add3A_24, %dma_wait3A_61, %dma_wait3A_62] : memref<640x2x128xi32, #tpu.memory_space<hbm>> -> memref<1x2x128xi32, #tpu.memory_space<hbm>>
        %dma_wait3A_64 = tpu.memref_squeeze %dma_wait3A_63 : memref<1x2x128xi32, #tpu.memory_space<hbm>> -> memref<2x128xi32, #tpu.memory_space<hbm>>
        %dma_wait3A_65 = arith.constant 0 : i32
        %dma_wait3A_66 = arith.constant 0 : i32
        %dma_wait3A_67 = tpu.memref_slice %arg4[%add3A_24, %dma_wait3A_65, %dma_wait3A_66] : memref<640x2x128xi32, #tpu.memory_space<hbm>> -> memref<1x2x128xi32, #tpu.memory_space<hbm>>
        %dma_wait3A_68 = tpu.memref_squeeze %dma_wait3A_67 : memref<1x2x128xi32, #tpu.memory_space<hbm>> -> memref<2x128xi32, #tpu.memory_space<hbm>>
        tpu.wait_dma2 semaphore(%run_scoped3A_52 : memref<!tpu.dma_semaphore, #tpu.memory_space<semaphore_mem>>) src(%dma_wait3A_68 : memref<2x128xi32, #tpu.memory_space<hbm>>) dst(%arg9 : memref<2x128xi32, #tpu.memory_space<vmem>>)
        tpu.yield
      }) : () -> ()
      %dma_start3A = arith.constant 0 : i32
      %dma_start3A_25 = arith.constant 0 : i32
      %dma_start3A_26 = tpu.memref_slice %arg8[%dma_start3A, %dma_start3A_25] : memref<2x128xi32, #tpu.memory_space<vmem>> -> memref<1x128xi32, #tpu.memory_space<vmem>>
      %dma_start3A_27 = tpu.memref_squeeze %dma_start3A_26 : memref<1x128xi32, #tpu.memory_space<vmem>> -> memref<128xi32, #tpu.memory_space<vmem>>
      %dma_start3A_28 = arith.constant 0 : i32
      %dma_start3A_29 = arith.constant 0 : i32
      %dma_start3A_30 = tpu.memref_slice %arg2[%dma_start3A_28, %dma_start3A_29] : memref<20000x128xf32, #tpu.memory_space<hbm>> -> memref<20000x128xf32, #tpu.memory_space<hbm>>
      tpu.enqueue_indirect_dma source(%dma_start3A_30 : memref<20000x128xf32, #tpu.memory_space<hbm>>) target(%arg10 : memref<128x128xf32, #tpu.memory_space<vmem>>) offsets(%dma_start3A_27 : memref<128xi32, #tpu.memory_space<vmem>>) semaphore(%arg12 : memref<!tpu.dma_semaphore, #tpu.memory_space<semaphore_mem>>)
      %dma_start3A_31 = arith.constant 1 : i32
      %dma_start3A_32 = arith.constant 0 : i32
      %dma_start3A_33 = tpu.memref_slice %arg8[%dma_start3A_31, %dma_start3A_32] : memref<2x128xi32, #tpu.memory_space<vmem>> -> memref<1x128xi32, #tpu.memory_space<vmem>>
      %dma_start3A_34 = tpu.memref_squeeze %dma_start3A_33 : memref<1x128xi32, #tpu.memory_space<vmem>> -> memref<128xi32, #tpu.memory_space<vmem>>
      %dma_start3A_35 = arith.constant 0 : i32
      %dma_start3A_36 = arith.constant 0 : i32
      %dma_start3A_37 = tpu.memref_slice %arg2[%dma_start3A_35, %dma_start3A_36] : memref<20000x128xf32, #tpu.memory_space<hbm>> -> memref<20000x128xf32, #tpu.memory_space<hbm>>
      tpu.enqueue_indirect_dma source(%dma_start3A_37 : memref<20000x128xf32, #tpu.memory_space<hbm>>) target(%arg11 : memref<128x128xf32, #tpu.memory_space<vmem>>) offsets(%dma_start3A_34 : memref<128xi32, #tpu.memory_space<vmem>>) semaphore(%arg13 : memref<!tpu.dma_semaphore, #tpu.memory_space<semaphore_mem>>)
      %dma_wait3A = arith.constant 0 : i32
      %dma_wait3A_38 = arith.constant 0 : i32
      %dma_wait3A_39 = tpu.memref_slice %arg8[%dma_wait3A, %dma_wait3A_38] : memref<2x128xi32, #tpu.memory_space<vmem>> -> memref<1x128xi32, #tpu.memory_space<vmem>>
      %dma_wait3A_40 = tpu.memref_squeeze %dma_wait3A_39 : memref<1x128xi32, #tpu.memory_space<vmem>> -> memref<128xi32, #tpu.memory_space<vmem>>
      %dma_wait3A_41 = arith.constant 0 : i32
      %dma_wait3A_42 = arith.constant 0 : i32
      %dma_wait3A_43 = tpu.memref_slice %arg2[%dma_wait3A_41, %dma_wait3A_42] : memref<20000x128xf32, #tpu.memory_space<hbm>> -> memref<20000x128xf32, #tpu.memory_space<hbm>>
      tpu.wait_indirect_dma semaphore(%arg12 : memref<!tpu.dma_semaphore, #tpu.memory_space<semaphore_mem>>) src(%dma_wait3A_43 : memref<20000x128xf32, #tpu.memory_space<hbm>>) dst(%arg10 : memref<128x128xf32, #tpu.memory_space<vmem>>)
      %run_scoped3A = arith.constant 0 : i32
      "tpu.region"() ({
        %run_scoped3A_52 = tpu.sem_alloc : memref<!tpu.dma_semaphore, #tpu.memory_space<semaphore_mem>>
        %dma_start3A_53 = arith.constant 0 : i32
        %dma_start3A_54 = tpu.memref_slice %arg9[%run_scoped3A, %dma_start3A_53] : memref<2x128xi32, #tpu.memory_space<vmem>> -> memref<1x128xi32, #tpu.memory_space<vmem>>
        %dma_start3A_55 = tpu.memref_squeeze %dma_start3A_54 : memref<1x128xi32, #tpu.memory_space<vmem>> -> memref<128xi32, #tpu.memory_space<vmem>>
        %dma_start3A_56 = arith.constant 0 : i32
        %dma_start3A_57 = arith.constant 0 : i32
        %dma_start3A_58 = tpu.memref_slice %arg7[%dma_start3A_56, %dma_start3A_57] : memref<10112x128xf32, #tpu.memory_space<vmem_shared>> -> memref<10112x128xf32, #tpu.memory_space<vmem_shared>>
        tpu.enqueue_indirect_dma source(%arg10 : memref<128x128xf32, #tpu.memory_space<vmem>>) target(%dma_start3A_58 : memref<10112x128xf32, #tpu.memory_space<vmem_shared>>) offsets(%dma_start3A_55 : memref<128xi32, #tpu.memory_space<vmem>>) semaphore(%run_scoped3A_52 : memref<!tpu.dma_semaphore, #tpu.memory_space<semaphore_mem>>) {add = true}
        %dma_wait3A_59 = arith.constant 0 : i32
        %dma_wait3A_60 = tpu.memref_slice %arg9[%run_scoped3A, %dma_wait3A_59] : memref<2x128xi32, #tpu.memory_space<vmem>> -> memref<1x128xi32, #tpu.memory_space<vmem>>
        %dma_wait3A_61 = tpu.memref_squeeze %dma_wait3A_60 : memref<1x128xi32, #tpu.memory_space<vmem>> -> memref<128xi32, #tpu.memory_space<vmem>>
        %dma_wait3A_62 = arith.constant 0 : i32
        %dma_wait3A_63 = arith.constant 0 : i32
        %dma_wait3A_64 = tpu.memref_slice %arg7[%dma_wait3A_62, %dma_wait3A_63] : memref<10112x128xf32, #tpu.memory_space<vmem_shared>> -> memref<10112x128xf32, #tpu.memory_space<vmem_shared>>
        tpu.wait_indirect_dma semaphore(%run_scoped3A_52 : memref<!tpu.dma_semaphore, #tpu.memory_space<semaphore_mem>>) src(%arg10 : memref<128x128xf32, #tpu.memory_space<vmem>>) dst(%dma_wait3A_64 : memref<10112x128xf32, #tpu.memory_space<vmem_shared>>)
        tpu.yield
      }) : () -> ()
      %dma_wait3A_44 = arith.constant 1 : i32
      %dma_wait3A_45 = arith.constant 0 : i32
      %dma_wait3A_46 = tpu.memref_slice %arg8[%dma_wait3A_44, %dma_wait3A_45] : memref<2x128xi32, #tpu.memory_space<vmem>> -> memref<1x128xi32, #tpu.memory_space<vmem>>
      %dma_wait3A_47 = tpu.memref_squeeze %dma_wait3A_46 : memref<1x128xi32, #tpu.memory_space<vmem>> -> memref<128xi32, #tpu.memory_space<vmem>>
      %dma_wait3A_48 = arith.constant 0 : i32
      %dma_wait3A_49 = arith.constant 0 : i32
      %dma_wait3A_50 = tpu.memref_slice %arg2[%dma_wait3A_48, %dma_wait3A_49] : memref<20000x128xf32, #tpu.memory_space<hbm>> -> memref<20000x128xf32, #tpu.memory_space<hbm>>
      tpu.wait_indirect_dma semaphore(%arg13 : memref<!tpu.dma_semaphore, #tpu.memory_space<semaphore_mem>>) src(%dma_wait3A_50 : memref<20000x128xf32, #tpu.memory_space<hbm>>) dst(%arg11 : memref<128x128xf32, #tpu.memory_space<vmem>>)
      %run_scoped3A_51 = arith.constant 1 : i32
      "tpu.region"() ({
        %run_scoped3A_52 = tpu.sem_alloc : memref<!tpu.dma_semaphore, #tpu.memory_space<semaphore_mem>>
        %dma_start3A_53 = arith.constant 0 : i32
        %dma_start3A_54 = tpu.memref_slice %arg9[%run_scoped3A_51, %dma_start3A_53] : memref<2x128xi32, #tpu.memory_space<vmem>> -> memref<1x128xi32, #tpu.memory_space<vmem>>
        %dma_start3A_55 = tpu.memref_squeeze %dma_start3A_54 : memref<1x128xi32, #tpu.memory_space<vmem>> -> memref<128xi32, #tpu.memory_space<vmem>>
        %dma_start3A_56 = arith.constant 0 : i32
        %dma_start3A_57 = arith.constant 0 : i32
        %dma_start3A_58 = tpu.memref_slice %arg7[%dma_start3A_56, %dma_start3A_57] : memref<10112x128xf32, #tpu.memory_space<vmem_shared>> -> memref<10112x128xf32, #tpu.memory_space<vmem_shared>>
        tpu.enqueue_indirect_dma source(%arg11 : memref<128x128xf32, #tpu.memory_space<vmem>>) target(%dma_start3A_58 : memref<10112x128xf32, #tpu.memory_space<vmem_shared>>) offsets(%dma_start3A_55 : memref<128xi32, #tpu.memory_space<vmem>>) semaphore(%run_scoped3A_52 : memref<!tpu.dma_semaphore, #tpu.memory_space<semaphore_mem>>) {add = true}
        %dma_wait3A_59 = arith.constant 0 : i32
        %dma_wait3A_60 = tpu.memref_slice %arg9[%run_scoped3A_51, %dma_wait3A_59] : memref<2x128xi32, #tpu.memory_space<vmem>> -> memref<1x128xi32, #tpu.memory_space<vmem>>
        %dma_wait3A_61 = tpu.memref_squeeze %dma_wait3A_60 : memref<1x128xi32, #tpu.memory_space<vmem>> -> memref<128xi32, #tpu.memory_space<vmem>>
        %dma_wait3A_62 = arith.constant 0 : i32
        %dma_wait3A_63 = arith.constant 0 : i32
        %dma_wait3A_64 = tpu.memref_slice %arg7[%dma_wait3A_62, %dma_wait3A_63] : memref<10112x128xf32, #tpu.memory_space<vmem_shared>> -> memref<10112x128xf32, #tpu.memory_space<vmem_shared>>
        tpu.wait_indirect_dma semaphore(%run_scoped3A_52 : memref<!tpu.dma_semaphore, #tpu.memory_space<semaphore_mem>>) src(%arg11 : memref<128x128xf32, #tpu.memory_space<vmem>>) dst(%dma_wait3A_64 : memref<10112x128xf32, #tpu.memory_space<vmem_shared>>)
        tpu.yield
      }) : () -> ()
    }
    %scan3A_5 = arith.constant 40 : i32
    %barrier3A_6 = arith.constant 0 : index
    tpu.barrier barrier_id(%barrier3A_6)
    %mul3A_7 = arith.constant 10000 : i32
    %mul3A_8 = arith.muli %arg0, %mul3A_7 : i32
    %add3A = arith.addi %mul3A_8, %mul3A_0 : i32
    %lt3A = arith.constant 15 : i32
    %lt3A_9 = arith.cmpi slt, %arg1, %lt3A : i32
    %convert_element_type3A = arith.extui %lt3A_9 : i1 to i32
    %cond3A = arith.constant 0 : i32
    %cond3A_10 = arith.cmpi ne, %convert_element_type3A, %cond3A : i32
    scf.if %cond3A_10 {
      "tpu.region"() ({
        %run_scoped3A = tpu.sem_alloc : memref<!tpu.dma_semaphore, #tpu.memory_space<semaphore_mem>>
        %dma_start3A = arith.constant 0 : i32
        %dma_start3A_15 = tpu.memref_slice %arg6[%add3A, %dma_start3A] : memref<20000x128xf32, #tpu.memory_space<hbm>> -> memref<632x128xf32, #tpu.memory_space<hbm>>
        %dma_start3A_16 = arith.constant 0 : i32
        %dma_start3A_17 = tpu.memref_slice %arg7[%mul3A_0, %dma_start3A_16] : memref<10112x128xf32, #tpu.memory_space<vmem_shared>> -> memref<632x128xf32, #tpu.memory_space<vmem_shared>>
        tpu.enqueue_dma source(%dma_start3A_17 : memref<632x128xf32, #tpu.memory_space<vmem_shared>>) target(%dma_start3A_15 : memref<632x128xf32, #tpu.memory_space<hbm>>) target_semaphore(%run_scoped3A : memref<!tpu.dma_semaphore, #tpu.memory_space<semaphore_mem>>)
        %dma_wait3A = arith.constant 0 : i32
        %dma_wait3A_18 = tpu.memref_slice %arg6[%add3A, %dma_wait3A] : memref<20000x128xf32, #tpu.memory_space<hbm>> -> memref<632x128xf32, #tpu.memory_space<hbm>>
        %dma_wait3A_19 = arith.constant 0 : i32
        %dma_wait3A_20 = tpu.memref_slice %arg7[%mul3A_0, %dma_wait3A_19] : memref<10112x128xf32, #tpu.memory_space<vmem_shared>> -> memref<632x128xf32, #tpu.memory_space<vmem_shared>>
        tpu.wait_dma2 semaphore(%run_scoped3A : memref<!tpu.dma_semaphore, #tpu.memory_space<semaphore_mem>>) src(%dma_wait3A_20 : memref<632x128xf32, #tpu.memory_space<vmem_shared>>) dst(%dma_wait3A_18 : memref<632x128xf32, #tpu.memory_space<hbm>>)
        tpu.yield
      }) : () -> ()
    } else {
    }
    %eq3A = arith.constant 15 : i32
    %eq3A_11 = arith.cmpi eq, %arg1, %eq3A : i32
    %convert_element_type3A_12 = arith.extui %eq3A_11 : i1 to i32
    %cond3A_13 = arith.constant 0 : i32
    %cond3A_14 = arith.cmpi ne, %convert_element_type3A_12, %cond3A_13 : i32
    scf.if %cond3A_14 {
      "tpu.region"() ({
        %run_scoped3A = tpu.sem_alloc : memref<!tpu.dma_semaphore, #tpu.memory_space<semaphore_mem>>
        %dma_start3A = arith.constant 0 : i32
        %dma_start3A_15 = tpu.memref_slice %arg6[%add3A, %dma_start3A] : memref<20000x128xf32, #tpu.memory_space<hbm>> -> memref<520x128xf32, #tpu.memory_space<hbm>>
        %dma_start3A_16 = arith.constant 0 : i32
        %dma_start3A_17 = tpu.memref_slice %arg7[%mul3A_0, %dma_start3A_16] : memref<10112x128xf32, #tpu.memory_space<vmem_shared>> -> memref<520x128xf32, #tpu.memory_space<vmem_shared>>
        tpu.enqueue_dma source(%dma_start3A_17 : memref<520x128xf32, #tpu.memory_space<vmem_shared>>) target(%dma_start3A_15 : memref<520x128xf32, #tpu.memory_space<hbm>>) target_semaphore(%run_scoped3A : memref<!tpu.dma_semaphore, #tpu.memory_space<semaphore_mem>>)
        %dma_wait3A = arith.constant 0 : i32
        %dma_wait3A_18 = tpu.memref_slice %arg6[%add3A, %dma_wait3A] : memref<20000x128xf32, #tpu.memory_space<hbm>> -> memref<520x128xf32, #tpu.memory_space<hbm>>
        %dma_wait3A_19 = arith.constant 0 : i32
        %dma_wait3A_20 = tpu.memref_slice %arg7[%mul3A_0, %dma_wait3A_19] : memref<10112x128xf32, #tpu.memory_space<vmem_shared>> -> memref<520x128xf32, #tpu.memory_space<vmem_shared>>
        tpu.wait_dma2 semaphore(%run_scoped3A : memref<!tpu.dma_semaphore, #tpu.memory_space<semaphore_mem>>) src(%dma_wait3A_20 : memref<520x128xf32, #tpu.memory_space<vmem_shared>>) dst(%dma_wait3A_18 : memref<520x128xf32, #tpu.memory_space<hbm>>)
        tpu.yield
      }) : () -> ()
    } else {
    }
    return
  }
}

module attributes {stable_mosaic.version = 14 : i64} {
  func.func @_tc_main_body(%arg0: i32, %arg1: memref<1000x256xf32, #tpu.memory_space<vmem>>, %arg2: memref<1000x128xf32, #tpu.memory_space<vmem>>, %arg3: memref<1000x128xf32, #tpu.memory_space<vmem>>, %arg4: memref<1000x128xf32, #tpu.memory_space<vmem>>, %arg5: memref<1000x128xf32, #tpu.memory_space<vmem>>, %arg6: memref<1000x128xf32, #tpu.memory_space<vmem>>, %arg7: memref<1000x128xf32, #tpu.memory_space<vmem>>, %arg8: memref<256x512xf32, #tpu.memory_space<vmem>>, %arg9: memref<256x512xf32, #tpu.memory_space<vmem>>, %arg10: memref<256x512xf32, #tpu.memory_space<vmem>>, %arg11: memref<1x512xf32, #tpu.memory_space<vmem>>, %arg12: memref<512x768xf32, #tpu.memory_space<vmem>>, %arg13: memref<1x256xf32, #tpu.memory_space<vmem>>, %arg14: memref<1000x256xf32, #tpu.memory_space<vmem>>, %arg15: memref<1000x128xf32, #tpu.memory_space<vmem>>, %arg16: memref<1000x128xf32, #tpu.memory_space<vmem>>, %arg17: memref<1000x128xf32, #tpu.memory_space<vmem>>, %arg18: memref<1000x128xf32, #tpu.memory_space<vmem>>) attributes {dimension_semantics = [#tpu.dimension_semantics<arbitrary>], iteration_bounds = array<i64: 10>, scalar_prefetch = 0 : i64, scratch_operands = 0 : i64, tpu.core_type = #tpu.core_type<tc>, window_params = [{transform_indices = @transform_0, window_bounds = array<i64: 1000, 256>}, {transform_indices = @transform_1, window_bounds = array<i64: 1000, 128>}, {transform_indices = @transform_2, window_bounds = array<i64: 1000, 128>}, {transform_indices = @transform_3, window_bounds = array<i64: 1000, 128>}, {transform_indices = @transform_4, window_bounds = array<i64: 1000, 128>}, {transform_indices = @transform_5, window_bounds = array<i64: 1000, 128>}, {transform_indices = @transform_6, window_bounds = array<i64: 1000, 128>}, {pipeline_mode = #tpu.pipeline_mode<synchronous>, transform_indices = @transform_7, window_bounds = array<i64: 256, 512>}, {pipeline_mode = #tpu.pipeline_mode<synchronous>, transform_indices = @transform_8, window_bounds = array<i64: 256, 512>}, {pipeline_mode = #tpu.pipeline_mode<synchronous>, transform_indices = @transform_9, window_bounds = array<i64: 256, 512>}, {pipeline_mode = #tpu.pipeline_mode<synchronous>, transform_indices = @transform_10, window_bounds = array<i64: 1, 512>}, {pipeline_mode = #tpu.pipeline_mode<synchronous>, transform_indices = @transform_11, window_bounds = array<i64: 512, 768>}, {pipeline_mode = #tpu.pipeline_mode<synchronous>, transform_indices = @transform_12, window_bounds = array<i64: 1, 256>}, {transform_indices = @transform_13, window_bounds = array<i64: 1000, 256>}, {transform_indices = @transform_14, window_bounds = array<i64: 1000, 128>}, {transform_indices = @transform_15, window_bounds = array<i64: 1000, 128>}, {transform_indices = @transform_16, window_bounds = array<i64: 1000, 128>}, {transform_indices = @transform_17, window_bounds = array<i64: 1000, 128>}]} {
    %get3A = arith.constant 0 : index
    %get3A_0 = arith.constant 0 : index
    %get3A_1 = vector.load %arg6[%get3A, %get3A_0] : memref<1000x128xf32, #tpu.memory_space<vmem>>, vector<1000x1xf32>
    %max3A = arith.constant 1.000000e+00 : f32
    %max3A_2 = vector.broadcast %max3A : f32 to vector<1000x1xf32>
    %max3A_3 = arith.maximumf %get3A_1, %max3A_2 : vector<1000x1xf32>
    %div3A = arith.constant 1.000000e+00 : f32
    %div3A_4 = vector.broadcast %div3A : f32 to vector<1000x1xf32>
    %div3A_5 = arith.divf %div3A_4, %max3A_3 : vector<1000x1xf32>
    %get3A_6 = arith.constant 0 : index
    %get3A_7 = arith.constant 0 : index
    %get3A_8 = vector.load %arg7[%get3A_6, %get3A_7] : memref<1000x128xf32, #tpu.memory_space<vmem>>, vector<1000x1xf32>
    %max3A_9 = arith.constant 1.000000e+00 : f32
    %max3A_10 = vector.broadcast %max3A_9 : f32 to vector<1000x1xf32>
    %max3A_11 = arith.maximumf %get3A_8, %max3A_10 : vector<1000x1xf32>
    %div3A_12 = arith.constant 1.000000e+00 : f32
    %div3A_13 = vector.broadcast %div3A_12 : f32 to vector<1000x1xf32>
    %div3A_14 = arith.divf %div3A_13, %max3A_11 : vector<1000x1xf32>
    %get3A_15 = arith.constant 0 : index
    %get3A_16 = arith.constant 0 : index
    %get3A_17 = vector.load %arg2[%get3A_15, %get3A_16] : memref<1000x128xf32, #tpu.memory_space<vmem>>, vector<1000x128xf32>
    %get3A_18 = arith.constant 0 : index
    %get3A_19 = arith.constant 0 : index
    %get3A_20 = vector.load %arg3[%get3A_18, %get3A_19] : memref<1000x128xf32, #tpu.memory_space<vmem>>, vector<1000x128xf32>
    %concatenate3A = tpu.concatenate %get3A_17, %get3A_20 in 1 : vector<1000x128xf32>, vector<1000x128xf32> -> vector<1000x256xf32>
    %mul3A = vector.broadcast %div3A_5 : vector<1000x1xf32> to vector<1000x256xf32>
    %mul3A_21 = arith.mulf %concatenate3A, %mul3A : vector<1000x256xf32>
    %get3A_22 = arith.constant 0 : index
    %get3A_23 = arith.constant 0 : index
    %get3A_24 = vector.load %arg4[%get3A_22, %get3A_23] : memref<1000x128xf32, #tpu.memory_space<vmem>>, vector<1000x128xf32>
    %get3A_25 = arith.constant 0 : index
    %get3A_26 = arith.constant 0 : index
    %get3A_27 = vector.load %arg5[%get3A_25, %get3A_26] : memref<1000x128xf32, #tpu.memory_space<vmem>>, vector<1000x128xf32>
    %concatenate3A_28 = tpu.concatenate %get3A_24, %get3A_27 in 1 : vector<1000x128xf32>, vector<1000x128xf32> -> vector<1000x256xf32>
    %mul3A_29 = vector.broadcast %div3A_14 : vector<1000x1xf32> to vector<1000x256xf32>
    %mul3A_30 = arith.mulf %concatenate3A_28, %mul3A_29 : vector<1000x256xf32>
    %get3A_31 = arith.constant 0 : index
    %get3A_32 = arith.constant 0 : index
    %get3A_33 = vector.load %arg1[%get3A_31, %get3A_32] : memref<1000x256xf32, #tpu.memory_space<vmem>>, vector<1000x256xf32>
    %get3A_34 = arith.constant 0 : index
    %get3A_35 = arith.constant 0 : index
    %get3A_36 = vector.load %arg8[%get3A_34, %get3A_35] : memref<256x512xf32, #tpu.memory_space<vmem>>, vector<256x512xf32>
    %dot_general3A = arith.constant dense<0.000000e+00> : vector<1000x512xf32>
    %dot_general3A_37 = tpu.matmul %get3A_33, %get3A_36, %dot_general3A {dimension_numbers = #tpu.dot_dimension_numbers<[1], [0], [0], [1], [0, 0, 1, 1], [], []>, transpose_lhs_hint = false} : vector<1000x256xf32>, vector<256x512xf32>, vector<1000x512xf32> -> vector<1000x512xf32>
    %get3A_38 = arith.constant 0 : index
    %get3A_39 = arith.constant 0 : index
    %get3A_40 = vector.load %arg9[%get3A_38, %get3A_39] : memref<256x512xf32, #tpu.memory_space<vmem>>, vector<256x512xf32>
    %dot_general3A_41 = arith.constant dense<0.000000e+00> : vector<1000x512xf32>
    %dot_general3A_42 = tpu.matmul %mul3A_21, %get3A_40, %dot_general3A_41 {dimension_numbers = #tpu.dot_dimension_numbers<[1], [0], [0], [1], [0, 0, 1, 1], [], []>, transpose_lhs_hint = false} : vector<1000x256xf32>, vector<256x512xf32>, vector<1000x512xf32> -> vector<1000x512xf32>
    %add3A = arith.addf %dot_general3A_37, %dot_general3A_42 : vector<1000x512xf32>
    %get3A_43 = arith.constant 0 : index
    %get3A_44 = arith.constant 0 : index
    %get3A_45 = vector.load %arg10[%get3A_43, %get3A_44] : memref<256x512xf32, #tpu.memory_space<vmem>>, vector<256x512xf32>
    %dot_general3A_46 = arith.constant dense<0.000000e+00> : vector<1000x512xf32>
    %dot_general3A_47 = tpu.matmul %mul3A_30, %get3A_45, %dot_general3A_46 {dimension_numbers = #tpu.dot_dimension_numbers<[1], [0], [0], [1], [0, 0, 1, 1], [], []>, transpose_lhs_hint = false} : vector<1000x256xf32>, vector<256x512xf32>, vector<1000x512xf32> -> vector<1000x512xf32>
    %add3A_48 = arith.addf %add3A, %dot_general3A_47 : vector<1000x512xf32>
    %get3A_49 = arith.constant 0 : index
    %get3A_50 = arith.constant 0 : index
    %get3A_51 = vector.load %arg11[%get3A_49, %get3A_50] : memref<1x512xf32, #tpu.memory_space<vmem>>, vector<1x512xf32>
    %add3A_52 = vector.broadcast %get3A_51 : vector<1x512xf32> to vector<1000x512xf32>
    %add3A_53 = arith.addf %add3A_48, %add3A_52 : vector<1000x512xf32>
    %max3A_54 = arith.constant 0.000000e+00 : f32
    %max3A_55 = vector.broadcast %max3A_54 : f32 to vector<1000x512xf32>
    %max3A_56 = arith.maximumf %add3A_53, %max3A_55 : vector<1000x512xf32>
    %get3A_57 = arith.constant 0 : index
    %get3A_58 = arith.constant 0 : index
    %get3A_59 = vector.load %arg12[%get3A_57, %get3A_58] : memref<512x768xf32, #tpu.memory_space<vmem>>, vector<512x768xf32>
    %dot_general3A_60 = arith.constant dense<0.000000e+00> : vector<1000x768xf32>
    %dot_general3A_61 = tpu.matmul %max3A_56, %get3A_59, %dot_general3A_60 {dimension_numbers = #tpu.dot_dimension_numbers<[1], [0], [0], [1], [0, 0, 1, 1], [], []>, transpose_lhs_hint = false} : vector<1000x512xf32>, vector<512x768xf32>, vector<1000x768xf32> -> vector<1000x768xf32>
    %slice3A = vector.extract_strided_slice %dot_general3A_61 {offsets = [0, 0], sizes = [1000, 256], strides = [1, 1]} : vector<1000x768xf32> to vector<1000x256xf32>
    %get3A_62 = arith.constant 0 : index
    %get3A_63 = arith.constant 0 : index
    %get3A_64 = vector.load %arg13[%get3A_62, %get3A_63] : memref<1x256xf32, #tpu.memory_space<vmem>>, vector<1x256xf32>
    %add3A_65 = vector.broadcast %get3A_64 : vector<1x256xf32> to vector<1000x256xf32>
    %add3A_66 = arith.addf %slice3A, %add3A_65 : vector<1000x256xf32>
    %swap3A = arith.constant 0 : index
    %swap3A_67 = arith.constant 0 : index
    %swap3A_68 = vector.load %arg14[%swap3A, %swap3A_67] : memref<1000x256xf32, #tpu.memory_space<vmem>>, vector<1000x256xf32>
    tpu.vector_store %arg14[%swap3A, %swap3A_67], %add3A_66 {strides = array<i32>} : memref<1000x256xf32, #tpu.memory_space<vmem>>, vector<1000x256xf32>,
    %slice3A_69 = vector.extract_strided_slice %dot_general3A_61 {offsets = [0, 256], sizes = [1000, 128], strides = [1, 1]} : vector<1000x768xf32> to vector<1000x128xf32>
    %swap3A_70 = arith.constant 0 : index
    %swap3A_71 = arith.constant 0 : index
    %swap3A_72 = vector.load %arg15[%swap3A_70, %swap3A_71] : memref<1000x128xf32, #tpu.memory_space<vmem>>, vector<1000x128xf32>
    tpu.vector_store %arg15[%swap3A_70, %swap3A_71], %slice3A_69 {strides = array<i32>} : memref<1000x128xf32, #tpu.memory_space<vmem>>, vector<1000x128xf32>,
    %slice3A_73 = vector.extract_strided_slice %dot_general3A_61 {offsets = [0, 384], sizes = [1000, 128], strides = [1, 1]} : vector<1000x768xf32> to vector<1000x128xf32>
    %swap3A_74 = arith.constant 0 : index
    %swap3A_75 = arith.constant 0 : index
    %swap3A_76 = vector.load %arg16[%swap3A_74, %swap3A_75] : memref<1000x128xf32, #tpu.memory_space<vmem>>, vector<1000x128xf32>
    tpu.vector_store %arg16[%swap3A_74, %swap3A_75], %slice3A_73 {strides = array<i32>} : memref<1000x128xf32, #tpu.memory_space<vmem>>, vector<1000x128xf32>,
    %slice3A_77 = vector.extract_strided_slice %dot_general3A_61 {offsets = [0, 512], sizes = [1000, 128], strides = [1, 1]} : vector<1000x768xf32> to vector<1000x128xf32>
    %swap3A_78 = arith.constant 0 : index
    %swap3A_79 = arith.constant 0 : index
    %swap3A_80 = vector.load %arg17[%swap3A_78, %swap3A_79] : memref<1000x128xf32, #tpu.memory_space<vmem>>, vector<1000x128xf32>
    tpu.vector_store %arg17[%swap3A_78, %swap3A_79], %slice3A_77 {strides = array<i32>} : memref<1000x128xf32, #tpu.memory_space<vmem>>, vector<1000x128xf32>,
    %slice3A_81 = vector.extract_strided_slice %dot_general3A_61 {offsets = [0, 640], sizes = [1000, 128], strides = [1, 1]} : vector<1000x768xf32> to vector<1000x128xf32>
    %swap3A_82 = arith.constant 0 : index
    %swap3A_83 = arith.constant 0 : index
    %swap3A_84 = vector.load %arg18[%swap3A_82, %swap3A_83] : memref<1000x128xf32, #tpu.memory_space<vmem>>, vector<1000x128xf32>
    tpu.vector_store %arg18[%swap3A_82, %swap3A_83], %slice3A_81 {strides = array<i32>} : memref<1000x128xf32, #tpu.memory_space<vmem>>, vector<1000x128xf32>,
    return
  }
  func.func @transform_0(%arg0: i32) -> (i32, i32) {
    %c0_i32 = arith.constant 0 : i32
    %c0_i32_0 = arith.constant 0 : i32
    return %arg0, %c0_i32 : i32, i32
  }
  func.func @transform_1(%arg0: i32) -> (i32, i32) {
    %c0_i32 = arith.constant 0 : i32
    %c0_i32_0 = arith.constant 0 : i32
    return %arg0, %c0_i32 : i32, i32
  }
  func.func @transform_2(%arg0: i32) -> (i32, i32) {
    %add3A = arith.constant 10 : i32
    %add3A_0 = arith.addi %arg0, %add3A : i32
    %c0_i32 = arith.constant 0 : i32
    %c0_i32_1 = arith.constant 0 : i32
    return %add3A_0, %c0_i32 : i32, i32
  }
  func.func @transform_3(%arg0: i32) -> (i32, i32) {
    %c0_i32 = arith.constant 0 : i32
    %c0_i32_0 = arith.constant 0 : i32
    return %arg0, %c0_i32 : i32, i32
  }
  func.func @transform_4(%arg0: i32) -> (i32, i32) {
    %add3A = arith.constant 10 : i32
    %add3A_0 = arith.addi %arg0, %add3A : i32
    %c0_i32 = arith.constant 0 : i32
    %c0_i32_1 = arith.constant 0 : i32
    return %add3A_0, %c0_i32 : i32, i32
  }
  func.func @transform_5(%arg0: i32) -> (i32, i32) {
    %c0_i32 = arith.constant 0 : i32
    %c0_i32_0 = arith.constant 0 : i32
    return %arg0, %c0_i32 : i32, i32
  }
  func.func @transform_6(%arg0: i32) -> (i32, i32) {
    %add3A = arith.constant 10 : i32
    %add3A_0 = arith.addi %arg0, %add3A : i32
    %c0_i32 = arith.constant 0 : i32
    %c0_i32_1 = arith.constant 0 : i32
    return %add3A_0, %c0_i32 : i32, i32
  }
  func.func @transform_7(%arg0: i32) -> (i32, i32) {
    %c0_i32 = arith.constant 0 : i32
    %c0_i32_0 = arith.constant 0 : i32
    %c0_i32_1 = arith.constant 0 : i32
    return %c0_i32, %c0_i32_0 : i32, i32
  }
  func.func @transform_8(%arg0: i32) -> (i32, i32) {
    %c0_i32 = arith.constant 0 : i32
    %c0_i32_0 = arith.constant 0 : i32
    %c0_i32_1 = arith.constant 0 : i32
    return %c0_i32, %c0_i32_0 : i32, i32
  }
  func.func @transform_9(%arg0: i32) -> (i32, i32) {
    %c0_i32 = arith.constant 0 : i32
    %c0_i32_0 = arith.constant 0 : i32
    %c0_i32_1 = arith.constant 0 : i32
    return %c0_i32, %c0_i32_0 : i32, i32
  }
  func.func @transform_10(%arg0: i32) -> (i32, i32) {
    %c0_i32 = arith.constant 0 : i32
    %c0_i32_0 = arith.constant 0 : i32
    %c0_i32_1 = arith.constant 0 : i32
    return %c0_i32, %c0_i32_0 : i32, i32
  }
  func.func @transform_11(%arg0: i32) -> (i32, i32) {
    %c0_i32 = arith.constant 0 : i32
    %c0_i32_0 = arith.constant 0 : i32
    %c0_i32_1 = arith.constant 0 : i32
    return %c0_i32, %c0_i32_0 : i32, i32
  }
  func.func @transform_12(%arg0: i32) -> (i32, i32) {
    %c0_i32 = arith.constant 0 : i32
    %c0_i32_0 = arith.constant 0 : i32
    %c0_i32_1 = arith.constant 0 : i32
    return %c0_i32, %c0_i32_0 : i32, i32
  }
  func.func @transform_13(%arg0: i32) -> (i32, i32) {
    %c0_i32 = arith.constant 0 : i32
    %c0_i32_0 = arith.constant 0 : i32
    return %arg0, %c0_i32 : i32, i32
  }
  func.func @transform_14(%arg0: i32) -> (i32, i32) {
    %c0_i32 = arith.constant 0 : i32
    %c0_i32_0 = arith.constant 0 : i32
    return %arg0, %c0_i32 : i32, i32
  }
  func.func @transform_15(%arg0: i32) -> (i32, i32) {
    %c0_i32 = arith.constant 0 : i32
    %c0_i32_0 = arith.constant 0 : i32
    return %arg0, %c0_i32 : i32, i32
  }
  func.func @transform_16(%arg0: i32) -> (i32, i32) {
    %c0_i32 = arith.constant 0 : i32
    %c0_i32_0 = arith.constant 0 : i32
    return %arg0, %c0_i32 : i32, i32
  }
  func.func @transform_17(%arg0: i32) -> (i32, i32) {
    %c0_i32 = arith.constant 0 : i32
    %c0_i32_0 = arith.constant 0 : i32
    return %arg0, %c0_i32 : i32, i32
  }
}

module attributes {stable_mosaic.version = 14 : i64} {
  func.func @_tc_final_body(%arg0: i32, %arg1: memref<1000x256xf32, #tpu.memory_space<vmem>>, %arg2: memref<1000x128xf32, #tpu.memory_space<vmem>>, %arg3: memref<1000x128xf32, #tpu.memory_space<vmem>>, %arg4: memref<1000x128xf32, #tpu.memory_space<vmem>>, %arg5: memref<1000x128xf32, #tpu.memory_space<vmem>>, %arg6: memref<1000x128xf32, #tpu.memory_space<vmem>>, %arg7: memref<1000x128xf32, #tpu.memory_space<vmem>>, %arg8: memref<1000x256xf32, #tpu.memory_space<vmem>>) attributes {dimension_semantics = [#tpu.dimension_semantics<arbitrary>], iteration_bounds = array<i64: 10>, scalar_prefetch = 0 : i64, scratch_operands = 0 : i64, tpu.core_type = #tpu.core_type<tc>, window_params = [{transform_indices = @transform_0, window_bounds = array<i64: 1000, 256>}, {transform_indices = @transform_1, window_bounds = array<i64: 1000, 128>}, {transform_indices = @transform_2, window_bounds = array<i64: 1000, 128>}, {transform_indices = @transform_3, window_bounds = array<i64: 1000, 128>}, {transform_indices = @transform_4, window_bounds = array<i64: 1000, 128>}, {transform_indices = @transform_5, window_bounds = array<i64: 1000, 128>}, {transform_indices = @transform_6, window_bounds = array<i64: 1000, 128>}, {transform_indices = @transform_7, window_bounds = array<i64: 1000, 256>}]} {
    %get3A = arith.constant 0 : index
    %get3A_0 = arith.constant 0 : index
    %get3A_1 = vector.load %arg6[%get3A, %get3A_0] : memref<1000x128xf32, #tpu.memory_space<vmem>>, vector<1000x1xf32>
    %max3A = arith.constant 1.000000e+00 : f32
    %max3A_2 = vector.broadcast %max3A : f32 to vector<1000x1xf32>
    %max3A_3 = arith.maximumf %get3A_1, %max3A_2 : vector<1000x1xf32>
    %div3A = arith.constant 1.000000e+00 : f32
    %div3A_4 = vector.broadcast %div3A : f32 to vector<1000x1xf32>
    %div3A_5 = arith.divf %div3A_4, %max3A_3 : vector<1000x1xf32>
    %get3A_6 = arith.constant 0 : index
    %get3A_7 = arith.constant 0 : index
    %get3A_8 = vector.load %arg7[%get3A_6, %get3A_7] : memref<1000x128xf32, #tpu.memory_space<vmem>>, vector<1000x1xf32>
    %max3A_9 = arith.constant 1.000000e+00 : f32
    %max3A_10 = vector.broadcast %max3A_9 : f32 to vector<1000x1xf32>
    %max3A_11 = arith.maximumf %get3A_8, %max3A_10 : vector<1000x1xf32>
    %div3A_12 = arith.constant 1.000000e+00 : f32
    %div3A_13 = vector.broadcast %div3A_12 : f32 to vector<1000x1xf32>
    %div3A_14 = arith.divf %div3A_13, %max3A_11 : vector<1000x1xf32>
    %get3A_15 = arith.constant 0 : index
    %get3A_16 = arith.constant 0 : index
    %get3A_17 = vector.load %arg2[%get3A_15, %get3A_16] : memref<1000x128xf32, #tpu.memory_space<vmem>>, vector<1000x128xf32>
    %mul3A = vector.broadcast %div3A_5 : vector<1000x1xf32> to vector<1000x128xf32>
    %mul3A_18 = arith.mulf %get3A_17, %mul3A : vector<1000x128xf32>
    %get3A_19 = arith.constant 0 : index
    %get3A_20 = arith.constant 0 : index
    %get3A_21 = vector.load %arg4[%get3A_19, %get3A_20] : memref<1000x128xf32, #tpu.memory_space<vmem>>, vector<1000x128xf32>
    %mul3A_22 = vector.broadcast %div3A_14 : vector<1000x1xf32> to vector<1000x128xf32>
    %mul3A_23 = arith.mulf %get3A_21, %mul3A_22 : vector<1000x128xf32>
    %add3A = arith.addf %mul3A_18, %mul3A_23 : vector<1000x128xf32>
    %get3A_24 = arith.constant 0 : index
    %get3A_25 = arith.constant 0 : index
    %get3A_26 = vector.load %arg3[%get3A_24, %get3A_25] : memref<1000x128xf32, #tpu.memory_space<vmem>>, vector<1000x128xf32>
    %mul3A_27 = vector.broadcast %div3A_5 : vector<1000x1xf32> to vector<1000x128xf32>
    %mul3A_28 = arith.mulf %get3A_26, %mul3A_27 : vector<1000x128xf32>
    %get3A_29 = arith.constant 0 : index
    %get3A_30 = arith.constant 0 : index
    %get3A_31 = vector.load %arg5[%get3A_29, %get3A_30] : memref<1000x128xf32, #tpu.memory_space<vmem>>, vector<1000x128xf32>
    %mul3A_32 = vector.broadcast %div3A_14 : vector<1000x1xf32> to vector<1000x128xf32>
    %mul3A_33 = arith.mulf %get3A_31, %mul3A_32 : vector<1000x128xf32>
    %add3A_34 = arith.addf %mul3A_28, %mul3A_33 : vector<1000x128xf32>
    %concatenate3A = tpu.concatenate %add3A, %add3A_34 in 1 : vector<1000x128xf32>, vector<1000x128xf32> -> vector<1000x256xf32>
    %get3A_35 = arith.constant 0 : index
    %get3A_36 = arith.constant 0 : index
    %get3A_37 = vector.load %arg1[%get3A_35, %get3A_36] : memref<1000x256xf32, #tpu.memory_space<vmem>>, vector<1000x256xf32>
    %add3A_38 = arith.addf %get3A_37, %concatenate3A : vector<1000x256xf32>
    %max3A_39 = arith.constant 0.000000e+00 : f32
    %max3A_40 = vector.broadcast %max3A_39 : f32 to vector<1000x256xf32>
    %max3A_41 = arith.maximumf %add3A_38, %max3A_40 : vector<1000x256xf32>
    %swap3A = arith.constant 0 : index
    %swap3A_42 = arith.constant 0 : index
    %swap3A_43 = vector.load %arg8[%swap3A, %swap3A_42] : memref<1000x256xf32, #tpu.memory_space<vmem>>, vector<1000x256xf32>
    tpu.vector_store %arg8[%swap3A, %swap3A_42], %max3A_41 {strides = array<i32>} : memref<1000x256xf32, #tpu.memory_space<vmem>>, vector<1000x256xf32>,
    return
  }
  func.func @transform_0(%arg0: i32) -> (i32, i32) {
    %c0_i32 = arith.constant 0 : i32
    %c0_i32_0 = arith.constant 0 : i32
    return %arg0, %c0_i32 : i32, i32
  }
  func.func @transform_1(%arg0: i32) -> (i32, i32) {
    %c0_i32 = arith.constant 0 : i32
    %c0_i32_0 = arith.constant 0 : i32
    return %arg0, %c0_i32 : i32, i32
  }
  func.func @transform_2(%arg0: i32) -> (i32, i32) {
    %add3A = arith.constant 10 : i32
    %add3A_0 = arith.addi %arg0, %add3A : i32
    %c0_i32 = arith.constant 0 : i32
    %c0_i32_1 = arith.constant 0 : i32
    return %add3A_0, %c0_i32 : i32, i32
  }
  func.func @transform_3(%arg0: i32) -> (i32, i32) {
    %c0_i32 = arith.constant 0 : i32
    %c0_i32_0 = arith.constant 0 : i32
    return %arg0, %c0_i32 : i32, i32
  }
  func.func @transform_4(%arg0: i32) -> (i32, i32) {
    %add3A = arith.constant 10 : i32
    %add3A_0 = arith.addi %arg0, %add3A : i32
    %c0_i32 = arith.constant 0 : i32
    %c0_i32_1 = arith.constant 0 : i32
    return %add3A_0, %c0_i32 : i32, i32
  }
  func.func @transform_5(%arg0: i32) -> (i32, i32) {
    %c0_i32 = arith.constant 0 : i32
    %c0_i32_0 = arith.constant 0 : i32
    return %arg0, %c0_i32 : i32, i32
  }
  func.func @transform_6(%arg0: i32) -> (i32, i32) {
    %add3A = arith.constant 10 : i32
    %add3A_0 = arith.addi %arg0, %add3A : i32
    %c0_i32 = arith.constant 0 : i32
    %c0_i32_1 = arith.constant 0 : i32
    return %add3A_0, %c0_i32 : i32, i32
  }
  func.func @transform_7(%arg0: i32) -> (i32, i32) {
    %c0_i32 = arith.constant 0 : i32
    %c0_i32_0 = arith.constant 0 : i32
    return %arg0, %c0_i32 : i32, i32
  }
}

</mosaic_0001>

<sc_bundles>
// kernel: kernel.12.cloned.1.call-start
scs
__scs_entry_jumppad:
0x0: {  	(pc) =	sbr.rel $0x88, $3  }
0x1: {  	(tag) =	ssettag $0x0;
	lr =	simm.s32 $0x1  }
0x2: {  	[smem:$0x3F92] =	sst lr;
	_ =	strace $0xD0000000  }
0x3: {  	_ = 	snop  }
0x4: {  	_ = 	snop  }
0x5: {  	_ = 	snop  }
0x6: {  	_ = 	snop  }
0x7: {  	_ = 	snop  }
__scs_overlays_trampoline_lowered:
0x8: {  	[smem:$0x3FA1] =	sst s0  }
0x9: {  	[smem:$0x3FA2] =	sst s1  }
0xa: {  	[smem:$0x3FA3] =	sst s2  }
0xb: {  	[smem:$0x3FA4] =	sst s3  }
0xc: {  	[smem:$0x3FA5] =	sst s4  }
0xd: {  	[smem:$0x3FA6] =	sst s5  }
0xe: {  	[smem:$0x3FA7] =	sst s6  }
0xf: {  	[smem:$0x3FA8] =	sst s7  }
0x10: {  	[smem:$0x3FA9] =	sst s8  }
0x11: {  	[smem:$0x3FAA] =	sst s9;
	s0 =	simm.s32 @!p0 $0x0  }
0x12: {  	s1 =	sld [smem:$0x3F90];
	s0 =	simm.s32 @p0 $0x1  }
0x13: {  	[smem:$0x3FAB] =	sst s0;
	s0 =	simm.s32 @!p1 $0x0  }
0x14: {  	s2 =	sld [smem:$0x3F8F];
	s0 =	simm.s32 @p1 $0x1  }
0x15: {  	[smem:$0x3FAC] =	sst s0;
	s0 =	simm.s32 @!p2 $0x0  }
0x16: {  	s3 =	sld [smem:$0x3FDB];
	s0 =	simm.s32 @p2 $0x1  }
0x17: {  	s4 =	simm.s32 $0x1BF5;
	[smem:$0x3FAE] =	sst s0  }
0x18: {  	s0 =	sld [smem:$0x3F91];
	_ =	swait.ge [sflag:s4], $0x0  }
0x19: {  	s7 =	sld [smem:$0x3F92]  }
0x1a: {  	s8 =	sadd.s32 $0xFFFFE003, lr  }
0x1b: {  	s9 =	sadd.s32 $0xFFFFFEF7, lr;
	s5 =	simm.s32 $0xFFFFFFFF;
	p2 =	slt.u32 s8, $0xFFFFF086  }
0x1c: {  	p1 =	slt.u32 s9, $0xF7A;
	s5 =	simm.s32 @!p2 $0x0  }
0x1d: {  	s5 =	simm.s32 @p1 $0x1;
	p0 =	seq.s32 s7, s2  }
0x1e: {  	s7 =	smul.u32 @!p0 $0xF7A, s2;
	p2 =	seq.s32 @!p0 s5, $0x0  }
0x1f: {  	s9 =	smul.u32 $0xF7A, s1;
	s8 =	simm.s32 @!p0 $0x1BF5;
	p2 =	por !p2, p0  }
0x20: {  	[sflag:s8] =	ssyncset.s32 @!p0 $0xFFFFF086;
	s6 =	sadd.s32 @!p0 s3, s7;
	s7 =	simm.s32 @!p0 $0x108  }
0x21: {  	s3 =	sadd.s32 s3, s9;
	s6 =	sadd.s32 @!p0 $0x88, s6;
	s7 =	simm.s32 @p2 $0x1082  }
0x22: {  	[simem:s7], [sflag:s8] =	dma.local @!p0 [hbm:s6], $0xF7A  }
0x23: {  	s9 =	sor.u32 $0xD0000000, s2;
	s6 =	simm.s32 $0x108;
	_ =	swait.ge @!p0 [sflag:s8], $0x0  }
0x24: {  	s3 =	sadd.s32 $0x88, s3;
	s6 =	simm.s32 @!p1 $0x1082;
	[sflag:s4] =	ssyncset.s32 $0xFFFFF086  }
0x25: {  	[simem:s6], [sflag:s4] =	dma.local [hbm:s3], $0xF7A  }
0x26: {  	[smem:$0x3F92] =	sst s1;
	(tag) =	ssettag s2;
	_ =	strace s9  }
0x27: {  	s1 =	sld [smem:$0x3FA2]  }
0x28: {  	s2 =	sld [smem:$0x3FA3]  }
0x29: {  	s4 =	sld [smem:$0x3FA5]  }
0x2a: {  	p0 =	seq.s32 s5, $0x0;
	s5 =	sld [smem:$0x3FA6]  }
0x2b: {  	s6 =	sld [smem:$0x3FA7]  }
0x2c: {  	s7 =	sld [smem:$0x3FA8]  }
0x2d: {  	s3 =	simm.s32 $0x108;
	s8 =	sld [smem:$0x3FA9]  }
0x2e: {  	s3 =	simm.s32 @!p0 $0x1082;
	s9 =	sld [smem:$0x3FAA]  }
0x2f: {  	lr =	sadd.s32 s0, s3;
	s0 =	sld [smem:$0x3FA1]  }
0x30: {  	s3 =	sld [smem:$0x3FA4]  }
0x31: {  	[smem:$0x3FAD] =	sst s10  }
0x32: {  	s10 =	sld [smem:$0x3FAB];
	_ =	sdelay $0x3  }
0x33: {  	p0 =	seq.s32 s10, $0x1;
	s10 =	sld [smem:$0x3FAD];
	_ =	sdelay $0x3  }
0x34: {  	[smem:$0x3FAD] =	sst s10  }
0x35: {  	s10 =	sld [smem:$0x3FAC];
	_ =	sdelay $0x3  }
0x36: {  	p1 =	seq.s32 s10, $0x1;
	s10 =	sld [smem:$0x3FAD];
	_ =	sdelay $0x3  }
0x37: {  	[smem:$0x3FAD] =	sst s10  }
0x38: {  	s10 =	sld [smem:$0x3FAE]  }
0x39: {  	_ = 	snop;
	(pc) =	sbr.ind lr, $3  }
0x3a: {  	_ = 	snop  }
0x3b: {  	_ = 	snop  }
0x3c: {  	p2 =	seq.s32 s10, $0x1;
	s10 =	sld [smem:$0x3FAD]  }
0x3d: {  	_ =	shalt  }
0x3e: {  	_ =	shalt  }
0x3f: {  	_ =	shalt  }
0x40: {  	_ =	shalt  }
0x41: {  	_ =	shalt  }
0x42: {  	_ =	shalt  }
0x43: {  	_ =	shalt  }
0x44: {  	_ =	shalt  }
0x45: {  	_ =	shalt  }
0x46: {  	_ =	shalt  }
0x47: {  	_ =	shalt  }
0x48: {  	_ =	shalt  }
0x49: {  	_ =	shalt  }
0x4a: {  	_ =	shalt  }
0x4b: {  	_ =	shalt  }
0x4c: {  	_ =	shalt  }
0x4d: {  	_ =	shalt  }
0x4e: {  	_ =	shalt  }
0x4f: {  	_ =	shalt  }
0x50: {  	_ =	shalt  }
0x51: {  	_ =	shalt  }
0x52: {  	_ =	shalt  }
0x53: {  	_ =	shalt  }
0x54: {  	_ =	shalt  }
0x55: {  	_ =	shalt  }
0x56: {  	_ =	shalt  }
0x57: {  	_ =	shalt  }
0x58: {  	_ =	shalt  }
0x59: {  	_ =	shalt  }
0x5a: {  	_ =	shalt  }
0x5b: {  	_ =	shalt  }
0x5c: {  	_ =	shalt  }
0x5d: {  	_ =	shalt  }
0x5e: {  	_ =	shalt  }
0x5f: {  	_ =	shalt  }
0x60: {  	_ =	shalt  }
0x61: {  	_ =	shalt  }
0x62: {  	_ =	shalt  }
0x63: {  	_ =	shalt  }
0x64: {  	_ =	shalt  }
0x65: {  	_ =	shalt  }
0x66: {  	_ =	shalt  }
0x67: {  	_ =	shalt  }
0x68: {  	_ =	shalt  }
0x69: {  	_ =	shalt  }
0x6a: {  	_ =	shalt  }
0x6b: {  	_ =	shalt  }
0x6c: {  	_ =	shalt  }
0x6d: {  	_ =	shalt  }
0x6e: {  	_ =	shalt  }
0x6f: {  	_ =	shalt  }
0x70: {  	_ =	shalt  }
0x71: {  	_ =	shalt  }
0x72: {  	_ =	shalt  }
0x73: {  	_ =	shalt  }
0x74: {  	_ =	shalt  }
0x75: {  	_ =	shalt  }
0x76: {  	_ =	shalt  }
0x77: {  	_ =	shalt  }
0x78: {  	_ =	shalt  }
0x79: {  	_ =	shalt  }
0x7a: {  	_ =	shalt  }
0x7b: {  	_ =	shalt  }
0x7c: {  	_ =	shalt  }
0x7d: {  	_ =	shalt  }
0x7e: {  	_ =	shalt  }
0x7f: {  	_ =	shalt  }
0x80: {  	_ =	shalt  }
0x81: {  	_ =	shalt  }
0x82: {  	_ =	shalt  }
0x83: {  	_ =	shalt  }
0x84: {  	_ =	shalt  }
0x85: {  	_ =	shalt  }
0x86: {  	_ =	shalt  }
0x87: {  	_ =	shalt  }
.Lfunc_end0:
.L_simem_size_0:
called_computation.1_lowered:
.L_overlay_start_0:
0x88: {  	s2 =	sld [smem:$0x3FD9]  }
0x89: {  	s3 =	sld [smem:$0x3FFE];
	_ =	sdelay $0x1  }
0x8a: {  	s1 =	srdreg.scid  }
0x8b: {  	s0 =	sand.u32 $0x1, s1  }
0x8c: {  	s17 =	sshll.u32 s0, $0xA;
	s2 =	sadd.s32 s3, s2  }
0x8d: {  	s2 =	sadd.s32 s2, s17  }
0x8e: {  	[smem:$0x3FB9] =	sst s2  }
0x8f: {  	_ = 	snop  }
0x90: {  	s18 =	sld [smem:$0x3FD0];
	(tm) =	ssettm $0x1  }
0x91: {  	s19 =	sld [smem:$0x3FFB];
	_ =	sdelay $0x3  }
0x92: {  	_ =	strace s19  }
0x93: {  	s2 =	sld [smem:$0x3FFC];
	_ =	sdelay $0x3  }
0x94: {  	_ =	strace s2  }
0x95: {  	s2 =	sld [smem:$0x3FFD];
	_ =	sdelay $0x3  }
0x96: {  	_ =	strace s2  }
0x97: {  	_ =	strace $0x8FFFFFFF  }
0x98: {  	s20 =	sld [smem:$0x3FDB];
	_ =	sdelay $0x1  }
0x99: {  	s4 =	simm.s32 $_scs_section_size  }
0x9a: {  	s5 =	simm.s32 $_size__tile_overlayer_lowered;
	s6 =	simm.s32 $_tile_overlayer_lowered  }
0x9b: {  	s7 =	simm.s32 $0x1BFF;
	s21 =	sshll.u32 s6, $0x1;
	s4 =	sadd.s32 s4, s20  }
0x9c: {  	s22 =	simm.s32 $0x0;
	s5 =	sshll.u32 s5, $0x1;
	s6 =	sadd.s32 s21, s4  }
0x9d: {  	[timem:s22], [sflag:s7] =	dma.local [hbm:s6], s5  }
0x9e: {  	_ =	swait.ge [sflag:s7], s5  }
0x9f: {  	s5 =	ssub.s32 $0x0, s5;
	[sflag:s7] =	ssyncset.done $0x0  }
0xa0: {  	[sflag:s7] =	ssyncadd.s32 s5;
	_ =	sdelay $0x1  }
0xa1: {  	s23 =	simm.s32 $0x1B8B  }
0xa2: {  	_ =	swait.ge [sflag:s23], $0x1  }
0xa3: {  	[sflag:s23] =	ssyncset.done $0x0  }
0xa4: {  	[sflag:s23] =	ssyncadd.s32 $0xFFFFFFFF  }
0xa5: {  	s5 =	sld [smem:$0x0]  }
0xa6: {  	s6 =	sand.u32 $0xFFFFFFFE, s1  }
0xa7: {  	p0 =	sne.s32 s1, s6  }
0xa8: {  	s6 =	sshll.u32 @p0 s6, $0xE  }
0xa9: {  	s6 =	sadd.s32 @p0 $0x11B8D, s6;
	s7 =	sshll.u32 @p0 s5, $0x11  }
0xaa: {  	s6 =	sor.u32 @p0 s7, s6  }
0xab: {  	[sflag:s6] =	ssyncadd.remote.s32 @p0 $0x1;
	_ =	sdelay $0x1  }
0xac: {  	s6 =	simm.s32 @p0 $0x1B8D  }
0xad: {  	_ =	swait.eq @p0 [sflag:s6], $0x1  }
0xae: {  	[sflag:s6] =	ssyncadd.s32 @p0 $0xFFFFFFFF  }
0xaf: {  	s7 =	sshll.u32 @!p0 s1, $0xE  }
0xb0: {  	s7 =	sor.u32 @!p0 $0x4000, s7;
	s6 =	simm.s32 @!p0 $0x1B8D  }
0xb1: {  	s5 =	sshll.u32 @!p0 s5, $0x11;
	s7 =	sadd.s32 @!p0 $0x11B8D, s7;
	_ =	swait.eq @!p0 [sflag:s6], $0x1  }
0xb2: {  	s5 =	sor.u32 @!p0 s5, s7;
	[sflag:s6] =	ssyncadd.s32 @!p0 $0xFFFFFFFF  }
0xb3: {  	s25 =	simm.s32 $0x1B8E;
	s24 =	sld [smem:$0x3FFE];
	[sflag:s5] =	ssyncadd.remote.s32 @!p0 $0x1  }
0xb4: {  	s26 =	simm.s32 $execute0_lowered;
	[smem:$0x3FD2] =	sst s25  }
0xb5: {  	s6 =	sshll.u32 s26, $0x1;
	_ =	strace $0x80000049;
	[dreg:$0x1] =	wrdreg $0xFFFFFFFF  }
0xb6: {  	s28 =	simm.s32 $_size_execute0_lowered;
	s4 =	sadd.s32 s4, s6;
	[dreg:$0x0] =	wrdreg $0x0  }
0xb7: {  	s6 =	sshll.u32 s28, $0x1;
	[dreg:$0x2] =	wrdreg s4  }
0xb8: {  	[dreg:$0x3] =	wrdreg s6  }
0xb9: {  	[dreg:$0x4] =	wrdreg $0xC0  }
0xba: {  	_ =	task [dreg:s22], $0x5FFFF  }
0xbb: {  	[dreg:$0x1] =	wrdreg $0xFFFFFFFF  }
0xbc: {  	[dreg:$0x0] =	wrdreg $0x60  }
0xbd: {  	[dreg:$0x2] =	wrdreg s18  }
0xbe: {  	[dreg:$0x3] =	wrdreg s24  }
0xbf: {  	[dreg:$0x4] =	wrdreg $0x0  }
0xc0: {  	[dreg:$0x5] =	wrdreg $0xA  }
0xc1: {  	_ =	task.clear_ibuf [dreg:s22], $0x6FFFF;
	_ =	strace $0x90000049  }
0xc2: {  	s29 =	simm.s32 $0xA;
	_ =	strace $0x8000004B  }
0xc3: {  	_ =	swait.ge [sflag:s29], $0x1  }
0xc4: {  	[sflag:s29] =	ssyncadd.s32 $0xFFFFFFFF  }
0xc5: {  	_ =	strace $0x9000004B  }
0xc6: {  	_ =	sfence  }
0xc7: {  	s30 =	sld [smem:$0x0];
	_ =	sdelay $0x2  }
0xc8: {  	s31 =	sshll.u32 s1, $0xD;
	s1 =	sshrl.u32 s1, $0x2  }
0xc9: {  	s4 =	sand.u32 $0x4000, s31;
	s1 =	sadd.s32 s1, s30  }
0xca: {  	s0 =	sor.u32 s4, s0;
	s1 =	sshll.u32 s1, $0x11  }
0xcb: {  	s0 =	sor.u32 s1, s0  }
0xcc: {  	s0 =	sadd.s32 $0x8F2B, s0  }
0xcd: {  	[sflag:s0] =	ssyncadd.remote.s32 $0x1  }
0xce: {  	_ =	sfence.sel $0xFFFF  }
0xcf: {  	[dreg:$0x0] =	wrdreg $0xFFFFFFFF;
	(pc) =	sbr.abs _section_cstart, $3  }
0xd0: {  	[dreg:$0x1] =	wrdreg $0xFFFFFFFF  }
0xd1: {  	_ =	task.clear_ibuf [dreg:s22], $0x2FFFF;
	_ =	strace $0x9FFFFFFF  }
0xd2: {  	(tm) =	ssettm $0x7FFFFFFF  }
0xd3: {  	_ =	shalt  }
tec
execute0_lowered:
.L_overlay_start_1:
0x0: {  	(tag) =	ssettag $0x1  }
0x1: {  	s1 =	rddreg [dreg:$0x0]  }
0x2: {  	s6 =	rddreg [dreg:$0x1];
	s0 =	stileid.u32  }
0x3: {  	s2 =	srdreg.scid;
	s3 =	rddreg [dreg:$0x2]  }
0x4: {  	s4 =	simm.s32 $0x0;
	s13 =	simm.s32 $0x13C00;
	s14 =	simm.s32 $0x13D00  }
0x5: {  	s15 =	simm.s32 $0x80;
	s16 =	simm.s32 $0x13E00;
	s17 =	simm.s32 $0x13C80  }
0x6: {  	s18 =	simm.s32 $0x17E00;
	s19 =	simm.s32 $0x1;
	s20 =	simm.s32 $0x2  }
0x7: {  	s21 =	simm.s32 $0x13D80;
	s24 =	simm.s32 $0x0;
	s5 =	smul.u32 $0x278, s0  }
0x8: {  	s7 =	sand.u32 $0x1, s2;
	s2 =	rddreg [dreg:$0x3];
	s9 =	smul.u32 $0x500, s0  }
0x9: {  	[smem:$0x7FF] =	sst s4;
	s10 =	smul.u32 $0x4F000, s0;
	s30 =	sshll.u32 s0, $0x6  }
0xa: {  	p0 =	seq.s32 s0, $0xF;
	s8 =	smul.u32 $0x2710, s7;
	_ =	strace $0x8000004A  }
0xb: {  	s29 =	ssub.s32 $0x2, s7;
	s12 =	smul.u32 $0x5000, s7;
	s9 =	sadd.s32 s9, s6  }
0xc: {  	s11 =	sshrl.u32 s29, $0x1;
	s10 =	sshrl.u32 s10, $0x2;
	s5 =	sadd.s32 s5, s8  }
0xd: {  	s11 =	ssub.s32 s29, s11;
	s23 =	sadd.s32 s10, s3;
	s31 =	sadd.s32 s12, s9  }
0xe: {  	s9 =	sadd.s32 $0x63000, s9;
	s12 =	simm.s32 $0x3;
	s8 =	sshll.u32 s5, $0x4  }
0xf: {  	s5 =	sadd.s32 $0x12600, s6;
	s10 =	sadd.s32 $0x68000, s31;
	s8 =	sadd.s32 s8, s6  }
0x10: {  	s22 =	sshrl.u32 @p0 s23, $0x3;
	s6 =	sor.u32 $0x1C03, s30;
	s7 =	sadd.s32 $0x72000, s8  }
0x11: {  	s8 =	smax.u32 s11, $0x1;
	s11 =	sshrl.u32 s23, $0x3;
	s23 =	sshrl.u32 @!p0 s23, $0x3  }
.LBB2_1:
0x12: {  	[spmem:s11], [sflag:s6] =	dma.local [hbm:s5], $0x2780  }
0x13: {  	_ =	swait.ge [sflag:s12], $0x2780  }
0x14: {  	[sflag:s12] =	ssyncset.done $0x0  }
0x15: {  	[sflag:s12] =	ssyncadd.s32 $0xFFFFD880  }
0x16: {  	s25 =	sadd.s32 $0x0, s10;
	[bflag:$0x0] =	sbarrier.arrive $0xFFFF  }
0x17: {  	[tilespmem:s13], [sflag:$0x3] =	stream.linear.gather [hbm4b:s25+s4], $0x100, $0x38;
	[tilespmem:$0x1BE00] =	vst v63  }
0x18: {  	_ =	swait.ge [sflag:s12], $0x100  }
0x19: {  	[sflag:s12] =	ssyncset.done $0x0  }
0x1a: {  	s31 =	sadd.s32 $0x0, s9;
	[sflag:s12] =	ssyncadd.s32 $0xFFFFFF00  }
0x1b: {  	[tilespmem:s14], [sflag:$0x3] =	stream.linear.gather [hbm4b:s31+s4], $0x100, $0x38;
	[tilespmem:$0x1BE00] =	vst v63  }
0x1c: {  	_ =	swait.ge [sflag:s12], $0x100  }
0x1d: {  	[sflag:s12] =	ssyncset.done $0x0  }
0x1e: {  	[sflag:s12] =	ssyncadd.s32 $0xFFFFFF00  }
0x1f: {  	[tilespmem:s16], [sflag:$0x1] =	stream.indirect.gather [hbm4b:s1+s15], $0x80, s13, s15, $0xb8;
	[tilespmem:$0x1BE00] =	vst v63  }
0x20: {  	_ = 	snop  }
0x21: {  	[tilespmem:s18], [sflag:$0x2] =	stream.indirect.gather [hbm4b:s1+s15], $0x80, s17, s15, $0xb8;
	[tilespmem:$0x1BE00] =	vst v63  }
0x22: {  	_ =	swait.ge [sflag:s19], $0x4000  }
0x23: {  	[sflag:s19] =	ssyncset.done $0x0  }
0x24: {  	[sflag:s19] =	ssyncadd.s32 $0xFFFFC000  }
0x25: {  	[spmem:s3] =	stream.indirect.scatter.add.f32 [tilespmem:s16], [sflag:$0x3], $0x80, s14, s15, $0xb8;
	[tilespmem:$0x1BE00] =	vst v63  }
0x26: {  	_ =	swait.ge [sflag:s12], $0x4000  }
0x27: {  	[sflag:s12] =	ssyncset.done $0x0  }
0x28: {  	[sflag:s12] =	ssyncadd.s32 $0xFFFFC000  }
0x29: {  	_ =	swait.ge [sflag:s20], $0x4000  }
0x2a: {  	[sflag:s20] =	ssyncset.done $0x0  }
0x2b: {  	[sflag:s20] =	ssyncadd.s32 $0xFFFFC000  }
0x2c: {  	[spmem:s3] =	stream.indirect.scatter.add.f32 [tilespmem:s18], [sflag:$0x3], $0x80, s21, s15, $0xb8;
	[tilespmem:$0x1BE00] =	vst v63  }
0x2d: {  	_ =	swait.ge [sflag:s12], $0x4000  }
0x2e: {  	s26 =	simm.s32 $0x40;
	s25 =	simm.s32 $0x20;
	[sflag:s12] =	ssyncset.done $0x0  }
.LBB2_2:
0x2f: {  	s28 =	sadd.s32 s25, s10  }
0x30: {  	[sflag:s12] =	ssyncadd.s32 $0xFFFFC000;
	s29 =	smov.u32 s26;
	s30 =	sadd.s32 $0x20, s26  }
0x31: {  	[tilespmem:s13], [sflag:$0x3] =	stream.linear.gather [hbm4b:s28+s4], $0x100, $0x38;
	[tilespmem:$0x1BE00] =	vst v63  }
0x32: {  	p1 =	sne.s32 s26, $0x4E0;
	_ =	swait.ge [sflag:s12], $0x100  }
0x33: {  	[sflag:s12] =	ssyncset.done $0x0  }
0x34: {  	s26 =	sadd.s32 s25, s9;
	s25 =	smov.u32 s29;
	[sflag:s12] =	ssyncadd.s32 $0xFFFFFF00  }
0x35: {  	[tilespmem:s14], [sflag:$0x3] =	stream.linear.gather [hbm4b:s26+s4], $0x100, $0x38;
	[tilespmem:$0x1BE00] =	vst v63  }
0x36: {  	_ =	swait.ge [sflag:s12], $0x100  }
0x37: {  	[sflag:s12] =	ssyncset.done $0x0  }
0x38: {  	[sflag:s12] =	ssyncadd.s32 $0xFFFFFF00  }
0x39: {  	[tilespmem:s16], [sflag:$0x1] =	stream.indirect.gather [hbm4b:s1+s15], $0x80, s13, s15, $0xb8;
	[tilespmem:$0x1BE00] =	vst v63  }
0x3a: {  	_ = 	snop  }
0x3b: {  	[tilespmem:s18], [sflag:$0x2] =	stream.indirect.gather [hbm4b:s1+s15], $0x80, s17, s15, $0xb8;
	[tilespmem:$0x1BE00] =	vst v63  }
0x3c: {  	_ =	swait.ge [sflag:s19], $0x4000  }
0x3d: {  	[sflag:s19] =	ssyncset.done $0x0  }
0x3e: {  	[sflag:s19] =	ssyncadd.s32 $0xFFFFC000  }
0x3f: {  	[spmem:s3] =	stream.indirect.scatter.add.f32 [tilespmem:s16], [sflag:$0x3], $0x80, s14, s15, $0xb8;
	[tilespmem:$0x1BE00] =	vst v63  }
0x40: {  	_ =	swait.ge [sflag:s12], $0x4000  }
0x41: {  	[sflag:s12] =	ssyncset.done $0x0  }
0x42: {  	[sflag:s12] =	ssyncadd.s32 $0xFFFFC000  }
0x43: {  	_ =	swait.ge [sflag:s20], $0x4000  }
.Ltmp0:
0x44: {  	[sflag:s20] =	ssyncset.done $0x0;
	(pc) =	sbr.rel @p1 .LBB2_2-.Ltmp0, $4  }
0x45: {  	[sflag:s20] =	ssyncadd.s32 $0xFFFFC000  }
0x46: {  	[spmem:s3] =	stream.indirect.scatter.add.f32 [tilespmem:s18], [sflag:$0x3], $0x80, s21, s15, $0xb8;
	[tilespmem:$0x1BE00] =	vst v63  }
0x47: {  	_ =	swait.ge [sflag:s12], $0x4000  }
0x48: {  	s26 =	smov.u32 s30;
	[sflag:s12] =	ssyncset.done $0x0  }
0x49: {  	s26 =	sadd.s32 s25, s10;
	[sflag:s12] =	ssyncadd.s32 $0xFFFFC000  }
0x4a: {  	[tilespmem:s13], [sflag:$0x3] =	stream.linear.gather [hbm4b:s26+s4], $0x100, $0x38;
	[tilespmem:$0x1BE00] =	vst v63  }
0x4b: {  	_ =	swait.ge [sflag:s12], $0x100  }
0x4c: {  	[sflag:s12] =	ssyncset.done $0x0  }
0x4d: {  	s31 =	sadd.s32 s25, s9;
	[sflag:s12] =	ssyncadd.s32 $0xFFFFFF00  }
0x4e: {  	[tilespmem:s14], [sflag:$0x3] =	stream.linear.gather [hbm4b:s31+s4], $0x100, $0x38;
	[tilespmem:$0x1BE00] =	vst v63  }
0x4f: {  	_ =	swait.ge [sflag:s12], $0x100  }
0x50: {  	[sflag:s12] =	ssyncset.done $0x0  }
0x51: {  	[sflag:s12] =	ssyncadd.s32 $0xFFFFFF00  }
0x52: {  	[tilespmem:s16], [sflag:$0x1] =	stream.indirect.gather [hbm4b:s1+s15], $0x80, s13, s15, $0xb8;
	[tilespmem:$0x1BE00] =	vst v63  }
0x53: {  	_ = 	snop  }
0x54: {  	[tilespmem:s18], [sflag:$0x2] =	stream.indirect.gather [hbm4b:s1+s15], $0x80, s17, s15, $0xb8;
	[tilespmem:$0x1BE00] =	vst v63  }
0x55: {  	_ =	swait.ge [sflag:s19], $0x4000  }
0x56: {  	[sflag:s19] =	ssyncset.done $0x0  }
0x57: {  	[sflag:s19] =	ssyncadd.s32 $0xFFFFC000  }
0x58: {  	[spmem:s3] =	stream.indirect.scatter.add.f32 [tilespmem:s16], [sflag:$0x3], $0x80, s14, s15, $0xb8;
	[tilespmem:$0x1BE00] =	vst v63  }
0x59: {  	_ =	swait.ge [sflag:s12], $0x4000  }
0x5a: {  	[sflag:s12] =	ssyncset.done $0x0  }
0x5b: {  	[sflag:s12] =	ssyncadd.s32 $0xFFFFC000  }
0x5c: {  	_ =	swait.ge [sflag:s20], $0x4000  }
0x5d: {  	[sflag:s20] =	ssyncset.done $0x0  }
0x5e: {  	[sflag:s20] =	ssyncadd.s32 $0xFFFFC000  }
0x5f: {  	[spmem:s3] =	stream.indirect.scatter.add.f32 [tilespmem:s18], [sflag:$0x3], $0x80, s21, s15, $0xb8;
	[tilespmem:$0x1BE00] =	vst v63  }
0x60: {  	_ =	swait.ge [sflag:s12], $0x4000  }
0x61: {  	[sflag:s12] =	ssyncset.done $0x0  }
0x62: {  	[sflag:s12] =	ssyncadd.s32 $0xFFFFC000  }
0x63: {  	s25 =	simm.s32 @p0 $0x3;
	[bflag:$0x0] =	sbarrier.arrive $0xFFFF  }
0x64: {  	[hbm:s7], [sflag:s6] =	dma.local @p0 [spmem:s22], $0x2080  }
0x65: {  	s24 =	sadd.s32 $0x1, s24;
	_ =	swait.ge @p0 [sflag:s25], $0x2080  }
0x66: {  	p1 =	sne.s32 s24, s8;
	[sflag:s25] =	ssyncset.done @p0 $0x0  }
.Ltmp1:
0x67: {  	[sflag:s25] =	ssyncadd.s32 @p0 $0xFFFFDF80;
	s25 =	simm.s32 @!p0 $0x3;
	(pc) =	sbr.rel @p1 .LBB2_1-.Ltmp1, $4  }
0x68: {  	[hbm:s7], [sflag:s6] =	dma.local @!p0 [spmem:s23], $0x2780  }
0x69: {  	_ =	swait.ge @!p0 [sflag:s25], $0x2780  }
0x6a: {  	[sflag:s25] =	ssyncset.done @!p0 $0x0  }
0x6b: {  	[sflag:s25] =	ssyncadd.s32 @!p0 $0xFFFFD880  }
0x6c: {  	_ =	sfence.sel $0x180000  }
0x6d: {  	[bflag:$0x0] =	sbarrier.arrive $0xFFFF  }
0x6e: {  	p0 =	sne.s32 s0, $0x0;
	_ =	strace $0x9000004A  }
0x6f: {  	s0 =	sadd.s32 @!p0 $0x100000, s2;
	[bflag:$0x2] =	sbarrier.arrive $0xFFFF  }
0x70: {  	[sflag:s0] =	ssyncadd.tile.s32 @!p0 $0x1;
	_ =	shalt  }
.Lfunc_end2:
_tile_overlayer_lowered:
.L_overlay_start_2:
0x71: {  	(tag) =	ssettag $0x2  }
0x72: {  	s0 =	rddreg [dreg:$0x0];
	s2 =	stileid.u32  }
0x73: {  	s1 =	rddreg [dreg:$0x1];
	p0 =	sne.s32 s2, $0x0  }
0x74: {  	s3 =	rddreg [dreg:$0x2];
	[bflag:$0x3] =	sbarrier.arrive $0xFFFF;
	s2 =	simm.s32 @!p0 $0x1C03  }
0x75: {  	[timem:s3], [sflag:s2] =	dma.local @!p0 [hbm:s0], s1  }
0x76: {  	s0 =	simm.s32 @!p0 $0x3  }
0x77: {  	_ =	swait.ge @!p0 [sflag:s0], s1  }
0x78: {  	s1 =	ssub.s32 @!p0 $0x0, s1;
	[sflag:s0] =	ssyncset.done @!p0 $0x0  }
0x79: {  	[sflag:s0] =	ssyncadd.s32 @!p0 s1  }
0x7a: {  	[bflag:$0x3] =	sbarrier.arrive $0xFFFF  }
0x7b: {  	_ =	shalt  }

// kernel: kernel.15.cloned.1.call-start
scs
__scs_entry_jumppad:
0x0: {  	(pc) =	sbr.rel $0x88, $3  }
0x1: {  	(tag) =	ssettag $0x0;
	lr =	simm.s32 $0x1  }
0x2: {  	[smem:$0x3F92] =	sst lr;
	_ =	strace $0xD0000000  }
0x3: {  	_ = 	snop  }
0x4: {  	_ = 	snop  }
0x5: {  	_ = 	snop  }
0x6: {  	_ = 	snop  }
0x7: {  	_ = 	snop  }
__scs_overlays_trampoline_lowered:
0x8: {  	[smem:$0x3FA1] =	sst s0  }
0x9: {  	[smem:$0x3FA2] =	sst s1  }
0xa: {  	[smem:$0x3FA3] =	sst s2  }
0xb: {  	[smem:$0x3FA4] =	sst s3  }
0xc: {  	[smem:$0x3FA5] =	sst s4  }
0xd: {  	[smem:$0x3FA6] =	sst s5  }
0xe: {  	[smem:$0x3FA7] =	sst s6  }
0xf: {  	[smem:$0x3FA8] =	sst s7  }
0x10: {  	[smem:$0x3FA9] =	sst s8  }
0x11: {  	[smem:$0x3FAA] =	sst s9;
	s0 =	simm.s32 @!p0 $0x0  }
0x12: {  	s1 =	sld [smem:$0x3F90];
	s0 =	simm.s32 @p0 $0x1  }
0x13: {  	[smem:$0x3FAB] =	sst s0;
	s0 =	simm.s32 @!p1 $0x0  }
0x14: {  	s2 =	sld [smem:$0x3F8F];
	s0 =	simm.s32 @p1 $0x1  }
0x15: {  	[smem:$0x3FAC] =	sst s0;
	s0 =	simm.s32 @!p2 $0x0  }
0x16: {  	s3 =	sld [smem:$0x3FDB];
	s0 =	simm.s32 @p2 $0x1  }
0x17: {  	s4 =	simm.s32 $0x1BF5;
	[smem:$0x3FAE] =	sst s0  }
0x18: {  	s0 =	sld [smem:$0x3F91];
	_ =	swait.ge [sflag:s4], $0x0  }
0x19: {  	s7 =	sld [smem:$0x3F92]  }
0x1a: {  	s8 =	sadd.s32 $0xFFFFE003, lr  }
0x1b: {  	s9 =	sadd.s32 $0xFFFFFEF7, lr;
	s5 =	simm.s32 $0xFFFFFFFF;
	p2 =	slt.u32 s8, $0xFFFFF086  }
0x1c: {  	p1 =	slt.u32 s9, $0xF7A;
	s5 =	simm.s32 @!p2 $0x0  }
0x1d: {  	s5 =	simm.s32 @p1 $0x1;
	p0 =	seq.s32 s7, s2  }
0x1e: {  	s7 =	smul.u32 @!p0 $0xF7A, s2;
	p2 =	seq.s32 @!p0 s5, $0x0  }
0x1f: {  	s9 =	smul.u32 $0xF7A, s1;
	s8 =	simm.s32 @!p0 $0x1BF5;
	p2 =	por !p2, p0  }
0x20: {  	[sflag:s8] =	ssyncset.s32 @!p0 $0xFFFFF086;
	s6 =	sadd.s32 @!p0 s3, s7;
	s7 =	simm.s32 @!p0 $0x108  }
0x21: {  	s3 =	sadd.s32 s3, s9;
	s6 =	sadd.s32 @!p0 $0x88, s6;
	s7 =	simm.s32 @p2 $0x1082  }
0x22: {  	[simem:s7], [sflag:s8] =	dma.local @!p0 [hbm:s6], $0xF7A  }
0x23: {  	s9 =	sor.u32 $0xD0000000, s2;
	s6 =	simm.s32 $0x108;
	_ =	swait.ge @!p0 [sflag:s8], $0x0  }
0x24: {  	s3 =	sadd.s32 $0x88, s3;
	s6 =	simm.s32 @!p1 $0x1082;
	[sflag:s4] =	ssyncset.s32 $0xFFFFF086  }
0x25: {  	[simem:s6], [sflag:s4] =	dma.local [hbm:s3], $0xF7A  }
0x26: {  	[smem:$0x3F92] =	sst s1;
	(tag) =	ssettag s2;
	_ =	strace s9  }
0x27: {  	s1 =	sld [smem:$0x3FA2]  }
0x28: {  	s2 =	sld [smem:$0x3FA3]  }
0x29: {  	s4 =	sld [smem:$0x3FA5]  }
0x2a: {  	p0 =	seq.s32 s5, $0x0;
	s5 =	sld [smem:$0x3FA6]  }
0x2b: {  	s6 =	sld [smem:$0x3FA7]  }
0x2c: {  	s7 =	sld [smem:$0x3FA8]  }
0x2d: {  	s3 =	simm.s32 $0x108;
	s8 =	sld [smem:$0x3FA9]  }
0x2e: {  	s3 =	simm.s32 @!p0 $0x1082;
	s9 =	sld [smem:$0x3FAA]  }
0x2f: {  	lr =	sadd.s32 s0, s3;
	s0 =	sld [smem:$0x3FA1]  }
0x30: {  	s3 =	sld [smem:$0x3FA4]  }
0x31: {  	[smem:$0x3FAD] =	sst s10  }
0x32: {  	s10 =	sld [smem:$0x3FAB];
	_ =	sdelay $0x3  }
0x33: {  	p0 =	seq.s32 s10, $0x1;
	s10 =	sld [smem:$0x3FAD];
	_ =	sdelay $0x3  }
0x34: {  	[smem:$0x3FAD] =	sst s10  }
0x35: {  	s10 =	sld [smem:$0x3FAC];
	_ =	sdelay $0x3  }
0x36: {  	p1 =	seq.s32 s10, $0x1;
	s10 =	sld [smem:$0x3FAD];
	_ =	sdelay $0x3  }
0x37: {  	[smem:$0x3FAD] =	sst s10  }
0x38: {  	s10 =	sld [smem:$0x3FAE]  }
0x39: {  	_ = 	snop;
	(pc) =	sbr.ind lr, $3  }
0x3a: {  	_ = 	snop  }
0x3b: {  	_ = 	snop  }
0x3c: {  	p2 =	seq.s32 s10, $0x1;
	s10 =	sld [smem:$0x3FAD]  }
0x3d: {  	_ =	shalt  }
0x3e: {  	_ =	shalt  }
0x3f: {  	_ =	shalt  }
0x40: {  	_ =	shalt  }
0x41: {  	_ =	shalt  }
0x42: {  	_ =	shalt  }
0x43: {  	_ =	shalt  }
0x44: {  	_ =	shalt  }
0x45: {  	_ =	shalt  }
0x46: {  	_ =	shalt  }
0x47: {  	_ =	shalt  }
0x48: {  	_ =	shalt  }
0x49: {  	_ =	shalt  }
0x4a: {  	_ =	shalt  }
0x4b: {  	_ =	shalt  }
0x4c: {  	_ =	shalt  }
0x4d: {  	_ =	shalt  }
0x4e: {  	_ =	shalt  }
0x4f: {  	_ =	shalt  }
0x50: {  	_ =	shalt  }
0x51: {  	_ =	shalt  }
0x52: {  	_ =	shalt  }
0x53: {  	_ =	shalt  }
0x54: {  	_ =	shalt  }
0x55: {  	_ =	shalt  }
0x56: {  	_ =	shalt  }
0x57: {  	_ =	shalt  }
0x58: {  	_ =	shalt  }
0x59: {  	_ =	shalt  }
0x5a: {  	_ =	shalt  }
0x5b: {  	_ =	shalt  }
0x5c: {  	_ =	shalt  }
0x5d: {  	_ =	shalt  }
0x5e: {  	_ =	shalt  }
0x5f: {  	_ =	shalt  }
0x60: {  	_ =	shalt  }
0x61: {  	_ =	shalt  }
0x62: {  	_ =	shalt  }
0x63: {  	_ =	shalt  }
0x64: {  	_ =	shalt  }
0x65: {  	_ =	shalt  }
0x66: {  	_ =	shalt  }
0x67: {  	_ =	shalt  }
0x68: {  	_ =	shalt  }
0x69: {  	_ =	shalt  }
0x6a: {  	_ =	shalt  }
0x6b: {  	_ =	shalt  }
0x6c: {  	_ =	shalt  }
0x6d: {  	_ =	shalt  }
0x6e: {  	_ =	shalt  }
0x6f: {  	_ =	shalt  }
0x70: {  	_ =	shalt  }
0x71: {  	_ =	shalt  }
0x72: {  	_ =	shalt  }
0x73: {  	_ =	shalt  }
0x74: {  	_ =	shalt  }
0x75: {  	_ =	shalt  }
0x76: {  	_ =	shalt  }
0x77: {  	_ =	shalt  }
0x78: {  	_ =	shalt  }
0x79: {  	_ =	shalt  }
0x7a: {  	_ =	shalt  }
0x7b: {  	_ =	shalt  }
0x7c: {  	_ =	shalt  }
0x7d: {  	_ =	shalt  }
0x7e: {  	_ =	shalt  }
0x7f: {  	_ =	shalt  }
0x80: {  	_ =	shalt  }
0x81: {  	_ =	shalt  }
0x82: {  	_ =	shalt  }
0x83: {  	_ =	shalt  }
0x84: {  	_ =	shalt  }
0x85: {  	_ =	shalt  }
0x86: {  	_ =	shalt  }
0x87: {  	_ =	shalt  }
.Lfunc_end0:
.L_simem_size_0:
called_computation.2_lowered:
.L_overlay_start_0:
0x88: {  	s2 =	sld [smem:$0x3FD9]  }
0x89: {  	s3 =	sld [smem:$0x3FFE];
	_ =	sdelay $0x1  }
0x8a: {  	s1 =	srdreg.scid  }
0x8b: {  	s0 =	sand.u32 $0x1, s1  }
0x8c: {  	s17 =	sshll.u32 s0, $0xA;
	s2 =	sadd.s32 s3, s2  }
0x8d: {  	s2 =	sadd.s32 s2, s17  }
0x8e: {  	[smem:$0x3FB9] =	sst s2  }
0x8f: {  	_ = 	snop  }
0x90: {  	s2 =	sld [smem:$0x3FD0];
	(tm) =	ssettm $0x1  }
0x91: {  	s18 =	sld [smem:$0x3FFB];
	_ =	sdelay $0x3  }
0x92: {  	_ =	strace s18  }
0x93: {  	s3 =	sld [smem:$0x3FFC];
	_ =	sdelay $0x3  }
0x94: {  	_ =	strace s3  }
0x95: {  	s3 =	sld [smem:$0x3FFD];
	_ =	sdelay $0x3  }
0x96: {  	_ =	strace s3  }
0x97: {  	_ =	strace $0x8FFFFFFF  }
0x98: {  	s19 =	sld [smem:$0x3FDB];
	_ =	sdelay $0x1  }
0x99: {  	s4 =	simm.s32 $_scs_section_size  }
0x9a: {  	s5 =	simm.s32 $_size__tile_overlayer_lowered;
	s6 =	simm.s32 $_tile_overlayer_lowered  }
0x9b: {  	s22 =	simm.s32 $0x1BFF;
	s21 =	sshll.u32 s6, $0x1;
	s3 =	sadd.s32 s4, s19  }
0x9c: {  	s7 =	simm.s32 $0x0;
	s20 =	sshll.u32 s5, $0x1;
	s5 =	sadd.s32 s21, s3  }
0x9d: {  	[timem:s7], [sflag:s22] =	dma.local [hbm:s5], s20  }
0x9e: {  	_ =	swait.ge [sflag:s22], s20  }
0x9f: {  	s4 =	ssub.s32 $0x0, s20;
	[sflag:s22] =	ssyncset.done $0x0  }
0xa0: {  	[sflag:s22] =	ssyncadd.s32 s4;
	_ =	sdelay $0x1  }
0xa1: {  	s23 =	simm.s32 $0x1B8B  }
0xa2: {  	_ =	swait.ge [sflag:s23], $0x1  }
0xa3: {  	[sflag:s23] =	ssyncset.done $0x0  }
0xa4: {  	s25 =	simm.s32 $0x1B8E;
	s24 =	sld [smem:$0x3FFE];
	[sflag:s23] =	ssyncadd.s32 $0xFFFFFFFF  }
0xa5: {  	s26 =	simm.s32 $execute0_lowered;
	[smem:$0x3FD2] =	sst s25  }
0xa6: {  	s5 =	sshll.u32 s26, $0x1;
	_ =	strace $0x80000046;
	[dreg:$0x1] =	wrdreg $0xFFFFFFFF  }
0xa7: {  	s28 =	simm.s32 $_size_execute0_lowered;
	s3 =	sadd.s32 s3, s5;
	[dreg:$0x0] =	wrdreg $0x0  }
0xa8: {  	s5 =	sshll.u32 s28, $0x1;
	[dreg:$0x2] =	wrdreg s3  }
0xa9: {  	[dreg:$0x3] =	wrdreg s5  }
0xaa: {  	[dreg:$0x4] =	wrdreg $0xC0  }
0xab: {  	_ =	task [dreg:s7], $0x5FFFF  }
0xac: {  	[dreg:$0x1] =	wrdreg $0xFFFFFFFF  }
0xad: {  	[dreg:$0x0] =	wrdreg $0x60  }
0xae: {  	[dreg:$0x2] =	wrdreg s2  }
0xaf: {  	[dreg:$0x3] =	wrdreg s24  }
0xb0: {  	[dreg:$0x4] =	wrdreg $0x0  }
0xb1: {  	[dreg:$0x5] =	wrdreg $0xB  }
0xb2: {  	_ =	task.clear_ibuf [dreg:s7], $0x6FFFF;
	_ =	strace $0x90000046  }
0xb3: {  	s29 =	simm.s32 $0xB;
	_ =	strace $0x80000048  }
0xb4: {  	_ =	swait.ge [sflag:s29], $0x1  }
0xb5: {  	[sflag:s29] =	ssyncadd.s32 $0xFFFFFFFF  }
0xb6: {  	_ =	strace $0x90000048  }
0xb7: {  	_ =	sfence  }
0xb8: {  	s30 =	sld [smem:$0x0];
	_ =	sdelay $0x2  }
0xb9: {  	s31 =	sshll.u32 s1, $0xD;
	s1 =	sshrl.u32 s1, $0x2  }
0xba: {  	s3 =	sand.u32 $0x4000, s31;
	s1 =	sadd.s32 s1, s30  }
0xbb: {  	s0 =	sor.u32 s3, s0;
	s1 =	sshll.u32 s1, $0x11  }
0xbc: {  	s0 =	sor.u32 s1, s0  }
0xbd: {  	s0 =	sadd.s32 $0x8F2B, s0  }
0xbe: {  	[sflag:s0] =	ssyncadd.remote.s32 $0x1  }
0xbf: {  	_ =	sfence.sel $0xFFFF  }
0xc0: {  	[dreg:$0x0] =	wrdreg $0xFFFFFFFF;
	(pc) =	sbr.abs _section_cstart, $3  }
0xc1: {  	[dreg:$0x1] =	wrdreg $0xFFFFFFFF  }
0xc2: {  	_ =	task.clear_ibuf [dreg:s7], $0x2FFFF;
	_ =	strace $0x9FFFFFFF  }
0xc3: {  	(tm) =	ssettm $0x7FFFFFFF  }
tec
execute0_lowered:
.L_overlay_start_1:
0x0: {  	(tag) =	ssettag $0x1  }
0x1: {  	s1 =	rddreg [dreg:$0x0]  }
0x2: {  	s6 =	rddreg [dreg:$0x1];
	s0 =	stileid.u32  }
0x3: {  	s2 =	srdreg.scid;
	s3 =	rddreg [dreg:$0x2]  }
0x4: {  	s4 =	simm.s32 $0x0;
	s13 =	simm.s32 $0x13C00;
	s14 =	simm.s32 $0x13D00  }
0x5: {  	s15 =	simm.s32 $0x80;
	s16 =	simm.s32 $0x13E00;
	s17 =	simm.s32 $0x13C80  }
0x6: {  	s18 =	simm.s32 $0x17E00;
	s19 =	simm.s32 $0x1;
	s20 =	simm.s32 $0x2  }
0x7: {  	s21 =	simm.s32 $0x13D80;
	s24 =	simm.s32 $0x0;
	s5 =	smul.u32 $0x278, s0  }
0x8: {  	s7 =	sand.u32 $0x1, s2;
	s2 =	rddreg [dreg:$0x3];
	s9 =	smul.u32 $0x500, s0  }
0x9: {  	[smem:$0x7FF] =	sst s4;
	s10 =	smul.u32 $0x4F000, s0;
	s30 =	sshll.u32 s0, $0x6  }
0xa: {  	p0 =	seq.s32 s0, $0xF;
	s8 =	smul.u32 $0x2710, s7;
	_ =	strace $0x80000047  }
0xb: {  	s29 =	ssub.s32 $0x2, s7;
	s12 =	smul.u32 $0x5000, s7;
	s9 =	sadd.s32 s9, s6  }
0xc: {  	s11 =	sshrl.u32 s29, $0x1;
	s10 =	sshrl.u32 s10, $0x2;
	s5 =	sadd.s32 s5, s8  }
0xd: {  	s11 =	ssub.s32 s29, s11;
	s23 =	sadd.s32 s10, s3;
	s31 =	sadd.s32 s12, s9  }
0xe: {  	s9 =	sadd.s32 $0x3600, s9;
	s12 =	simm.s32 $0x3;
	s8 =	sshll.u32 s5, $0x4  }
0xf: {  	s5 =	sadd.s32 $0x12600, s6;
	s10 =	sadd.s32 $0x8600, s31;
	s8 =	sadd.s32 s8, s6  }
0x10: {  	s22 =	sshrl.u32 @p0 s23, $0x3;
	s6 =	sor.u32 $0x1C03, s30;
	s7 =	sadd.s32 $0x14E00, s8  }
0x11: {  	s8 =	smax.u32 s11, $0x1;
	s11 =	sshrl.u32 s23, $0x3;
	s23 =	sshrl.u32 @!p0 s23, $0x3  }
.LBB2_1:
0x12: {  	[spmem:s11], [sflag:s6] =	dma.local [hbm:s5], $0x2780  }
0x13: {  	_ =	swait.ge [sflag:s12], $0x2780  }
0x14: {  	[sflag:s12] =	ssyncset.done $0x0  }
0x15: {  	[sflag:s12] =	ssyncadd.s32 $0xFFFFD880  }
0x16: {  	s25 =	sadd.s32 $0x0, s10;
	[bflag:$0x0] =	sbarrier.arrive $0xFFFF  }
0x17: {  	[tilespmem:s13], [sflag:$0x3] =	stream.linear.gather [hbm4b:s25+s4], $0x100, $0x38;
	[tilespmem:$0x1BE00] =	vst v63  }
0x18: {  	_ =	swait.ge [sflag:s12], $0x100  }
0x19: {  	[sflag:s12] =	ssyncset.done $0x0  }
0x1a: {  	s31 =	sadd.s32 $0x0, s9;
	[sflag:s12] =	ssyncadd.s32 $0xFFFFFF00  }
0x1b: {  	[tilespmem:s14], [sflag:$0x3] =	stream.linear.gather [hbm4b:s31+s4], $0x100, $0x38;
	[tilespmem:$0x1BE00] =	vst v63  }
0x1c: {  	_ =	swait.ge [sflag:s12], $0x100  }
0x1d: {  	[sflag:s12] =	ssyncset.done $0x0  }
0x1e: {  	[sflag:s12] =	ssyncadd.s32 $0xFFFFFF00  }
0x1f: {  	[tilespmem:s16], [sflag:$0x1] =	stream.indirect.gather [hbm4b:s1+s15], $0x80, s13, s15, $0xb8;
	[tilespmem:$0x1BE00] =	vst v63  }
0x20: {  	_ = 	snop  }
0x21: {  	[tilespmem:s18], [sflag:$0x2] =	stream.indirect.gather [hbm4b:s1+s15], $0x80, s17, s15, $0xb8;
	[tilespmem:$0x1BE00] =	vst v63  }
0x22: {  	_ =	swait.ge [sflag:s19], $0x4000  }
0x23: {  	[sflag:s19] =	ssyncset.done $0x0  }
0x24: {  	[sflag:s19] =	ssyncadd.s32 $0xFFFFC000  }
0x25: {  	[spmem:s3] =	stream.indirect.scatter.add.f32 [tilespmem:s16], [sflag:$0x3], $0x80, s14, s15, $0xb8;
	[tilespmem:$0x1BE00] =	vst v63  }
0x26: {  	_ =	swait.ge [sflag:s12], $0x4000  }
0x27: {  	[sflag:s12] =	ssyncset.done $0x0  }
0x28: {  	[sflag:s12] =	ssyncadd.s32 $0xFFFFC000  }
0x29: {  	_ =	swait.ge [sflag:s20], $0x4000  }
0x2a: {  	[sflag:s20] =	ssyncset.done $0x0  }
0x2b: {  	[sflag:s20] =	ssyncadd.s32 $0xFFFFC000  }
0x2c: {  	[spmem:s3] =	stream.indirect.scatter.add.f32 [tilespmem:s18], [sflag:$0x3], $0x80, s21, s15, $0xb8;
	[tilespmem:$0x1BE00] =	vst v63  }
0x2d: {  	_ =	swait.ge [sflag:s12], $0x4000  }
0x2e: {  	s26 =	simm.s32 $0x40;
	s25 =	simm.s32 $0x20;
	[sflag:s12] =	ssyncset.done $0x0  }
.LBB2_2:
0x2f: {  	s28 =	sadd.s32 s25, s10  }
0x30: {  	[sflag:s12] =	ssyncadd.s32 $0xFFFFC000;
	s29 =	smov.u32 s26;
	s30 =	sadd.s32 $0x20, s26  }
0x31: {  	[tilespmem:s13], [sflag:$0x3] =	stream.linear.gather [hbm4b:s28+s4], $0x100, $0x38;
	[tilespmem:$0x1BE00] =	vst v63  }
0x32: {  	p1 =	sne.s32 s26, $0x4E0;
	_ =	swait.ge [sflag:s12], $0x100  }
0x33: {  	[sflag:s12] =	ssyncset.done $0x0  }
0x34: {  	s26 =	sadd.s32 s25, s9;
	s25 =	smov.u32 s29;
	[sflag:s12] =	ssyncadd.s32 $0xFFFFFF00  }
0x35: {  	[tilespmem:s14], [sflag:$0x3] =	stream.linear.gather [hbm4b:s26+s4], $0x100, $0x38;
	[tilespmem:$0x1BE00] =	vst v63  }
0x36: {  	_ =	swait.ge [sflag:s12], $0x100  }
0x37: {  	[sflag:s12] =	ssyncset.done $0x0  }
0x38: {  	[sflag:s12] =	ssyncadd.s32 $0xFFFFFF00  }
0x39: {  	[tilespmem:s16], [sflag:$0x1] =	stream.indirect.gather [hbm4b:s1+s15], $0x80, s13, s15, $0xb8;
	[tilespmem:$0x1BE00] =	vst v63  }
0x3a: {  	_ = 	snop  }
0x3b: {  	[tilespmem:s18], [sflag:$0x2] =	stream.indirect.gather [hbm4b:s1+s15], $0x80, s17, s15, $0xb8;
	[tilespmem:$0x1BE00] =	vst v63  }
0x3c: {  	_ =	swait.ge [sflag:s19], $0x4000  }
0x3d: {  	[sflag:s19] =	ssyncset.done $0x0  }
0x3e: {  	[sflag:s19] =	ssyncadd.s32 $0xFFFFC000  }
0x3f: {  	[spmem:s3] =	stream.indirect.scatter.add.f32 [tilespmem:s16], [sflag:$0x3], $0x80, s14, s15, $0xb8;
	[tilespmem:$0x1BE00] =	vst v63  }
0x40: {  	_ =	swait.ge [sflag:s12], $0x4000  }
0x41: {  	[sflag:s12] =	ssyncset.done $0x0  }
0x42: {  	[sflag:s12] =	ssyncadd.s32 $0xFFFFC000  }
0x43: {  	_ =	swait.ge [sflag:s20], $0x4000  }
.Ltmp0:
0x44: {  	[sflag:s20] =	ssyncset.done $0x0;
	(pc) =	sbr.rel @p1 .LBB2_2-.Ltmp0, $4  }
0x45: {  	[sflag:s20] =	ssyncadd.s32 $0xFFFFC000  }
0x46: {  	[spmem:s3] =	stream.indirect.scatter.add.f32 [tilespmem:s18], [sflag:$0x3], $0x80, s21, s15, $0xb8;
	[tilespmem:$0x1BE00] =	vst v63  }
0x47: {  	_ =	swait.ge [sflag:s12], $0x4000  }
0x48: {  	s26 =	smov.u32 s30;
	[sflag:s12] =	ssyncset.done $0x0  }
0x49: {  	s26 =	sadd.s32 s25, s10;
	[sflag:s12] =	ssyncadd.s32 $0xFFFFC000  }
0x4a: {  	[tilespmem:s13], [sflag:$0x3] =	stream.linear.gather [hbm4b:s26+s4], $0x100, $0x38;
	[tilespmem:$0x1BE00] =	vst v63  }
0x4b: {  	_ =	swait.ge [sflag:s12], $0x100  }
0x4c: {  	[sflag:s12] =	ssyncset.done $0x0  }
0x4d: {  	s31 =	sadd.s32 s25, s9;
	[sflag:s12] =	ssyncadd.s32 $0xFFFFFF00  }
0x4e: {  	[tilespmem:s14], [sflag:$0x3] =	stream.linear.gather [hbm4b:s31+s4], $0x100, $0x38;
	[tilespmem:$0x1BE00] =	vst v63  }
0x4f: {  	_ =	swait.ge [sflag:s12], $0x100  }
0x50: {  	[sflag:s12] =	ssyncset.done $0x0  }
0x51: {  	[sflag:s12] =	ssyncadd.s32 $0xFFFFFF00  }
0x52: {  	[tilespmem:s16], [sflag:$0x1] =	stream.indirect.gather [hbm4b:s1+s15], $0x80, s13, s15, $0xb8;
	[tilespmem:$0x1BE00] =	vst v63  }
0x53: {  	_ = 	snop  }
0x54: {  	[tilespmem:s18], [sflag:$0x2] =	stream.indirect.gather [hbm4b:s1+s15], $0x80, s17, s15, $0xb8;
	[tilespmem:$0x1BE00] =	vst v63  }
0x55: {  	_ =	swait.ge [sflag:s19], $0x4000  }
0x56: {  	[sflag:s19] =	ssyncset.done $0x0  }
0x57: {  	[sflag:s19] =	ssyncadd.s32 $0xFFFFC000  }
0x58: {  	[spmem:s3] =	stream.indirect.scatter.add.f32 [tilespmem:s16], [sflag:$0x3], $0x80, s14, s15, $0xb8;
	[tilespmem:$0x1BE00] =	vst v63  }
0x59: {  	_ =	swait.ge [sflag:s12], $0x4000  }
0x5a: {  	[sflag:s12] =	ssyncset.done $0x0  }
0x5b: {  	[sflag:s12] =	ssyncadd.s32 $0xFFFFC000  }
0x5c: {  	_ =	swait.ge [sflag:s20], $0x4000  }
0x5d: {  	[sflag:s20] =	ssyncset.done $0x0  }
0x5e: {  	[sflag:s20] =	ssyncadd.s32 $0xFFFFC000  }
0x5f: {  	[spmem:s3] =	stream.indirect.scatter.add.f32 [tilespmem:s18], [sflag:$0x3], $0x80, s21, s15, $0xb8;
	[tilespmem:$0x1BE00] =	vst v63  }
0x60: {  	_ =	swait.ge [sflag:s12], $0x4000  }
0x61: {  	[sflag:s12] =	ssyncset.done $0x0  }
0x62: {  	[sflag:s12] =	ssyncadd.s32 $0xFFFFC000  }
0x63: {  	s25 =	simm.s32 @p0 $0x3;
	[bflag:$0x0] =	sbarrier.arrive $0xFFFF  }
0x64: {  	[hbm:s7], [sflag:s6] =	dma.local @p0 [spmem:s22], $0x2080  }
0x65: {  	s24 =	sadd.s32 $0x1, s24;
	_ =	swait.ge @p0 [sflag:s25], $0x2080  }
0x66: {  	p1 =	sne.s32 s24, s8;
	[sflag:s25] =	ssyncset.done @p0 $0x0  }
.Ltmp1:
0x67: {  	[sflag:s25] =	ssyncadd.s32 @p0 $0xFFFFDF80;
	s25 =	simm.s32 @!p0 $0x3;
	(pc) =	sbr.rel @p1 .LBB2_1-.Ltmp1, $4  }
0x68: {  	[hbm:s7], [sflag:s6] =	dma.local @!p0 [spmem:s23], $0x2780  }
0x69: {  	_ =	swait.ge @!p0 [sflag:s25], $0x2780  }
0x6a: {  	[sflag:s25] =	ssyncset.done @!p0 $0x0  }
0x6b: {  	[sflag:s25] =	ssyncadd.s32 @!p0 $0xFFFFD880  }
0x6c: {  	_ =	sfence.sel $0x180000  }
0x6d: {  	[bflag:$0x0] =	sbarrier.arrive $0xFFFF  }
0x6e: {  	p0 =	sne.s32 s0, $0x0;
	_ =	strace $0x90000047  }
0x6f: {  	s0 =	sadd.s32 @!p0 $0x100000, s2;
	[bflag:$0x2] =	sbarrier.arrive $0xFFFF  }
0x70: {  	[sflag:s0] =	ssyncadd.tile.s32 @!p0 $0x1;
	_ =	shalt  }
.Lfunc_end2:
_tile_overlayer_lowered:
.L_overlay_start_2:
0x71: {  	(tag) =	ssettag $0x2  }
0x72: {  	s0 =	rddreg [dreg:$0x0];
	s2 =	stileid.u32  }
0x73: {  	s1 =	rddreg [dreg:$0x1];
	p0 =	sne.s32 s2, $0x0  }
0x74: {  	s3 =	rddreg [dreg:$0x2];
	[bflag:$0x3] =	sbarrier.arrive $0xFFFF;
	s2 =	simm.s32 @!p0 $0x1C03  }
0x75: {  	[timem:s3], [sflag:s2] =	dma.local @!p0 [hbm:s0], s1  }
0x76: {  	s0 =	simm.s32 @!p0 $0x3  }
0x77: {  	_ =	swait.ge @!p0 [sflag:s0], s1  }
0x78: {  	s1 =	ssub.s32 @!p0 $0x0, s1;
	[sflag:s0] =	ssyncset.done @!p0 $0x0  }
0x79: {  	[sflag:s0] =	ssyncadd.s32 @!p0 s1  }
0x7a: {  	[bflag:$0x3] =	sbarrier.arrive $0xFFFF  }
0x7b: {  	_ =	shalt  }

// kernel: kernel.18.cloned.1.call-start
scs
__scs_entry_jumppad:
0x0: {  	(pc) =	sbr.rel $0x88, $3  }
0x1: {  	(tag) =	ssettag $0x0;
	lr =	simm.s32 $0x1  }
0x2: {  	[smem:$0x3F92] =	sst lr;
	_ =	strace $0xD0000000  }
0x3: {  	_ = 	snop  }
0x4: {  	_ = 	snop  }
0x5: {  	_ = 	snop  }
0x6: {  	_ = 	snop  }
0x7: {  	_ = 	snop  }
__scs_overlays_trampoline_lowered:
0x8: {  	[smem:$0x3FA1] =	sst s0  }
0x9: {  	[smem:$0x3FA2] =	sst s1  }
0xa: {  	[smem:$0x3FA3] =	sst s2  }
0xb: {  	[smem:$0x3FA4] =	sst s3  }
0xc: {  	[smem:$0x3FA5] =	sst s4  }
0xd: {  	[smem:$0x3FA6] =	sst s5  }
0xe: {  	[smem:$0x3FA7] =	sst s6  }
0xf: {  	[smem:$0x3FA8] =	sst s7  }
0x10: {  	[smem:$0x3FA9] =	sst s8  }
0x11: {  	[smem:$0x3FAA] =	sst s9;
	s0 =	simm.s32 @!p0 $0x0  }
0x12: {  	s1 =	sld [smem:$0x3F90];
	s0 =	simm.s32 @p0 $0x1  }
0x13: {  	[smem:$0x3FAB] =	sst s0;
	s0 =	simm.s32 @!p1 $0x0  }
0x14: {  	s2 =	sld [smem:$0x3F8F];
	s0 =	simm.s32 @p1 $0x1  }
0x15: {  	[smem:$0x3FAC] =	sst s0;
	s0 =	simm.s32 @!p2 $0x0  }
0x16: {  	s3 =	sld [smem:$0x3FDB];
	s0 =	simm.s32 @p2 $0x1  }
0x17: {  	s4 =	simm.s32 $0x1BF5;
	[smem:$0x3FAE] =	sst s0  }
0x18: {  	s0 =	sld [smem:$0x3F91];
	_ =	swait.ge [sflag:s4], $0x0  }
0x19: {  	s7 =	sld [smem:$0x3F92]  }
0x1a: {  	s8 =	sadd.s32 $0xFFFFE003, lr  }
0x1b: {  	s9 =	sadd.s32 $0xFFFFFEF7, lr;
	s5 =	simm.s32 $0xFFFFFFFF;
	p2 =	slt.u32 s8, $0xFFFFF086  }
0x1c: {  	p1 =	slt.u32 s9, $0xF7A;
	s5 =	simm.s32 @!p2 $0x0  }
0x1d: {  	s5 =	simm.s32 @p1 $0x1;
	p0 =	seq.s32 s7, s2  }
0x1e: {  	s7 =	smul.u32 @!p0 $0xF7A, s2;
	p2 =	seq.s32 @!p0 s5, $0x0  }
0x1f: {  	s9 =	smul.u32 $0xF7A, s1;
	s8 =	simm.s32 @!p0 $0x1BF5;
	p2 =	por !p2, p0  }
0x20: {  	[sflag:s8] =	ssyncset.s32 @!p0 $0xFFFFF086;
	s6 =	sadd.s32 @!p0 s3, s7;
	s7 =	simm.s32 @!p0 $0x108  }
0x21: {  	s3 =	sadd.s32 s3, s9;
	s6 =	sadd.s32 @!p0 $0x88, s6;
	s7 =	simm.s32 @p2 $0x1082  }
0x22: {  	[simem:s7], [sflag:s8] =	dma.local @!p0 [hbm:s6], $0xF7A  }
0x23: {  	s9 =	sor.u32 $0xD0000000, s2;
	s6 =	simm.s32 $0x108;
	_ =	swait.ge @!p0 [sflag:s8], $0x0  }
0x24: {  	s3 =	sadd.s32 $0x88, s3;
	s6 =	simm.s32 @!p1 $0x1082;
	[sflag:s4] =	ssyncset.s32 $0xFFFFF086  }
0x25: {  	[simem:s6], [sflag:s4] =	dma.local [hbm:s3], $0xF7A  }
0x26: {  	[smem:$0x3F92] =	sst s1;
	(tag) =	ssettag s2;
	_ =	strace s9  }
0x27: {  	s1 =	sld [smem:$0x3FA2]  }
0x28: {  	s2 =	sld [smem:$0x3FA3]  }
0x29: {  	s4 =	sld [smem:$0x3FA5]  }
0x2a: {  	p0 =	seq.s32 s5, $0x0;
	s5 =	sld [smem:$0x3FA6]  }
0x2b: {  	s6 =	sld [smem:$0x3FA7]  }
0x2c: {  	s7 =	sld [smem:$0x3FA8]  }
0x2d: {  	s3 =	simm.s32 $0x108;
	s8 =	sld [smem:$0x3FA9]  }
0x2e: {  	s3 =	simm.s32 @!p0 $0x1082;
	s9 =	sld [smem:$0x3FAA]  }
0x2f: {  	lr =	sadd.s32 s0, s3;
	s0 =	sld [smem:$0x3FA1]  }
0x30: {  	s3 =	sld [smem:$0x3FA4]  }
0x31: {  	[smem:$0x3FAD] =	sst s10  }
0x32: {  	s10 =	sld [smem:$0x3FAB];
	_ =	sdelay $0x3  }
0x33: {  	p0 =	seq.s32 s10, $0x1;
	s10 =	sld [smem:$0x3FAD];
	_ =	sdelay $0x3  }
0x34: {  	[smem:$0x3FAD] =	sst s10  }
0x35: {  	s10 =	sld [smem:$0x3FAC];
	_ =	sdelay $0x3  }
0x36: {  	p1 =	seq.s32 s10, $0x1;
	s10 =	sld [smem:$0x3FAD];
	_ =	sdelay $0x3  }
0x37: {  	[smem:$0x3FAD] =	sst s10  }
0x38: {  	s10 =	sld [smem:$0x3FAE]  }
0x39: {  	_ = 	snop;
	(pc) =	sbr.ind lr, $3  }
0x3a: {  	_ = 	snop  }
0x3b: {  	_ = 	snop  }
0x3c: {  	p2 =	seq.s32 s10, $0x1;
	s10 =	sld [smem:$0x3FAD]  }
0x3d: {  	_ =	shalt  }
0x3e: {  	_ =	shalt  }
0x3f: {  	_ =	shalt  }
0x40: {  	_ =	shalt  }
0x41: {  	_ =	shalt  }
0x42: {  	_ =	shalt  }
0x43: {  	_ =	shalt  }
0x44: {  	_ =	shalt  }
0x45: {  	_ =	shalt  }
0x46: {  	_ =	shalt  }
0x47: {  	_ =	shalt  }
0x48: {  	_ =	shalt  }
0x49: {  	_ =	shalt  }
0x4a: {  	_ =	shalt  }
0x4b: {  	_ =	shalt  }
0x4c: {  	_ =	shalt  }
0x4d: {  	_ =	shalt  }
0x4e: {  	_ =	shalt  }
0x4f: {  	_ =	shalt  }
0x50: {  	_ =	shalt  }
0x51: {  	_ =	shalt  }
0x52: {  	_ =	shalt  }
0x53: {  	_ =	shalt  }
0x54: {  	_ =	shalt  }
0x55: {  	_ =	shalt  }
0x56: {  	_ =	shalt  }
0x57: {  	_ =	shalt  }
0x58: {  	_ =	shalt  }
0x59: {  	_ =	shalt  }
0x5a: {  	_ =	shalt  }
0x5b: {  	_ =	shalt  }
0x5c: {  	_ =	shalt  }
0x5d: {  	_ =	shalt  }
0x5e: {  	_ =	shalt  }
0x5f: {  	_ =	shalt  }
0x60: {  	_ =	shalt  }
0x61: {  	_ =	shalt  }
0x62: {  	_ =	shalt  }
0x63: {  	_ =	shalt  }
0x64: {  	_ =	shalt  }
0x65: {  	_ =	shalt  }
0x66: {  	_ =	shalt  }
0x67: {  	_ =	shalt  }
0x68: {  	_ =	shalt  }
0x69: {  	_ =	shalt  }
0x6a: {  	_ =	shalt  }
0x6b: {  	_ =	shalt  }
0x6c: {  	_ =	shalt  }
0x6d: {  	_ =	shalt  }
0x6e: {  	_ =	shalt  }
0x6f: {  	_ =	shalt  }
0x70: {  	_ =	shalt  }
0x71: {  	_ =	shalt  }
0x72: {  	_ =	shalt  }
0x73: {  	_ =	shalt  }
0x74: {  	_ =	shalt  }
0x75: {  	_ =	shalt  }
0x76: {  	_ =	shalt  }
0x77: {  	_ =	shalt  }
0x78: {  	_ =	shalt  }
0x79: {  	_ =	shalt  }
0x7a: {  	_ =	shalt  }
0x7b: {  	_ =	shalt  }
0x7c: {  	_ =	shalt  }
0x7d: {  	_ =	shalt  }
0x7e: {  	_ =	shalt  }
0x7f: {  	_ =	shalt  }
0x80: {  	_ =	shalt  }
0x81: {  	_ =	shalt  }
0x82: {  	_ =	shalt  }
0x83: {  	_ =	shalt  }
0x84: {  	_ =	shalt  }
0x85: {  	_ =	shalt  }
0x86: {  	_ =	shalt  }
0x87: {  	_ =	shalt  }
.Lfunc_end0:
.L_simem_size_0:
called_computation.3_lowered:
.L_overlay_start_0:
0x88: {  	s2 =	sld [smem:$0x3FD9]  }
0x89: {  	s3 =	sld [smem:$0x3FFE];
	_ =	sdelay $0x1  }
0x8a: {  	s1 =	srdreg.scid  }
0x8b: {  	s0 =	sand.u32 $0x1, s1  }
0x8c: {  	s16 =	sshll.u32 s0, $0xA;
	s2 =	sadd.s32 s3, s2  }
0x8d: {  	s2 =	sadd.s32 s2, s16  }
0x8e: {  	[smem:$0x3FB9] =	sst s2  }
0x8f: {  	_ = 	snop  }
0x90: {  	(tm) =	ssettm $0x1  }
0x91: {  	s17 =	sld [smem:$0x3FFB];
	_ =	sdelay $0x3  }
0x92: {  	_ =	strace s17  }
0x93: {  	s2 =	sld [smem:$0x3FFC];
	_ =	sdelay $0x3  }
0x94: {  	_ =	strace s2  }
0x95: {  	s2 =	sld [smem:$0x3FFD];
	_ =	sdelay $0x3  }
0x96: {  	_ =	strace s2  }
0x97: {  	_ =	strace $0x8FFFFFFF  }
0x98: {  	s18 =	sld [smem:$0x3FDB];
	_ =	sdelay $0x1  }
0x99: {  	s19 =	simm.s32 $_scs_section_size  }
0x9a: {  	s4 =	simm.s32 $_size__tile_overlayer_lowered;
	s5 =	simm.s32 $_tile_overlayer_lowered  }
0x9b: {  	s22 =	simm.s32 $0x1BFF;
	s21 =	sshll.u32 s5, $0x1;
	s2 =	sadd.s32 s19, s18  }
0x9c: {  	s6 =	simm.s32 $0x0;
	s20 =	sshll.u32 s4, $0x1;
	s4 =	sadd.s32 s21, s2  }
0x9d: {  	[timem:s6], [sflag:s22] =	dma.local [hbm:s4], s20  }
0x9e: {  	_ =	swait.ge [sflag:s22], s20  }
0x9f: {  	s3 =	ssub.s32 $0x0, s20;
	[sflag:s22] =	ssyncset.done $0x0  }
0xa0: {  	[sflag:s22] =	ssyncadd.s32 s3;
	_ =	sdelay $0x1  }
0xa1: {  	s23 =	simm.s32 $0x1B8B  }
0xa2: {  	_ =	swait.ge [sflag:s23], $0x1  }
0xa3: {  	[sflag:s23] =	ssyncset.done $0x0  }
0xa4: {  	s25 =	simm.s32 $0x1B8E;
	s24 =	sld [smem:$0x3FFE];
	[sflag:s23] =	ssyncadd.s32 $0xFFFFFFFF  }
0xa5: {  	s26 =	simm.s32 $execute0_lowered;
	[smem:$0x3FD2] =	sst s25  }
0xa6: {  	s4 =	sshll.u32 s26, $0x1;
	_ =	strace $0x8000004F;
	[dreg:$0x1] =	wrdreg $0xFFFFFFFF  }
0xa7: {  	s28 =	simm.s32 $_size_execute0_lowered;
	s2 =	sadd.s32 s2, s4;
	[dreg:$0x0] =	wrdreg $0x0  }
0xa8: {  	s4 =	sshll.u32 s28, $0x1;
	[dreg:$0x2] =	wrdreg s2  }
0xa9: {  	[dreg:$0x3] =	wrdreg s4  }
0xaa: {  	[dreg:$0x4] =	wrdreg $0xC0  }
0xab: {  	_ =	task [dreg:s6], $0x5FFFF  }
0xac: {  	[dreg:$0x1] =	wrdreg $0xFFFFFFFF  }
0xad: {  	[dreg:$0x0] =	wrdreg $0x60  }
0xae: {  	[dreg:$0x2] =	wrdreg s24  }
0xaf: {  	[dreg:$0x3] =	wrdreg $0x0  }
0xb0: {  	[dreg:$0x4] =	wrdreg $0x9  }
0xb1: {  	_ =	task.clear_ibuf [dreg:s6], $0x5FFFF;
	_ =	strace $0x9000004F  }
0xb2: {  	s29 =	simm.s32 $0x9;
	_ =	strace $0x80000051  }
0xb3: {  	_ =	swait.ge [sflag:s29], $0x1  }
0xb4: {  	[sflag:s29] =	ssyncadd.s32 $0xFFFFFFFF  }
0xb5: {  	_ =	strace $0x90000051  }
0xb6: {  	_ =	sfence  }
0xb7: {  	s30 =	sld [smem:$0x0];
	_ =	sdelay $0x2  }
0xb8: {  	s31 =	sshll.u32 s1, $0xD;
	s1 =	sshrl.u32 s1, $0x2  }
0xb9: {  	s3 =	sand.u32 $0x4000, s31;
	s1 =	sadd.s32 s1, s30  }
0xba: {  	s0 =	sor.u32 s3, s0;
	s1 =	sshll.u32 s1, $0x11  }
0xbb: {  	s0 =	sor.u32 s1, s0  }
0xbc: {  	s0 =	sadd.s32 $0x8F2B, s0  }
0xbd: {  	[sflag:s0] =	ssyncadd.remote.s32 $0x1  }
0xbe: {  	_ =	sfence.sel $0xFFFF  }
0xbf: {  	[dreg:$0x0] =	wrdreg $0xFFFFFFFF;
	(pc) =	sbr.abs _section_cstart, $3  }
0xc0: {  	[dreg:$0x1] =	wrdreg $0xFFFFFFFF  }
0xc1: {  	_ =	task.clear_ibuf [dreg:s6], $0x2FFFF;
	_ =	strace $0x9FFFFFFF  }
0xc2: {  	(tm) =	ssettm $0x7FFFFFFF  }
0xc3: {  	_ =	shalt  }
tec
execute0_lowered:
.L_overlay_start_1:
0x0: {  	(tag) =	ssettag $0x1  }
0x1: {  	s6 =	rddreg [dreg:$0x0];
	s0 =	stileid.u32  }
0x2: {  	s1 =	srdreg.scid;
	s2 =	rddreg [dreg:$0x1];
	s3 =	simm.s32 $0x0  }
0x3: {  	s13 =	simm.s32 $0x13C00;
	s14 =	simm.s32 $0x13D00;
	s15 =	simm.s32 $0x80  }
0x4: {  	s16 =	simm.s32 $0x13E00;
	s17 =	simm.s32 $0x13C80;
	s18 =	simm.s32 $0x17E00  }
0x5: {  	s19 =	simm.s32 $0x1;
	s20 =	simm.s32 $0x2;
	s21 =	simm.s32 $0x13D80  }
0x6: {  	s7 =	sand.u32 $0x1, s1;
	s5 =	smul.u32 $0x278, s0;
	s1 =	rddreg [dreg:$0x2]  }
0x7: {  	s24 =	simm.s32 $0x0;
	[smem:$0x7FF] =	sst s3;
	s9 =	smul.u32 $0x500, s0  }
0x8: {  	s4 =	sadd.s32 $0x14E00, s6;
	s10 =	smul.u32 $0x4F000, s0;
	s30 =	sshll.u32 s0, $0x6  }
0x9: {  	p0 =	seq.s32 s0, $0xF;
	s8 =	smul.u32 $0x2710, s7;
	_ =	strace $0x80000050  }
0xa: {  	s29 =	ssub.s32 $0x2, s7;
	s12 =	smul.u32 $0x5000, s7;
	s9 =	sadd.s32 s9, s6  }
0xb: {  	s11 =	sshrl.u32 s29, $0x1;
	s10 =	sshrl.u32 s10, $0x2;
	s5 =	sadd.s32 s5, s8  }
0xc: {  	s11 =	ssub.s32 s29, s11;
	s23 =	sadd.s32 s10, s2;
	s31 =	sadd.s32 s12, s9  }
0xd: {  	s9 =	sadd.s32 $0x63000, s9;
	s12 =	simm.s32 $0x3;
	s8 =	sshll.u32 s5, $0x4  }
0xe: {  	s5 =	sadd.s32 $0x12600, s6;
	s10 =	sadd.s32 $0x68000, s31;
	s8 =	sadd.s32 s8, s6  }
0xf: {  	s22 =	sshrl.u32 @p0 s23, $0x3;
	s6 =	sor.u32 $0x1C03, s30;
	s7 =	sadd.s32 $0x118C00, s8  }
0x10: {  	s8 =	smax.u32 s11, $0x1;
	s11 =	sshrl.u32 s23, $0x3;
	s23 =	sshrl.u32 @!p0 s23, $0x3  }
.LBB2_1:
0x11: {  	[spmem:s11], [sflag:s6] =	dma.local [hbm:s5], $0x2780  }
0x12: {  	_ =	swait.ge [sflag:s12], $0x2780  }
0x13: {  	[sflag:s12] =	ssyncset.done $0x0  }
0x14: {  	[sflag:s12] =	ssyncadd.s32 $0xFFFFD880  }
0x15: {  	s25 =	sadd.s32 $0x0, s10;
	[bflag:$0x0] =	sbarrier.arrive $0xFFFF  }
0x16: {  	[tilespmem:s13], [sflag:$0x3] =	stream.linear.gather [hbm4b:s25+s3], $0x100, $0x38;
	[tilespmem:$0x1BE00] =	vst v63  }
0x17: {  	_ =	swait.ge [sflag:s12], $0x100  }
0x18: {  	[sflag:s12] =	ssyncset.done $0x0  }
0x19: {  	s31 =	sadd.s32 $0x0, s9;
	[sflag:s12] =	ssyncadd.s32 $0xFFFFFF00  }
0x1a: {  	[tilespmem:s14], [sflag:$0x3] =	stream.linear.gather [hbm4b:s31+s3], $0x100, $0x38;
	[tilespmem:$0x1BE00] =	vst v63  }
0x1b: {  	_ =	swait.ge [sflag:s12], $0x100  }
0x1c: {  	[sflag:s12] =	ssyncset.done $0x0  }
0x1d: {  	[sflag:s12] =	ssyncadd.s32 $0xFFFFFF00  }
0x1e: {  	[tilespmem:s16], [sflag:$0x1] =	stream.indirect.gather [hbm4b:s4+s15], $0x80, s13, s15, $0xb8;
	[tilespmem:$0x1BE00] =	vst v63  }
0x1f: {  	_ = 	snop  }
0x20: {  	[tilespmem:s18], [sflag:$0x2] =	stream.indirect.gather [hbm4b:s4+s15], $0x80, s17, s15, $0xb8;
	[tilespmem:$0x1BE00] =	vst v63  }
0x21: {  	_ =	swait.ge [sflag:s19], $0x4000  }
0x22: {  	[sflag:s19] =	ssyncset.done $0x0  }
0x23: {  	[sflag:s19] =	ssyncadd.s32 $0xFFFFC000  }
0x24: {  	[spmem:s2] =	stream.indirect.scatter.add.f32 [tilespmem:s16], [sflag:$0x3], $0x80, s14, s15, $0xb8;
	[tilespmem:$0x1BE00] =	vst v63  }
0x25: {  	_ =	swait.ge [sflag:s12], $0x4000  }
0x26: {  	[sflag:s12] =	ssyncset.done $0x0  }
0x27: {  	[sflag:s12] =	ssyncadd.s32 $0xFFFFC000  }
0x28: {  	_ =	swait.ge [sflag:s20], $0x4000  }
0x29: {  	[sflag:s20] =	ssyncset.done $0x0  }
0x2a: {  	[sflag:s20] =	ssyncadd.s32 $0xFFFFC000  }
0x2b: {  	[spmem:s2] =	stream.indirect.scatter.add.f32 [tilespmem:s18], [sflag:$0x3], $0x80, s21, s15, $0xb8;
	[tilespmem:$0x1BE00] =	vst v63  }
0x2c: {  	_ =	swait.ge [sflag:s12], $0x4000  }
0x2d: {  	s26 =	simm.s32 $0x40;
	s25 =	simm.s32 $0x20;
	[sflag:s12] =	ssyncset.done $0x0  }
.LBB2_2:
0x2e: {  	s28 =	sadd.s32 s25, s10  }
0x2f: {  	[sflag:s12] =	ssyncadd.s32 $0xFFFFC000;
	s29 =	smov.u32 s26;
	s30 =	sadd.s32 $0x20, s26  }
0x30: {  	[tilespmem:s13], [sflag:$0x3] =	stream.linear.gather [hbm4b:s28+s3], $0x100, $0x38;
	[tilespmem:$0x1BE00] =	vst v63  }
0x31: {  	p1 =	sne.s32 s26, $0x4E0;
	_ =	swait.ge [sflag:s12], $0x100  }
0x32: {  	[sflag:s12] =	ssyncset.done $0x0  }
0x33: {  	s26 =	sadd.s32 s25, s9;
	s25 =	smov.u32 s29;
	[sflag:s12] =	ssyncadd.s32 $0xFFFFFF00  }
0x34: {  	[tilespmem:s14], [sflag:$0x3] =	stream.linear.gather [hbm4b:s26+s3], $0x100, $0x38;
	[tilespmem:$0x1BE00] =	vst v63  }
0x35: {  	_ =	swait.ge [sflag:s12], $0x100  }
0x36: {  	[sflag:s12] =	ssyncset.done $0x0  }
0x37: {  	[sflag:s12] =	ssyncadd.s32 $0xFFFFFF00  }
0x38: {  	[tilespmem:s16], [sflag:$0x1] =	stream.indirect.gather [hbm4b:s4+s15], $0x80, s13, s15, $0xb8;
	[tilespmem:$0x1BE00] =	vst v63  }
0x39: {  	_ = 	snop  }
0x3a: {  	[tilespmem:s18], [sflag:$0x2] =	stream.indirect.gather [hbm4b:s4+s15], $0x80, s17, s15, $0xb8;
	[tilespmem:$0x1BE00] =	vst v63  }
0x3b: {  	_ =	swait.ge [sflag:s19], $0x4000  }
0x3c: {  	[sflag:s19] =	ssyncset.done $0x0  }
0x3d: {  	[sflag:s19] =	ssyncadd.s32 $0xFFFFC000  }
0x3e: {  	[spmem:s2] =	stream.indirect.scatter.add.f32 [tilespmem:s16], [sflag:$0x3], $0x80, s14, s15, $0xb8;
	[tilespmem:$0x1BE00] =	vst v63  }
0x3f: {  	_ =	swait.ge [sflag:s12], $0x4000  }
0x40: {  	[sflag:s12] =	ssyncset.done $0x0  }
0x41: {  	[sflag:s12] =	ssyncadd.s32 $0xFFFFC000  }
0x42: {  	_ =	swait.ge [sflag:s20], $0x4000  }
.Ltmp0:
0x43: {  	[sflag:s20] =	ssyncset.done $0x0;
	(pc) =	sbr.rel @p1 .LBB2_2-.Ltmp0, $4  }
0x44: {  	[sflag:s20] =	ssyncadd.s32 $0xFFFFC000  }
0x45: {  	[spmem:s2] =	stream.indirect.scatter.add.f32 [tilespmem:s18], [sflag:$0x3], $0x80, s21, s15, $0xb8;
	[tilespmem:$0x1BE00] =	vst v63  }
0x46: {  	_ =	swait.ge [sflag:s12], $0x4000  }
0x47: {  	s26 =	smov.u32 s30;
	[sflag:s12] =	ssyncset.done $0x0  }
0x48: {  	s26 =	sadd.s32 s25, s10;
	[sflag:s12] =	ssyncadd.s32 $0xFFFFC000  }
0x49: {  	[tilespmem:s13], [sflag:$0x3] =	stream.linear.gather [hbm4b:s26+s3], $0x100, $0x38;
	[tilespmem:$0x1BE00] =	vst v63  }
0x4a: {  	_ =	swait.ge [sflag:s12], $0x100  }
0x4b: {  	[sflag:s12] =	ssyncset.done $0x0  }
0x4c: {  	s31 =	sadd.s32 s25, s9;
	[sflag:s12] =	ssyncadd.s32 $0xFFFFFF00  }
0x4d: {  	[tilespmem:s14], [sflag:$0x3] =	stream.linear.gather [hbm4b:s31+s3], $0x100, $0x38;
	[tilespmem:$0x1BE00] =	vst v63  }
0x4e: {  	_ =	swait.ge [sflag:s12], $0x100  }
0x4f: {  	[sflag:s12] =	ssyncset.done $0x0  }
0x50: {  	[sflag:s12] =	ssyncadd.s32 $0xFFFFFF00  }
0x51: {  	[tilespmem:s16], [sflag:$0x1] =	stream.indirect.gather [hbm4b:s4+s15], $0x80, s13, s15, $0xb8;
	[tilespmem:$0x1BE00] =	vst v63  }
0x52: {  	_ = 	snop  }
0x53: {  	[tilespmem:s18], [sflag:$0x2] =	stream.indirect.gather [hbm4b:s4+s15], $0x80, s17, s15, $0xb8;
	[tilespmem:$0x1BE00] =	vst v63  }
0x54: {  	_ =	swait.ge [sflag:s19], $0x4000  }
0x55: {  	[sflag:s19] =	ssyncset.done $0x0  }
0x56: {  	[sflag:s19] =	ssyncadd.s32 $0xFFFFC000  }
0x57: {  	[spmem:s2] =	stream.indirect.scatter.add.f32 [tilespmem:s16], [sflag:$0x3], $0x80, s14, s15, $0xb8;
	[tilespmem:$0x1BE00] =	vst v63  }
0x58: {  	_ =	swait.ge [sflag:s12], $0x4000  }
0x59: {  	[sflag:s12] =	ssyncset.done $0x0  }
0x5a: {  	[sflag:s12] =	ssyncadd.s32 $0xFFFFC000  }
0x5b: {  	_ =	swait.ge [sflag:s20], $0x4000  }
0x5c: {  	[sflag:s20] =	ssyncset.done $0x0  }
0x5d: {  	[sflag:s20] =	ssyncadd.s32 $0xFFFFC000  }
0x5e: {  	[spmem:s2] =	stream.indirect.scatter.add.f32 [tilespmem:s18], [sflag:$0x3], $0x80, s21, s15, $0xb8;
	[tilespmem:$0x1BE00] =	vst v63  }
0x5f: {  	_ =	swait.ge [sflag:s12], $0x4000  }
0x60: {  	[sflag:s12] =	ssyncset.done $0x0  }
0x61: {  	[sflag:s12] =	ssyncadd.s32 $0xFFFFC000  }
0x62: {  	s25 =	simm.s32 @p0 $0x3;
	[bflag:$0x0] =	sbarrier.arrive $0xFFFF  }
0x63: {  	[hbm:s7], [sflag:s6] =	dma.local @p0 [spmem:s22], $0x2080  }
0x64: {  	s24 =	sadd.s32 $0x1, s24;
	_ =	swait.ge @p0 [sflag:s25], $0x2080  }
0x65: {  	p1 =	sne.s32 s24, s8;
	[sflag:s25] =	ssyncset.done @p0 $0x0  }
.Ltmp1:
0x66: {  	[sflag:s25] =	ssyncadd.s32 @p0 $0xFFFFDF80;
	s25 =	simm.s32 @!p0 $0x3;
	(pc) =	sbr.rel @p1 .LBB2_1-.Ltmp1, $4  }
0x67: {  	[hbm:s7], [sflag:s6] =	dma.local @!p0 [spmem:s23], $0x2780  }
0x68: {  	_ =	swait.ge @!p0 [sflag:s25], $0x2780  }
0x69: {  	[sflag:s25] =	ssyncset.done @!p0 $0x0  }
0x6a: {  	[sflag:s25] =	ssyncadd.s32 @!p0 $0xFFFFD880  }
0x6b: {  	_ =	sfence.sel $0x180000  }
0x6c: {  	[bflag:$0x0] =	sbarrier.arrive $0xFFFF  }
0x6d: {  	p0 =	sne.s32 s0, $0x0;
	_ =	strace $0x90000050  }
0x6e: {  	s0 =	sadd.s32 @!p0 $0x100000, s1;
	[bflag:$0x2] =	sbarrier.arrive $0xFFFF  }
0x6f: {  	[sflag:s0] =	ssyncadd.tile.s32 @!p0 $0x1;
	_ =	shalt  }
.Lfunc_end2:
_tile_overlayer_lowered:
.L_overlay_start_2:
0x70: {  	(tag) =	ssettag $0x2  }
0x71: {  	s0 =	rddreg [dreg:$0x0];
	s2 =	stileid.u32  }
0x72: {  	s1 =	rddreg [dreg:$0x1];
	p0 =	sne.s32 s2, $0x0  }
0x73: {  	s3 =	rddreg [dreg:$0x2];
	[bflag:$0x3] =	sbarrier.arrive $0xFFFF;
	s2 =	simm.s32 @!p0 $0x1C03  }
0x74: {  	[timem:s3], [sflag:s2] =	dma.local @!p0 [hbm:s0], s1  }
0x75: {  	s0 =	simm.s32 @!p0 $0x3  }
0x76: {  	_ =	swait.ge @!p0 [sflag:s0], s1  }
0x77: {  	s1 =	ssub.s32 @!p0 $0x0, s1;
	[sflag:s0] =	ssyncset.done @!p0 $0x0  }
0x78: {  	[sflag:s0] =	ssyncadd.s32 @!p0 s1  }
0x79: {  	[bflag:$0x3] =	sbarrier.arrive $0xFFFF  }
0x7a: {  	_ =	shalt  }

// kernel: kernel.21.cloned.1.call-start
scs
__scs_entry_jumppad:
0x0: {  	(pc) =	sbr.rel $0x88, $3  }
0x1: {  	(tag) =	ssettag $0x0;
	lr =	simm.s32 $0x1  }
0x2: {  	[smem:$0x3F92] =	sst lr;
	_ =	strace $0xD0000000  }
0x3: {  	_ = 	snop  }
0x4: {  	_ = 	snop  }
0x5: {  	_ = 	snop  }
0x6: {  	_ = 	snop  }
0x7: {  	_ = 	snop  }
__scs_overlays_trampoline_lowered:
0x8: {  	[smem:$0x3FA1] =	sst s0  }
0x9: {  	[smem:$0x3FA2] =	sst s1  }
0xa: {  	[smem:$0x3FA3] =	sst s2  }
0xb: {  	[smem:$0x3FA4] =	sst s3  }
0xc: {  	[smem:$0x3FA5] =	sst s4  }
0xd: {  	[smem:$0x3FA6] =	sst s5  }
0xe: {  	[smem:$0x3FA7] =	sst s6  }
0xf: {  	[smem:$0x3FA8] =	sst s7  }
0x10: {  	[smem:$0x3FA9] =	sst s8  }
0x11: {  	[smem:$0x3FAA] =	sst s9;
	s0 =	simm.s32 @!p0 $0x0  }
0x12: {  	s1 =	sld [smem:$0x3F90];
	s0 =	simm.s32 @p0 $0x1  }
0x13: {  	[smem:$0x3FAB] =	sst s0;
	s0 =	simm.s32 @!p1 $0x0  }
0x14: {  	s2 =	sld [smem:$0x3F8F];
	s0 =	simm.s32 @p1 $0x1  }
0x15: {  	[smem:$0x3FAC] =	sst s0;
	s0 =	simm.s32 @!p2 $0x0  }
0x16: {  	s3 =	sld [smem:$0x3FDB];
	s0 =	simm.s32 @p2 $0x1  }
0x17: {  	s4 =	simm.s32 $0x1BF5;
	[smem:$0x3FAE] =	sst s0  }
0x18: {  	s0 =	sld [smem:$0x3F91];
	_ =	swait.ge [sflag:s4], $0x0  }
0x19: {  	s7 =	sld [smem:$0x3F92]  }
0x1a: {  	s8 =	sadd.s32 $0xFFFFE003, lr  }
0x1b: {  	s9 =	sadd.s32 $0xFFFFFEF7, lr;
	s5 =	simm.s32 $0xFFFFFFFF;
	p2 =	slt.u32 s8, $0xFFFFF086  }
0x1c: {  	p1 =	slt.u32 s9, $0xF7A;
	s5 =	simm.s32 @!p2 $0x0  }
0x1d: {  	s5 =	simm.s32 @p1 $0x1;
	p0 =	seq.s32 s7, s2  }
0x1e: {  	s7 =	smul.u32 @!p0 $0xF7A, s2;
	p2 =	seq.s32 @!p0 s5, $0x0  }
0x1f: {  	s9 =	smul.u32 $0xF7A, s1;
	s8 =	simm.s32 @!p0 $0x1BF5;
	p2 =	por !p2, p0  }
0x20: {  	[sflag:s8] =	ssyncset.s32 @!p0 $0xFFFFF086;
	s6 =	sadd.s32 @!p0 s3, s7;
	s7 =	simm.s32 @!p0 $0x108  }
0x21: {  	s3 =	sadd.s32 s3, s9;
	s6 =	sadd.s32 @!p0 $0x88, s6;
	s7 =	simm.s32 @p2 $0x1082  }
0x22: {  	[simem:s7], [sflag:s8] =	dma.local @!p0 [hbm:s6], $0xF7A  }
0x23: {  	s9 =	sor.u32 $0xD0000000, s2;
	s6 =	simm.s32 $0x108;
	_ =	swait.ge @!p0 [sflag:s8], $0x0  }
0x24: {  	s3 =	sadd.s32 $0x88, s3;
	s6 =	simm.s32 @!p1 $0x1082;
	[sflag:s4] =	ssyncset.s32 $0xFFFFF086  }
0x25: {  	[simem:s6], [sflag:s4] =	dma.local [hbm:s3], $0xF7A  }
0x26: {  	[smem:$0x3F92] =	sst s1;
	(tag) =	ssettag s2;
	_ =	strace s9  }
0x27: {  	s1 =	sld [smem:$0x3FA2]  }
0x28: {  	s2 =	sld [smem:$0x3FA3]  }
0x29: {  	s4 =	sld [smem:$0x3FA5]  }
0x2a: {  	p0 =	seq.s32 s5, $0x0;
	s5 =	sld [smem:$0x3FA6]  }
0x2b: {  	s6 =	sld [smem:$0x3FA7]  }
0x2c: {  	s7 =	sld [smem:$0x3FA8]  }
0x2d: {  	s3 =	simm.s32 $0x108;
	s8 =	sld [smem:$0x3FA9]  }
0x2e: {  	s3 =	simm.s32 @!p0 $0x1082;
	s9 =	sld [smem:$0x3FAA]  }
0x2f: {  	lr =	sadd.s32 s0, s3;
	s0 =	sld [smem:$0x3FA1]  }
0x30: {  	s3 =	sld [smem:$0x3FA4]  }
0x31: {  	[smem:$0x3FAD] =	sst s10  }
0x32: {  	s10 =	sld [smem:$0x3FAB];
	_ =	sdelay $0x3  }
0x33: {  	p0 =	seq.s32 s10, $0x1;
	s10 =	sld [smem:$0x3FAD];
	_ =	sdelay $0x3  }
0x34: {  	[smem:$0x3FAD] =	sst s10  }
0x35: {  	s10 =	sld [smem:$0x3FAC];
	_ =	sdelay $0x3  }
0x36: {  	p1 =	seq.s32 s10, $0x1;
	s10 =	sld [smem:$0x3FAD];
	_ =	sdelay $0x3  }
0x37: {  	[smem:$0x3FAD] =	sst s10  }
0x38: {  	s10 =	sld [smem:$0x3FAE]  }
0x39: {  	_ = 	snop;
	(pc) =	sbr.ind lr, $3  }
0x3a: {  	_ = 	snop  }
0x3b: {  	_ = 	snop  }
0x3c: {  	p2 =	seq.s32 s10, $0x1;
	s10 =	sld [smem:$0x3FAD]  }
0x3d: {  	_ =	shalt  }
0x3e: {  	_ =	shalt  }
0x3f: {  	_ =	shalt  }
0x40: {  	_ =	shalt  }
0x41: {  	_ =	shalt  }
0x42: {  	_ =	shalt  }
0x43: {  	_ =	shalt  }
0x44: {  	_ =	shalt  }
0x45: {  	_ =	shalt  }
0x46: {  	_ =	shalt  }
0x47: {  	_ =	shalt  }
0x48: {  	_ =	shalt  }
0x49: {  	_ =	shalt  }
0x4a: {  	_ =	shalt  }
0x4b: {  	_ =	shalt  }
0x4c: {  	_ =	shalt  }
0x4d: {  	_ =	shalt  }
0x4e: {  	_ =	shalt  }
0x4f: {  	_ =	shalt  }
0x50: {  	_ =	shalt  }
0x51: {  	_ =	shalt  }
0x52: {  	_ =	shalt  }
0x53: {  	_ =	shalt  }
0x54: {  	_ =	shalt  }
0x55: {  	_ =	shalt  }
0x56: {  	_ =	shalt  }
0x57: {  	_ =	shalt  }
0x58: {  	_ =	shalt  }
0x59: {  	_ =	shalt  }
0x5a: {  	_ =	shalt  }
0x5b: {  	_ =	shalt  }
0x5c: {  	_ =	shalt  }
0x5d: {  	_ =	shalt  }
0x5e: {  	_ =	shalt  }
0x5f: {  	_ =	shalt  }
0x60: {  	_ =	shalt  }
0x61: {  	_ =	shalt  }
0x62: {  	_ =	shalt  }
0x63: {  	_ =	shalt  }
0x64: {  	_ =	shalt  }
0x65: {  	_ =	shalt  }
0x66: {  	_ =	shalt  }
0x67: {  	_ =	shalt  }
0x68: {  	_ =	shalt  }
0x69: {  	_ =	shalt  }
0x6a: {  	_ =	shalt  }
0x6b: {  	_ =	shalt  }
0x6c: {  	_ =	shalt  }
0x6d: {  	_ =	shalt  }
0x6e: {  	_ =	shalt  }
0x6f: {  	_ =	shalt  }
0x70: {  	_ =	shalt  }
0x71: {  	_ =	shalt  }
0x72: {  	_ =	shalt  }
0x73: {  	_ =	shalt  }
0x74: {  	_ =	shalt  }
0x75: {  	_ =	shalt  }
0x76: {  	_ =	shalt  }
0x77: {  	_ =	shalt  }
0x78: {  	_ =	shalt  }
0x79: {  	_ =	shalt  }
0x7a: {  	_ =	shalt  }
0x7b: {  	_ =	shalt  }
0x7c: {  	_ =	shalt  }
0x7d: {  	_ =	shalt  }
0x7e: {  	_ =	shalt  }
0x7f: {  	_ =	shalt  }
0x80: {  	_ =	shalt  }
0x81: {  	_ =	shalt  }
0x82: {  	_ =	shalt  }
0x83: {  	_ =	shalt  }
0x84: {  	_ =	shalt  }
0x85: {  	_ =	shalt  }
0x86: {  	_ =	shalt  }
0x87: {  	_ =	shalt  }
.Lfunc_end0:
.L_simem_size_0:
called_computation.4_lowered:
.L_overlay_start_0:
0x88: {  	s2 =	sld [smem:$0x3FD9]  }
0x89: {  	s3 =	sld [smem:$0x3FFE];
	_ =	sdelay $0x1  }
0x8a: {  	s1 =	srdreg.scid  }
0x8b: {  	s0 =	sand.u32 $0x1, s1  }
0x8c: {  	s17 =	sshll.u32 s0, $0xA;
	s2 =	sadd.s32 s3, s2  }
0x8d: {  	s2 =	sadd.s32 s2, s17  }
0x8e: {  	[smem:$0x3FB9] =	sst s2  }
0x8f: {  	_ = 	snop  }
0x90: {  	(tm) =	ssettm $0x1  }
0x91: {  	s18 =	sld [smem:$0x3FFB];
	_ =	sdelay $0x3  }
0x92: {  	_ =	strace s18  }
0x93: {  	s2 =	sld [smem:$0x3FFC];
	_ =	sdelay $0x3  }
0x94: {  	_ =	strace s2  }
0x95: {  	s2 =	sld [smem:$0x3FFD];
	_ =	sdelay $0x3  }
0x96: {  	_ =	strace s2  }
0x97: {  	_ =	strace $0x8FFFFFFF  }
0x98: {  	s19 =	sld [smem:$0x3FDB];
	_ =	sdelay $0x1  }
0x99: {  	s20 =	simm.s32 $_scs_section_size  }
0x9a: {  	s4 =	simm.s32 $_size__tile_overlayer_lowered;
	s5 =	simm.s32 $_tile_overlayer_lowered  }
0x9b: {  	s6 =	simm.s32 $0x1BFF;
	s21 =	sshll.u32 s5, $0x1;
	s3 =	sadd.s32 s20, s19  }
0x9c: {  	s22 =	simm.s32 $0x0;
	s4 =	sshll.u32 s4, $0x1;
	s5 =	sadd.s32 s21, s3  }
0x9d: {  	[timem:s22], [sflag:s6] =	dma.local [hbm:s5], s4  }
0x9e: {  	_ =	swait.ge [sflag:s6], s4  }
0x9f: {  	s4 =	ssub.s32 $0x0, s4;
	[sflag:s6] =	ssyncset.done $0x0  }
0xa0: {  	[sflag:s6] =	ssyncadd.s32 s4;
	_ =	sdelay $0x1  }
0xa1: {  	s23 =	simm.s32 $0x1B8B  }
0xa2: {  	_ =	swait.ge [sflag:s23], $0x1  }
0xa3: {  	[sflag:s23] =	ssyncset.done $0x0  }
0xa4: {  	[sflag:s23] =	ssyncadd.s32 $0xFFFFFFFF  }
0xa5: {  	s4 =	sld [smem:$0x0]  }
0xa6: {  	s5 =	sand.u32 $0xFFFFFFFE, s1  }
0xa7: {  	p0 =	sne.s32 s1, s5  }
0xa8: {  	s5 =	sshll.u32 @p0 s5, $0xE  }
0xa9: {  	s5 =	sadd.s32 @p0 $0x11B8D, s5;
	s6 =	sshll.u32 @p0 s4, $0x11  }
0xaa: {  	s5 =	sor.u32 @p0 s6, s5  }
0xab: {  	[sflag:s5] =	ssyncadd.remote.s32 @p0 $0x1;
	_ =	sdelay $0x1  }
0xac: {  	s5 =	simm.s32 @p0 $0x1B8D  }
0xad: {  	_ =	swait.eq @p0 [sflag:s5], $0x1  }
0xae: {  	[sflag:s5] =	ssyncadd.s32 @p0 $0xFFFFFFFF  }
0xaf: {  	s6 =	sshll.u32 @!p0 s1, $0xE  }
0xb0: {  	s6 =	sor.u32 @!p0 $0x4000, s6;
	s5 =	simm.s32 @!p0 $0x1B8D  }
0xb1: {  	s4 =	sshll.u32 @!p0 s4, $0x11;
	s6 =	sadd.s32 @!p0 $0x11B8D, s6;
	_ =	swait.eq @!p0 [sflag:s5], $0x1  }
0xb2: {  	s4 =	sor.u32 @!p0 s4, s6;
	[sflag:s5] =	ssyncadd.s32 @!p0 $0xFFFFFFFF  }
0xb3: {  	s25 =	simm.s32 $0x1B8E;
	s24 =	sld [smem:$0x3FFE];
	[sflag:s4] =	ssyncadd.remote.s32 @!p0 $0x1  }
0xb4: {  	s26 =	simm.s32 $execute0_lowered;
	[smem:$0x3FD2] =	sst s25  }
0xb5: {  	s5 =	sshll.u32 s26, $0x1;
	_ =	strace $0x80000052;
	[dreg:$0x1] =	wrdreg $0xFFFFFFFF  }
0xb6: {  	s28 =	simm.s32 $_size_execute0_lowered;
	s3 =	sadd.s32 s3, s5;
	[dreg:$0x0] =	wrdreg $0x0  }
0xb7: {  	s5 =	sshll.u32 s28, $0x1;
	[dreg:$0x2] =	wrdreg s3  }
0xb8: {  	[dreg:$0x3] =	wrdreg s5  }
0xb9: {  	[dreg:$0x4] =	wrdreg $0xC0  }
0xba: {  	_ =	task [dreg:s22], $0x5FFFF  }
0xbb: {  	[dreg:$0x1] =	wrdreg $0xFFFFFFFF  }
0xbc: {  	[dreg:$0x0] =	wrdreg $0x60  }
0xbd: {  	[dreg:$0x2] =	wrdreg s24  }
0xbe: {  	[dreg:$0x3] =	wrdreg $0x0  }
0xbf: {  	[dreg:$0x4] =	wrdreg $0xA  }
0xc0: {  	_ =	task.clear_ibuf [dreg:s22], $0x5FFFF;
	_ =	strace $0x90000052  }
0xc1: {  	s29 =	simm.s32 $0xA;
	_ =	strace $0x80000054  }
0xc2: {  	_ =	swait.ge [sflag:s29], $0x1  }
0xc3: {  	[sflag:s29] =	ssyncadd.s32 $0xFFFFFFFF  }
0xc4: {  	_ =	strace $0x90000054  }
0xc5: {  	_ =	sfence  }
0xc6: {  	s30 =	sld [smem:$0x0];
	_ =	sdelay $0x2  }
0xc7: {  	s31 =	sshll.u32 s1, $0xD;
	s1 =	sshrl.u32 s1, $0x2  }
0xc8: {  	s4 =	sand.u32 $0x4000, s31;
	s1 =	sadd.s32 s1, s30  }
0xc9: {  	s0 =	sor.u32 s4, s0;
	s1 =	sshll.u32 s1, $0x11  }
0xca: {  	s0 =	sor.u32 s1, s0  }
0xcb: {  	s0 =	sadd.s32 $0x8F2B, s0  }
0xcc: {  	[sflag:s0] =	ssyncadd.remote.s32 $0x1  }
0xcd: {  	_ =	sfence.sel $0xFFFF  }
0xce: {  	[dreg:$0x0] =	wrdreg $0xFFFFFFFF;
	(pc) =	sbr.abs _section_cstart, $3  }
0xcf: {  	[dreg:$0x1] =	wrdreg $0xFFFFFFFF  }
0xd0: {  	_ =	task.clear_ibuf [dreg:s22], $0x2FFFF;
	_ =	strace $0x9FFFFFFF  }
0xd1: {  	(tm) =	ssettm $0x7FFFFFFF  }
tec
execute0_lowered:
.L_overlay_start_1:
0x0: {  	(tag) =	ssettag $0x1  }
0x1: {  	s6 =	rddreg [dreg:$0x0];
	s0 =	stileid.u32  }
0x2: {  	s1 =	srdreg.scid;
	s2 =	rddreg [dreg:$0x1];
	s3 =	simm.s32 $0x0  }
0x3: {  	s13 =	simm.s32 $0x13C00;
	s14 =	simm.s32 $0x13D00;
	s15 =	simm.s32 $0x80  }
0x4: {  	s16 =	simm.s32 $0x13E00;
	s17 =	simm.s32 $0x13C80;
	s18 =	simm.s32 $0x17E00  }
0x5: {  	s19 =	simm.s32 $0x1;
	s20 =	simm.s32 $0x2;
	s21 =	simm.s32 $0x13D80  }
0x6: {  	s7 =	sand.u32 $0x1, s1;
	s5 =	smul.u32 $0x278, s0;
	s1 =	rddreg [dreg:$0x2]  }
0x7: {  	s24 =	simm.s32 $0x0;
	[smem:$0x7FF] =	sst s3;
	s9 =	smul.u32 $0x500, s0  }
0x8: {  	s4 =	sadd.s32 $0x72000, s6;
	s10 =	smul.u32 $0x4F000, s0;
	s30 =	sshll.u32 s0, $0x6  }
0x9: {  	p0 =	seq.s32 s0, $0xF;
	s8 =	smul.u32 $0x2710, s7;
	_ =	strace $0x80000053  }
0xa: {  	s29 =	ssub.s32 $0x2, s7;
	s12 =	smul.u32 $0x5000, s7;
	s9 =	sadd.s32 s9, s6  }
0xb: {  	s11 =	sshrl.u32 s29, $0x1;
	s10 =	sshrl.u32 s10, $0x2;
	s5 =	sadd.s32 s5, s8  }
0xc: {  	s11 =	ssub.s32 s29, s11;
	s23 =	sadd.s32 s10, s2;
	s31 =	sadd.s32 s12, s9  }
0xd: {  	s9 =	sadd.s32 $0x3600, s9;
	s12 =	simm.s32 $0x3;
	s8 =	sshll.u32 s5, $0x4  }
0xe: {  	s5 =	sadd.s32 $0x12600, s6;
	s10 =	sadd.s32 $0x8600, s31;
	s8 =	sadd.s32 s8, s6  }
0xf: {  	s22 =	sshrl.u32 @p0 s23, $0x3;
	s6 =	sor.u32 $0x1C03, s30;
	s7 =	sadd.s32 $0x166E00, s8  }
0x10: {  	s8 =	smax.u32 s11, $0x1;
	s11 =	sshrl.u32 s23, $0x3;
	s23 =	sshrl.u32 @!p0 s23, $0x3  }
.LBB2_1:
0x11: {  	[spmem:s11], [sflag:s6] =	dma.local [hbm:s5], $0x2780  }
0x12: {  	_ =	swait.ge [sflag:s12], $0x2780  }
0x13: {  	[sflag:s12] =	ssyncset.done $0x0  }
0x14: {  	[sflag:s12] =	ssyncadd.s32 $0xFFFFD880  }
0x15: {  	s25 =	sadd.s32 $0x0, s10;
	[bflag:$0x0] =	sbarrier.arrive $0xFFFF  }
0x16: {  	[tilespmem:s13], [sflag:$0x3] =	stream.linear.gather [hbm4b:s25+s3], $0x100, $0x38;
	[tilespmem:$0x1BE00] =	vst v63  }
0x17: {  	_ =	swait.ge [sflag:s12], $0x100  }
0x18: {  	[sflag:s12] =	ssyncset.done $0x0  }
0x19: {  	s31 =	sadd.s32 $0x0, s9;
	[sflag:s12] =	ssyncadd.s32 $0xFFFFFF00  }
0x1a: {  	[tilespmem:s14], [sflag:$0x3] =	stream.linear.gather [hbm4b:s31+s3], $0x100, $0x38;
	[tilespmem:$0x1BE00] =	vst v63  }
0x1b: {  	_ =	swait.ge [sflag:s12], $0x100  }
0x1c: {  	[sflag:s12] =	ssyncset.done $0x0  }
0x1d: {  	[sflag:s12] =	ssyncadd.s32 $0xFFFFFF00  }
0x1e: {  	[tilespmem:s16], [sflag:$0x1] =	stream.indirect.gather [hbm4b:s4+s15], $0x80, s13, s15, $0xb8;
	[tilespmem:$0x1BE00] =	vst v63  }
0x1f: {  	_ = 	snop  }
0x20: {  	[tilespmem:s18], [sflag:$0x2] =	stream.indirect.gather [hbm4b:s4+s15], $0x80, s17, s15, $0xb8;
	[tilespmem:$0x1BE00] =	vst v63  }
0x21: {  	_ =	swait.ge [sflag:s19], $0x4000  }
0x22: {  	[sflag:s19] =	ssyncset.done $0x0  }
0x23: {  	[sflag:s19] =	ssyncadd.s32 $0xFFFFC000  }
0x24: {  	[spmem:s2] =	stream.indirect.scatter.add.f32 [tilespmem:s16], [sflag:$0x3], $0x80, s14, s15, $0xb8;
	[tilespmem:$0x1BE00] =	vst v63  }
0x25: {  	_ =	swait.ge [sflag:s12], $0x4000  }
0x26: {  	[sflag:s12] =	ssyncset.done $0x0  }
0x27: {  	[sflag:s12] =	ssyncadd.s32 $0xFFFFC000  }
0x28: {  	_ =	swait.ge [sflag:s20], $0x4000  }
0x29: {  	[sflag:s20] =	ssyncset.done $0x0  }
0x2a: {  	[sflag:s20] =	ssyncadd.s32 $0xFFFFC000  }
0x2b: {  	[spmem:s2] =	stream.indirect.scatter.add.f32 [tilespmem:s18], [sflag:$0x3], $0x80, s21, s15, $0xb8;
	[tilespmem:$0x1BE00] =	vst v63  }
0x2c: {  	_ =	swait.ge [sflag:s12], $0x4000  }
0x2d: {  	s26 =	simm.s32 $0x40;
	s25 =	simm.s32 $0x20;
	[sflag:s12] =	ssyncset.done $0x0  }
.LBB2_2:
0x2e: {  	s28 =	sadd.s32 s25, s10  }
0x2f: {  	[sflag:s12] =	ssyncadd.s32 $0xFFFFC000;
	s29 =	smov.u32 s26;
	s30 =	sadd.s32 $0x20, s26  }
0x30: {  	[tilespmem:s13], [sflag:$0x3] =	stream.linear.gather [hbm4b:s28+s3], $0x100, $0x38;
	[tilespmem:$0x1BE00] =	vst v63  }
0x31: {  	p1 =	sne.s32 s26, $0x4E0;
	_ =	swait.ge [sflag:s12], $0x100  }
0x32: {  	[sflag:s12] =	ssyncset.done $0x0  }
0x33: {  	s26 =	sadd.s32 s25, s9;
	s25 =	smov.u32 s29;
	[sflag:s12] =	ssyncadd.s32 $0xFFFFFF00  }
0x34: {  	[tilespmem:s14], [sflag:$0x3] =	stream.linear.gather [hbm4b:s26+s3], $0x100, $0x38;
	[tilespmem:$0x1BE00] =	vst v63  }
0x35: {  	_ =	swait.ge [sflag:s12], $0x100  }
0x36: {  	[sflag:s12] =	ssyncset.done $0x0  }
0x37: {  	[sflag:s12] =	ssyncadd.s32 $0xFFFFFF00  }
0x38: {  	[tilespmem:s16], [sflag:$0x1] =	stream.indirect.gather [hbm4b:s4+s15], $0x80, s13, s15, $0xb8;
	[tilespmem:$0x1BE00] =	vst v63  }
0x39: {  	_ = 	snop  }
0x3a: {  	[tilespmem:s18], [sflag:$0x2] =	stream.indirect.gather [hbm4b:s4+s15], $0x80, s17, s15, $0xb8;
	[tilespmem:$0x1BE00] =	vst v63  }
0x3b: {  	_ =	swait.ge [sflag:s19], $0x4000  }
0x3c: {  	[sflag:s19] =	ssyncset.done $0x0  }
0x3d: {  	[sflag:s19] =	ssyncadd.s32 $0xFFFFC000  }
0x3e: {  	[spmem:s2] =	stream.indirect.scatter.add.f32 [tilespmem:s16], [sflag:$0x3], $0x80, s14, s15, $0xb8;
	[tilespmem:$0x1BE00] =	vst v63  }
0x3f: {  	_ =	swait.ge [sflag:s12], $0x4000  }
0x40: {  	[sflag:s12] =	ssyncset.done $0x0  }
0x41: {  	[sflag:s12] =	ssyncadd.s32 $0xFFFFC000  }
0x42: {  	_ =	swait.ge [sflag:s20], $0x4000  }
.Ltmp0:
0x43: {  	[sflag:s20] =	ssyncset.done $0x0;
	(pc) =	sbr.rel @p1 .LBB2_2-.Ltmp0, $4  }
0x44: {  	[sflag:s20] =	ssyncadd.s32 $0xFFFFC000  }
0x45: {  	[spmem:s2] =	stream.indirect.scatter.add.f32 [tilespmem:s18], [sflag:$0x3], $0x80, s21, s15, $0xb8;
	[tilespmem:$0x1BE00] =	vst v63  }
0x46: {  	_ =	swait.ge [sflag:s12], $0x4000  }
0x47: {  	s26 =	smov.u32 s30;
	[sflag:s12] =	ssyncset.done $0x0  }
0x48: {  	s26 =	sadd.s32 s25, s10;
	[sflag:s12] =	ssyncadd.s32 $0xFFFFC000  }
0x49: {  	[tilespmem:s13], [sflag:$0x3] =	stream.linear.gather [hbm4b:s26+s3], $0x100, $0x38;
	[tilespmem:$0x1BE00] =	vst v63  }
0x4a: {  	_ =	swait.ge [sflag:s12], $0x100  }
0x4b: {  	[sflag:s12] =	ssyncset.done $0x0  }
0x4c: {  	s31 =	sadd.s32 s25, s9;
	[sflag:s12] =	ssyncadd.s32 $0xFFFFFF00  }
0x4d: {  	[tilespmem:s14], [sflag:$0x3] =	stream.linear.gather [hbm4b:s31+s3], $0x100, $0x38;
	[tilespmem:$0x1BE00] =	vst v63  }
0x4e: {  	_ =	swait.ge [sflag:s12], $0x100  }
0x4f: {  	[sflag:s12] =	ssyncset.done $0x0  }
0x50: {  	[sflag:s12] =	ssyncadd.s32 $0xFFFFFF00  }
0x51: {  	[tilespmem:s16], [sflag:$0x1] =	stream.indirect.gather [hbm4b:s4+s15], $0x80, s13, s15, $0xb8;
	[tilespmem:$0x1BE00] =	vst v63  }
0x52: {  	_ = 	snop  }
0x53: {  	[tilespmem:s18], [sflag:$0x2] =	stream.indirect.gather [hbm4b:s4+s15], $0x80, s17, s15, $0xb8;
	[tilespmem:$0x1BE00] =	vst v63  }
0x54: {  	_ =	swait.ge [sflag:s19], $0x4000  }
0x55: {  	[sflag:s19] =	ssyncset.done $0x0  }
0x56: {  	[sflag:s19] =	ssyncadd.s32 $0xFFFFC000  }
0x57: {  	[spmem:s2] =	stream.indirect.scatter.add.f32 [tilespmem:s16], [sflag:$0x3], $0x80, s14, s15, $0xb8;
	[tilespmem:$0x1BE00] =	vst v63  }
0x58: {  	_ =	swait.ge [sflag:s12], $0x4000  }
0x59: {  	[sflag:s12] =	ssyncset.done $0x0  }
0x5a: {  	[sflag:s12] =	ssyncadd.s32 $0xFFFFC000  }
0x5b: {  	_ =	swait.ge [sflag:s20], $0x4000  }
0x5c: {  	[sflag:s20] =	ssyncset.done $0x0  }
0x5d: {  	[sflag:s20] =	ssyncadd.s32 $0xFFFFC000  }
0x5e: {  	[spmem:s2] =	stream.indirect.scatter.add.f32 [tilespmem:s18], [sflag:$0x3], $0x80, s21, s15, $0xb8;
	[tilespmem:$0x1BE00] =	vst v63  }
0x5f: {  	_ =	swait.ge [sflag:s12], $0x4000  }
0x60: {  	[sflag:s12] =	ssyncset.done $0x0  }
0x61: {  	[sflag:s12] =	ssyncadd.s32 $0xFFFFC000  }
0x62: {  	s25 =	simm.s32 @p0 $0x3;
	[bflag:$0x0] =	sbarrier.arrive $0xFFFF  }
0x63: {  	[hbm:s7], [sflag:s6] =	dma.local @p0 [spmem:s22], $0x2080  }
0x64: {  	s24 =	sadd.s32 $0x1, s24;
	_ =	swait.ge @p0 [sflag:s25], $0x2080  }
0x65: {  	p1 =	sne.s32 s24, s8;
	[sflag:s25] =	ssyncset.done @p0 $0x0  }
.Ltmp1:
0x66: {  	[sflag:s25] =	ssyncadd.s32 @p0 $0xFFFFDF80;
	s25 =	simm.s32 @!p0 $0x3;
	(pc) =	sbr.rel @p1 .LBB2_1-.Ltmp1, $4  }
0x67: {  	[hbm:s7], [sflag:s6] =	dma.local @!p0 [spmem:s23], $0x2780  }
0x68: {  	_ =	swait.ge @!p0 [sflag:s25], $0x2780  }
0x69: {  	[sflag:s25] =	ssyncset.done @!p0 $0x0  }
0x6a: {  	[sflag:s25] =	ssyncadd.s32 @!p0 $0xFFFFD880  }
0x6b: {  	_ =	sfence.sel $0x180000  }
0x6c: {  	[bflag:$0x0] =	sbarrier.arrive $0xFFFF  }
0x6d: {  	p0 =	sne.s32 s0, $0x0;
	_ =	strace $0x90000053  }
0x6e: {  	s0 =	sadd.s32 @!p0 $0x100000, s1;
	[bflag:$0x2] =	sbarrier.arrive $0xFFFF  }
0x6f: {  	[sflag:s0] =	ssyncadd.tile.s32 @!p0 $0x1;
	_ =	shalt  }
.Lfunc_end2:
_tile_overlayer_lowered:
.L_overlay_start_2:
0x70: {  	(tag) =	ssettag $0x2  }
0x71: {  	s0 =	rddreg [dreg:$0x0];
	s2 =	stileid.u32  }
0x72: {  	s1 =	rddreg [dreg:$0x1];
	p0 =	sne.s32 s2, $0x0  }
0x73: {  	s3 =	rddreg [dreg:$0x2];
	[bflag:$0x3] =	sbarrier.arrive $0xFFFF;
	s2 =	simm.s32 @!p0 $0x1C03  }
0x74: {  	[timem:s3], [sflag:s2] =	dma.local @!p0 [hbm:s0], s1  }
0x75: {  	s0 =	simm.s32 @!p0 $0x3  }
0x76: {  	_ =	swait.ge @!p0 [sflag:s0], s1  }
0x77: {  	s1 =	ssub.s32 @!p0 $0x0, s1;
	[sflag:s0] =	ssyncset.done @!p0 $0x0  }
0x78: {  	[sflag:s0] =	ssyncadd.s32 @!p0 s1  }
0x79: {  	[bflag:$0x3] =	sbarrier.arrive $0xFFFF  }
0x7a: {  	_ =	shalt  }

// kernel: kernel.9.cloned.1.call-start
scs
__scs_entry_jumppad:
0x0: {  	(pc) =	sbr.rel $0x88, $3  }
0x1: {  	(tag) =	ssettag $0x0;
	lr =	simm.s32 $0x1  }
0x2: {  	[smem:$0x3F92] =	sst lr;
	_ =	strace $0xD0000000  }
0x3: {  	_ = 	snop  }
0x4: {  	_ = 	snop  }
0x5: {  	_ = 	snop  }
0x6: {  	_ = 	snop  }
0x7: {  	_ = 	snop  }
__scs_overlays_trampoline_lowered:
0x8: {  	[smem:$0x3FA1] =	sst s0  }
0x9: {  	[smem:$0x3FA2] =	sst s1  }
0xa: {  	[smem:$0x3FA3] =	sst s2  }
0xb: {  	[smem:$0x3FA4] =	sst s3  }
0xc: {  	[smem:$0x3FA5] =	sst s4  }
0xd: {  	[smem:$0x3FA6] =	sst s5  }
0xe: {  	[smem:$0x3FA7] =	sst s6  }
0xf: {  	[smem:$0x3FA8] =	sst s7  }
0x10: {  	[smem:$0x3FA9] =	sst s8  }
0x11: {  	[smem:$0x3FAA] =	sst s9;
	s0 =	simm.s32 @!p0 $0x0  }
0x12: {  	s1 =	sld [smem:$0x3F90];
	s0 =	simm.s32 @p0 $0x1  }
0x13: {  	[smem:$0x3FAB] =	sst s0;
	s0 =	simm.s32 @!p1 $0x0  }
0x14: {  	s2 =	sld [smem:$0x3F8F];
	s0 =	simm.s32 @p1 $0x1  }
0x15: {  	[smem:$0x3FAC] =	sst s0;
	s0 =	simm.s32 @!p2 $0x0  }
0x16: {  	s3 =	sld [smem:$0x3FDB];
	s0 =	simm.s32 @p2 $0x1  }
0x17: {  	s4 =	simm.s32 $0x1BF5;
	[smem:$0x3FAE] =	sst s0  }
0x18: {  	s0 =	sld [smem:$0x3F91];
	_ =	swait.ge [sflag:s4], $0x0  }
0x19: {  	s7 =	sld [smem:$0x3F92]  }
0x1a: {  	s8 =	sadd.s32 $0xFFFFE003, lr  }
0x1b: {  	s9 =	sadd.s32 $0xFFFFFEF7, lr;
	s5 =	simm.s32 $0xFFFFFFFF;
	p2 =	slt.u32 s8, $0xFFFFF086  }
0x1c: {  	p1 =	slt.u32 s9, $0xF7A;
	s5 =	simm.s32 @!p2 $0x0  }
0x1d: {  	s5 =	simm.s32 @p1 $0x1;
	p0 =	seq.s32 s7, s2  }
0x1e: {  	s7 =	smul.u32 @!p0 $0xF7A, s2;
	p2 =	seq.s32 @!p0 s5, $0x0  }
0x1f: {  	s9 =	smul.u32 $0xF7A, s1;
	s8 =	simm.s32 @!p0 $0x1BF5;
	p2 =	por !p2, p0  }
0x20: {  	[sflag:s8] =	ssyncset.s32 @!p0 $0xFFFFF086;
	s6 =	sadd.s32 @!p0 s3, s7;
	s7 =	simm.s32 @!p0 $0x108  }
0x21: {  	s3 =	sadd.s32 s3, s9;
	s6 =	sadd.s32 @!p0 $0x88, s6;
	s7 =	simm.s32 @p2 $0x1082  }
0x22: {  	[simem:s7], [sflag:s8] =	dma.local @!p0 [hbm:s6], $0xF7A  }
0x23: {  	s9 =	sor.u32 $0xD0000000, s2;
	s6 =	simm.s32 $0x108;
	_ =	swait.ge @!p0 [sflag:s8], $0x0  }
0x24: {  	s3 =	sadd.s32 $0x88, s3;
	s6 =	simm.s32 @!p1 $0x1082;
	[sflag:s4] =	ssyncset.s32 $0xFFFFF086  }
0x25: {  	[simem:s6], [sflag:s4] =	dma.local [hbm:s3], $0xF7A  }
0x26: {  	[smem:$0x3F92] =	sst s1;
	(tag) =	ssettag s2;
	_ =	strace s9  }
0x27: {  	s1 =	sld [smem:$0x3FA2]  }
0x28: {  	s2 =	sld [smem:$0x3FA3]  }
0x29: {  	s4 =	sld [smem:$0x3FA5]  }
0x2a: {  	p0 =	seq.s32 s5, $0x0;
	s5 =	sld [smem:$0x3FA6]  }
0x2b: {  	s6 =	sld [smem:$0x3FA7]  }
0x2c: {  	s7 =	sld [smem:$0x3FA8]  }
0x2d: {  	s3 =	simm.s32 $0x108;
	s8 =	sld [smem:$0x3FA9]  }
0x2e: {  	s3 =	simm.s32 @!p0 $0x1082;
	s9 =	sld [smem:$0x3FAA]  }
0x2f: {  	lr =	sadd.s32 s0, s3;
	s0 =	sld [smem:$0x3FA1]  }
0x30: {  	s3 =	sld [smem:$0x3FA4]  }
0x31: {  	[smem:$0x3FAD] =	sst s10  }
0x32: {  	s10 =	sld [smem:$0x3FAB];
	_ =	sdelay $0x3  }
0x33: {  	p0 =	seq.s32 s10, $0x1;
	s10 =	sld [smem:$0x3FAD];
	_ =	sdelay $0x3  }
0x34: {  	[smem:$0x3FAD] =	sst s10  }
0x35: {  	s10 =	sld [smem:$0x3FAC];
	_ =	sdelay $0x3  }
0x36: {  	p1 =	seq.s32 s10, $0x1;
	s10 =	sld [smem:$0x3FAD];
	_ =	sdelay $0x3  }
0x37: {  	[smem:$0x3FAD] =	sst s10  }
0x38: {  	s10 =	sld [smem:$0x3FAE]  }
0x39: {  	_ = 	snop;
	(pc) =	sbr.ind lr, $3  }
0x3a: {  	_ = 	snop  }
0x3b: {  	_ = 	snop  }
0x3c: {  	p2 =	seq.s32 s10, $0x1;
	s10 =	sld [smem:$0x3FAD]  }
0x3d: {  	_ =	shalt  }
0x3e: {  	_ =	shalt  }
0x3f: {  	_ =	shalt  }
0x40: {  	_ =	shalt  }
0x41: {  	_ =	shalt  }
0x42: {  	_ =	shalt  }
0x43: {  	_ =	shalt  }
0x44: {  	_ =	shalt  }
0x45: {  	_ =	shalt  }
0x46: {  	_ =	shalt  }
0x47: {  	_ =	shalt  }
0x48: {  	_ =	shalt  }
0x49: {  	_ =	shalt  }
0x4a: {  	_ =	shalt  }
0x4b: {  	_ =	shalt  }
0x4c: {  	_ =	shalt  }
0x4d: {  	_ =	shalt  }
0x4e: {  	_ =	shalt  }
0x4f: {  	_ =	shalt  }
0x50: {  	_ =	shalt  }
0x51: {  	_ =	shalt  }
0x52: {  	_ =	shalt  }
0x53: {  	_ =	shalt  }
0x54: {  	_ =	shalt  }
0x55: {  	_ =	shalt  }
0x56: {  	_ =	shalt  }
0x57: {  	_ =	shalt  }
0x58: {  	_ =	shalt  }
0x59: {  	_ =	shalt  }
0x5a: {  	_ =	shalt  }
0x5b: {  	_ =	shalt  }
0x5c: {  	_ =	shalt  }
0x5d: {  	_ =	shalt  }
0x5e: {  	_ =	shalt  }
0x5f: {  	_ =	shalt  }
0x60: {  	_ =	shalt  }
0x61: {  	_ =	shalt  }
0x62: {  	_ =	shalt  }
0x63: {  	_ =	shalt  }
0x64: {  	_ =	shalt  }
0x65: {  	_ =	shalt  }
0x66: {  	_ =	shalt  }
0x67: {  	_ =	shalt  }
0x68: {  	_ =	shalt  }
0x69: {  	_ =	shalt  }
0x6a: {  	_ =	shalt  }
0x6b: {  	_ =	shalt  }
0x6c: {  	_ =	shalt  }
0x6d: {  	_ =	shalt  }
0x6e: {  	_ =	shalt  }
0x6f: {  	_ =	shalt  }
0x70: {  	_ =	shalt  }
0x71: {  	_ =	shalt  }
0x72: {  	_ =	shalt  }
0x73: {  	_ =	shalt  }
0x74: {  	_ =	shalt  }
0x75: {  	_ =	shalt  }
0x76: {  	_ =	shalt  }
0x77: {  	_ =	shalt  }
0x78: {  	_ =	shalt  }
0x79: {  	_ =	shalt  }
0x7a: {  	_ =	shalt  }
0x7b: {  	_ =	shalt  }
0x7c: {  	_ =	shalt  }
0x7d: {  	_ =	shalt  }
0x7e: {  	_ =	shalt  }
0x7f: {  	_ =	shalt  }
0x80: {  	_ =	shalt  }
0x81: {  	_ =	shalt  }
0x82: {  	_ =	shalt  }
0x83: {  	_ =	shalt  }
0x84: {  	_ =	shalt  }
0x85: {  	_ =	shalt  }
0x86: {  	_ =	shalt  }
0x87: {  	_ =	shalt  }
.Lfunc_end0:
.L_simem_size_0:
called_computation_lowered:
.L_overlay_start_0:
0x88: {  	s2 =	sld [smem:$0x3FD9]  }
0x89: {  	s3 =	sld [smem:$0x3FFE];
	_ =	sdelay $0x1  }
0x8a: {  	s1 =	srdreg.scid  }
0x8b: {  	s0 =	sand.u32 $0x1, s1  }
0x8c: {  	s17 =	sshll.u32 s0, $0xA;
	s2 =	sadd.s32 s3, s2  }
0x8d: {  	s2 =	sadd.s32 s2, s17  }
0x8e: {  	[smem:$0x3FB9] =	sst s2  }
0x8f: {  	_ = 	snop  }
0x90: {  	(tm) =	ssettm $0x1  }
0x91: {  	s18 =	sld [smem:$0x3FFB];
	_ =	sdelay $0x3  }
0x92: {  	_ =	strace s18  }
0x93: {  	s2 =	sld [smem:$0x3FFC];
	_ =	sdelay $0x3  }
0x94: {  	_ =	strace s2  }
0x95: {  	s2 =	sld [smem:$0x3FFD];
	_ =	sdelay $0x3  }
0x96: {  	_ =	strace s2  }
0x97: {  	_ =	strace $0x8FFFFFFF  }
0x98: {  	s19 =	sld [smem:$0x3FDB];
	_ =	sdelay $0x1  }
0x99: {  	s20 =	simm.s32 $_scs_section_size  }
0x9a: {  	s4 =	simm.s32 $_size__tile_overlayer_lowered;
	s5 =	simm.s32 $_tile_overlayer_lowered  }
0x9b: {  	s6 =	simm.s32 $0x1BFF;
	s21 =	sshll.u32 s5, $0x1;
	s3 =	sadd.s32 s20, s19  }
0x9c: {  	s22 =	simm.s32 $0x0;
	s4 =	sshll.u32 s4, $0x1;
	s5 =	sadd.s32 s21, s3  }
0x9d: {  	[timem:s22], [sflag:s6] =	dma.local [hbm:s5], s4  }
0x9e: {  	_ =	swait.ge [sflag:s6], s4  }
0x9f: {  	s4 =	ssub.s32 $0x0, s4;
	[sflag:s6] =	ssyncset.done $0x0  }
0xa0: {  	[sflag:s6] =	ssyncadd.s32 s4;
	_ =	sdelay $0x1  }
0xa1: {  	s23 =	simm.s32 $0x1B8B  }
0xa2: {  	_ =	swait.ge [sflag:s23], $0x1  }
0xa3: {  	[sflag:s23] =	ssyncset.done $0x0  }
0xa4: {  	[sflag:s23] =	ssyncadd.s32 $0xFFFFFFFF  }
0xa5: {  	s4 =	sld [smem:$0x0]  }
0xa6: {  	s5 =	sand.u32 $0xFFFFFFFE, s1  }
0xa7: {  	p0 =	sne.s32 s1, s5  }
0xa8: {  	s5 =	sshll.u32 @p0 s5, $0xE  }
0xa9: {  	s5 =	sadd.s32 @p0 $0x11B8D, s5;
	s6 =	sshll.u32 @p0 s4, $0x11  }
0xaa: {  	s5 =	sor.u32 @p0 s6, s5  }
0xab: {  	[sflag:s5] =	ssyncadd.remote.s32 @p0 $0x1;
	_ =	sdelay $0x1  }
0xac: {  	s5 =	simm.s32 @p0 $0x1B8D  }
0xad: {  	_ =	swait.eq @p0 [sflag:s5], $0x1  }
0xae: {  	[sflag:s5] =	ssyncadd.s32 @p0 $0xFFFFFFFF  }
0xaf: {  	s6 =	sshll.u32 @!p0 s1, $0xE  }
0xb0: {  	s6 =	sor.u32 @!p0 $0x4000, s6;
	s5 =	simm.s32 @!p0 $0x1B8D  }
0xb1: {  	s4 =	sshll.u32 @!p0 s4, $0x11;
	s6 =	sadd.s32 @!p0 $0x11B8D, s6;
	_ =	swait.eq @!p0 [sflag:s5], $0x1  }
0xb2: {  	s4 =	sor.u32 @!p0 s4, s6;
	[sflag:s5] =	ssyncadd.s32 @!p0 $0xFFFFFFFF  }
0xb3: {  	s25 =	simm.s32 $0x1B8E;
	s24 =	sld [smem:$0x3FFE];
	[sflag:s4] =	ssyncadd.remote.s32 @!p0 $0x1  }
0xb4: {  	s26 =	simm.s32 $execute0_lowered;
	[smem:$0x3FD2] =	sst s25  }
0xb5: {  	s5 =	sshll.u32 s26, $0x1;
	_ =	strace $0x8000004C;
	[dreg:$0x1] =	wrdreg $0xFFFFFFFF  }
0xb6: {  	s28 =	simm.s32 $_size_execute0_lowered;
	s3 =	sadd.s32 s3, s5;
	[dreg:$0x0] =	wrdreg $0x0  }
0xb7: {  	s5 =	sshll.u32 s28, $0x1;
	[dreg:$0x2] =	wrdreg s3  }
0xb8: {  	[dreg:$0x3] =	wrdreg s5  }
0xb9: {  	[dreg:$0x4] =	wrdreg $0xC0  }
0xba: {  	_ =	task [dreg:s22], $0x5FFFF  }
0xbb: {  	[dreg:$0x1] =	wrdreg $0xFFFFFFFF  }
0xbc: {  	[dreg:$0x0] =	wrdreg $0x60  }
0xbd: {  	[dreg:$0x2] =	wrdreg s24  }
0xbe: {  	[dreg:$0x3] =	wrdreg $0x0  }
0xbf: {  	[dreg:$0x4] =	wrdreg $0x9  }
0xc0: {  	_ =	task.clear_ibuf [dreg:s22], $0x5FFFF;
	_ =	strace $0x9000004C  }
0xc1: {  	s29 =	simm.s32 $0x9;
	_ =	strace $0x8000004E  }
0xc2: {  	_ =	swait.ge [sflag:s29], $0x1  }
0xc3: {  	[sflag:s29] =	ssyncadd.s32 $0xFFFFFFFF  }
0xc4: {  	_ =	strace $0x9000004E  }
0xc5: {  	_ =	sfence  }
0xc6: {  	s30 =	sld [smem:$0x0];
	_ =	sdelay $0x2  }
0xc7: {  	s31 =	sshll.u32 s1, $0xD;
	s1 =	sshrl.u32 s1, $0x2  }
0xc8: {  	s4 =	sand.u32 $0x4000, s31;
	s1 =	sadd.s32 s1, s30  }
0xc9: {  	s0 =	sor.u32 s4, s0;
	s1 =	sshll.u32 s1, $0x11  }
0xca: {  	s0 =	sor.u32 s1, s0  }
0xcb: {  	s0 =	sadd.s32 $0x8F2B, s0  }
0xcc: {  	[sflag:s0] =	ssyncadd.remote.s32 $0x1  }
0xcd: {  	_ =	sfence.sel $0xFFFF  }
0xce: {  	[dreg:$0x0] =	wrdreg $0xFFFFFFFF;
	(pc) =	sbr.abs _section_cstart, $3  }
0xcf: {  	[dreg:$0x1] =	wrdreg $0xFFFFFFFF  }
0xd0: {  	_ =	task.clear_ibuf [dreg:s22], $0x2FFFF;
	_ =	strace $0x9FFFFFFF  }
0xd1: {  	(tm) =	ssettm $0x7FFFFFFF  }
tec
execute0_lowered:
.L_overlay_start_1:
0x0: {  	(tag) =	ssettag $0x1  }
0x1: {  	s6 =	rddreg [dreg:$0x0]  }
0x2: {  	s0 =	srdreg.scid;
	s2 =	rddreg [dreg:$0x1]  }
0x3: {  	s1 =	rddreg [dreg:$0x2];
	s7 =	sand.u32 $0x1, s0  }
0x4: {  	s3 =	simm.s32 $0x0;
	s0 =	stileid.u32;
	s4 =	smul.u32 $0x5000, s7  }
0x5: {  	s13 =	simm.s32 $0x13C00;
	s14 =	simm.s32 $0x80;
	s5 =	smul.u32 $0x278, s0  }
0x6: {  	s15 =	simm.s32 $0x13C80;
	[smem:$0x7FF] =	sst s3;
	s8 =	smul.u32 $0x2710, s7  }
0x7: {  	s18 =	simm.s32 $0x0;
	_ =	strace $0x8000004D;
	s10 =	smul.u32 $0x4F000, s0  }
0x8: {  	s30 =	ssub.s32 $0x2, s7;
	s11 =	smul.u32 $0x500, s0;
	s31 =	sshll.u32 s0, $0x6  }
0x9: {  	p0 =	seq.s32 s0, $0xF;
	s7 =	sshrl.u32 s30, $0x1;
	s9 =	sadd.s32 s4, s6  }
0xa: {  	s5 =	sadd.s32 s5, s8;
	s4 =	sadd.s32 $0x12600, s6;
	s10 =	sshrl.u32 s10, $0x2  }
0xb: {  	s12 =	ssub.s32 s30, s7;
	s8 =	sshll.u32 s5, $0x4;
	s5 =	sadd.s32 $0xCA200, s6  }
0xc: {  	s17 =	sadd.s32 s10, s2;
	s9 =	sadd.s32 s11, s9;
	s11 =	simm.s32 $0x1  }
0xd: {  	s8 =	sadd.s32 s8, s6;
	s6 =	sor.u32 $0x1C01, s31;
	s9 =	sadd.s32 $0xC0200, s9  }
0xe: {  	s10 =	sshrl.u32 s17, $0x3;
	s16 =	sshrl.u32 @p0 s17, $0x3;
	s17 =	sshrl.u32 @!p0 s17, $0x3  }
0xf: {  	s7 =	sadd.s32 $0xCAA00, s8;
	s8 =	smax.u32 s12, $0x1;
	s12 =	simm.s32 $0x13D00  }
.LBB2_1:
0x10: {  	[spmem:s10], [sflag:s6] =	dma.local [hbm:s4], $0x2780  }
0x11: {  	_ =	swait.ge [sflag:s11], $0x2780  }
0x12: {  	[sflag:s11] =	ssyncset.done $0x0  }
0x13: {  	[sflag:s11] =	ssyncadd.s32 $0xFFFFD880  }
0x14: {  	[tilespmem:s12], [sflag:$0x1] =	stream.linear.gather [hbm4b:s5+s3], $0x4000, $0x38;
	[tilespmem:$0x17D00] =	vst v63  }
0x15: {  	_ =	swait.ge [sflag:s11], $0x4000  }
0x16: {  	[sflag:s11] =	ssyncset.done $0x0  }
0x17: {  	[sflag:s11] =	ssyncadd.s32 $0xFFFFC000  }
0x18: {  	s19 =	sadd.s32 $0x0, s9;
	[bflag:$0x0] =	sbarrier.arrive $0xFFFF  }
0x19: {  	[tilespmem:s13], [sflag:$0x1] =	stream.linear.gather [hbm4b:s19+s3], $0x100, $0x38;
	[tilespmem:$0x17D00] =	vst v63  }
0x1a: {  	_ =	swait.ge [sflag:s11], $0x100  }
0x1b: {  	[sflag:s11] =	ssyncset.done $0x0  }
0x1c: {  	[sflag:s11] =	ssyncadd.s32 $0xFFFFFF00  }
0x1d: {  	[spmem:s2] =	stream.indirect.scatter.add.f32 [tilespmem:s12], [sflag:$0x1], $0x80, s13, s14, $0xb8;
	[tilespmem:$0x17D00] =	vst v63  }
0x1e: {  	_ =	swait.ge [sflag:s11], $0x4000  }
0x1f: {  	[sflag:s11] =	ssyncset.done $0x0  }
0x20: {  	[sflag:s11] =	ssyncadd.s32 $0xFFFFC000  }
0x21: {  	[spmem:s2] =	stream.indirect.scatter.add.f32 [tilespmem:s12], [sflag:$0x1], $0x80, s15, s14, $0xb8;
	[tilespmem:$0x17D00] =	vst v63  }
0x22: {  	_ =	swait.ge [sflag:s11], $0x4000  }
0x23: {  	s20 =	simm.s32 $0x40;
	s19 =	simm.s32 $0x20;
	[sflag:s11] =	ssyncset.done $0x0  }
.LBB2_2:
0x24: {  	s21 =	sadd.s32 s19, s9  }
0x25: {  	[sflag:s11] =	ssyncadd.s32 $0xFFFFC000;
	s19 =	smov.u32 s20;
	s22 =	sadd.s32 $0x20, s20  }
0x26: {  	[tilespmem:s13], [sflag:$0x1] =	stream.linear.gather [hbm4b:s21+s3], $0x100, $0x38;
	[tilespmem:$0x17D00] =	vst v63  }
0x27: {  	p1 =	sne.s32 s20, $0x4E0;
	_ =	swait.ge [sflag:s11], $0x100  }
0x28: {  	[sflag:s11] =	ssyncset.done $0x0  }
0x29: {  	[sflag:s11] =	ssyncadd.s32 $0xFFFFFF00  }
0x2a: {  	[spmem:s2] =	stream.indirect.scatter.add.f32 [tilespmem:s12], [sflag:$0x1], $0x80, s13, s14, $0xb8;
	[tilespmem:$0x17D00] =	vst v63  }
0x2b: {  	_ =	swait.ge [sflag:s11], $0x4000  }
.Ltmp0:
0x2c: {  	[sflag:s11] =	ssyncset.done $0x0;
	(pc) =	sbr.rel @p1 .LBB2_2-.Ltmp0, $4  }
0x2d: {  	[sflag:s11] =	ssyncadd.s32 $0xFFFFC000  }
0x2e: {  	[spmem:s2] =	stream.indirect.scatter.add.f32 [tilespmem:s12], [sflag:$0x1], $0x80, s15, s14, $0xb8;
	[tilespmem:$0x17D00] =	vst v63  }
0x2f: {  	_ =	swait.ge [sflag:s11], $0x4000  }
0x30: {  	s20 =	smov.u32 s22;
	[sflag:s11] =	ssyncset.done $0x0  }
0x31: {  	s19 =	sadd.s32 s19, s9;
	[sflag:s11] =	ssyncadd.s32 $0xFFFFC000  }
0x32: {  	[tilespmem:s13], [sflag:$0x1] =	stream.linear.gather [hbm4b:s19+s3], $0x100, $0x38;
	[tilespmem:$0x17D00] =	vst v63  }
0x33: {  	_ =	swait.ge [sflag:s11], $0x100  }
0x34: {  	[sflag:s11] =	ssyncset.done $0x0  }
0x35: {  	[sflag:s11] =	ssyncadd.s32 $0xFFFFFF00  }
0x36: {  	[spmem:s2] =	stream.indirect.scatter.add.f32 [tilespmem:s12], [sflag:$0x1], $0x80, s13, s14, $0xb8;
	[tilespmem:$0x17D00] =	vst v63  }
0x37: {  	_ =	swait.ge [sflag:s11], $0x4000  }
0x38: {  	[sflag:s11] =	ssyncset.done $0x0  }
0x39: {  	[sflag:s11] =	ssyncadd.s32 $0xFFFFC000  }
0x3a: {  	[spmem:s2] =	stream.indirect.scatter.add.f32 [tilespmem:s12], [sflag:$0x1], $0x80, s15, s14, $0xb8;
	[tilespmem:$0x17D00] =	vst v63  }
0x3b: {  	_ =	swait.ge [sflag:s11], $0x4000  }
0x3c: {  	[sflag:s11] =	ssyncset.done $0x0  }
0x3d: {  	[sflag:s11] =	ssyncadd.s32 $0xFFFFC000  }
0x3e: {  	s19 =	simm.s32 @p0 $0x1;
	[bflag:$0x0] =	sbarrier.arrive $0xFFFF  }
0x3f: {  	[hbm:s7], [sflag:s6] =	dma.local @p0 [spmem:s16], $0x2080  }
0x40: {  	s18 =	sadd.s32 $0x1, s18;
	_ =	swait.ge @p0 [sflag:s19], $0x2080  }
0x41: {  	p1 =	sne.s32 s18, s8;
	[sflag:s19] =	ssyncset.done @p0 $0x0  }
.Ltmp1:
0x42: {  	[sflag:s19] =	ssyncadd.s32 @p0 $0xFFFFDF80;
	s19 =	simm.s32 @!p0 $0x1;
	(pc) =	sbr.rel @p1 .LBB2_1-.Ltmp1, $4  }
0x43: {  	[hbm:s7], [sflag:s6] =	dma.local @!p0 [spmem:s17], $0x2780  }
0x44: {  	_ =	swait.ge @!p0 [sflag:s19], $0x2780  }
0x45: {  	[sflag:s19] =	ssyncset.done @!p0 $0x0  }
0x46: {  	[sflag:s19] =	ssyncadd.s32 @!p0 $0xFFFFD880  }
0x47: {  	_ =	sfence.sel $0x180000  }
0x48: {  	[bflag:$0x0] =	sbarrier.arrive $0xFFFF  }
0x49: {  	p0 =	sne.s32 s0, $0x0;
	_ =	strace $0x9000004D  }
0x4a: {  	s0 =	sadd.s32 @!p0 $0x100000, s1;
	[bflag:$0x2] =	sbarrier.arrive $0xFFFF  }
0x4b: {  	[sflag:s0] =	ssyncadd.tile.s32 @!p0 $0x1;
	_ =	shalt  }
.Lfunc_end2:
_tile_overlayer_lowered:
.L_overlay_start_2:
0x4c: {  	(tag) =	ssettag $0x2  }
0x4d: {  	s0 =	rddreg [dreg:$0x0];
	s2 =	stileid.u32  }
0x4e: {  	s1 =	rddreg [dreg:$0x1];
	p0 =	sne.s32 s2, $0x0  }
0x4f: {  	s3 =	rddreg [dreg:$0x2];
	[bflag:$0x3] =	sbarrier.arrive $0xFFFF;
	s2 =	simm.s32 @!p0 $0x1C01  }
0x50: {  	[timem:s3], [sflag:s2] =	dma.local @!p0 [hbm:s0], s1  }
0x51: {  	s0 =	simm.s32 @!p0 $0x1  }
0x52: {  	_ =	swait.ge @!p0 [sflag:s0], s1  }
0x53: {  	s1 =	ssub.s32 @!p0 $0x0, s1;
	[sflag:s0] =	ssyncset.done @!p0 $0x0  }
0x54: {  	[sflag:s0] =	ssyncadd.s32 @!p0 s1  }
0x55: {  	[bflag:$0x3] =	sbarrier.arrive $0xFFFF  }
0x56: {  	_ =	shalt  }

</sc_bundles>
